<compile_context>
chip_gen: v7x
topology: tpu7x:2x2x1
jax: 0.10.2.dev20260603
libtpu: 0.0.44.dev20260713+nightly
codegen_flags: <defaults>
</compile_context>

<pallas_src>
import functools

import jax
import jax.numpy as jnp
from jax import lax
from jax.experimental import pallas as pl
from jax.experimental.pallas import tpu as pltpu
from jax.experimental.pallas import tpu_sc as plsc

_B = 16384
_D = 128
_NUM = 1000000
_R = 4

_NT = 16
_TPT = _B // _NT

_NW = 32
_RPW = _B // _NW


def _ln_body(x_ref, g_ref, b_ref, o_ref):
    x = x_ref[...]
    mu = jnp.mean(x, axis=-1, keepdims=True)
    xc = x - mu
    var = jnp.mean(xc * xc, axis=-1, keepdims=True)
    o_ref[...] = xc * lax.rsqrt(var + 1e-5) * g_ref[...] + b_ref[...]


def _layer_norm_tc(x, g, b):
    blk = 8192
    return pl.pallas_call(
        _ln_body,
        grid=(_B // blk,),
        in_specs=[
            pl.BlockSpec((blk, _D), lambda i: (i, 0)),
            pl.BlockSpec((1, _D), lambda i: (0, 0)),
            pl.BlockSpec((1, _D), lambda i: (0, 0)),
        ],
        out_specs=pl.BlockSpec((blk, _D), lambda i: (i, 0)),
        out_shape=jax.ShapeDtypeStruct((_B, _D), jnp.float32),
    )(x, g.reshape(1, _D), b.reshape(1, _D))


def _dedup_body(ids_hbm, w_hbm, tbl, ids_v, val_v, w_v, idx_v, sem):
    c = lax.axis_index("c")
    s = lax.axis_index("s")

    @pl.when(c == 0)
    def _work():
        base = s * _TPT
        pltpu.sync_copy(ids_hbm.at[pl.ds(base, _TPT)], ids_v)

        iota16 = lax.iota(jnp.int32, 16)
        for j in range(_TPT // 16):
            val_v[pl.ds(j * 16, 16)] = base + j * 16 + iota16
        pltpu.sync_copy(val_v, tbl.at[ids_v])
        plsc.subcore_barrier()

        def _round(r, carry):
            pltpu.sync_copy(tbl.at[ids_v], w_v)
            for j in range(_TPT // 16):
                sl = pl.ds(j * 16, 16)
                idx_v[sl] = jnp.where(
                    w_v[sl] < val_v[sl], ids_v[sl], val_v[sl] + _NUM)
            pltpu.sync_copy(val_v, tbl.at[idx_v])
            plsc.subcore_barrier()
            return carry

        lax.fori_loop(0, _R, _round, 0)
        pltpu.sync_copy(tbl.at[ids_v], w_v)
        pltpu.sync_copy(w_v, w_hbm.at[pl.ds(base, _TPT)])


def _dedup_sc(node_ids):
    mesh = plsc.VectorSubcoreMesh(core_axis_name="c", subcore_axis_name="s")
    f = functools.partial(
        pl.kernel,
        out_type=jax.ShapeDtypeStruct((_B,), jnp.int32),
        scratch_types=[
            pltpu.VMEM_SHARED((_NUM + _B,), jnp.int32),
            pltpu.VMEM((_TPT,), jnp.int32),
            pltpu.VMEM((_TPT,), jnp.int32),
            pltpu.VMEM((_TPT,), jnp.int32),
            pltpu.VMEM((_TPT,), jnp.int32),
            pltpu.SemaphoreType.DMA,
        ],
        mesh=mesh,
    )(_dedup_body)
    return f(node_ids)


_HGC = 2
_HRW = _RPW // _HGC


def _gather_body(norm_hbm, widx_hbm, out_hbm, idx_v, rows_v, sems, semw):
    c = lax.axis_index("c")
    s = lax.axis_index("s")
    base = (s * 2 + c) * _RPW
    pltpu.sync_copy(widx_hbm.at[pl.ds(base, _RPW)], idx_v)
    gs = [
        pltpu.async_copy(
            norm_hbm.at[idx_v.at[pl.ds(h * _HRW, _HRW)]],
            rows_v.at[h], sems.at[h])
        for h in range(_HGC)
    ]
    ws = []
    for h in range(_HGC):
        gs[h].wait()
        ws.append(pltpu.async_copy(
            rows_v.at[h], out_hbm.at[pl.ds(base + h * _HRW, _HRW)], semw))
    for cp in ws:
        cp.wait()


def _gather_sc(normalized, widx):
    mesh = plsc.VectorSubcoreMesh(core_axis_name="c", subcore_axis_name="s")
    f = functools.partial(
        pl.kernel,
        out_type=jax.ShapeDtypeStruct((_B, _D), jnp.float32),
        scratch_types=[
            pltpu.VMEM((_RPW,), jnp.int32),
            pltpu.VMEM((_HGC, _HRW, _D), jnp.float32),
            pltpu.SemaphoreType.DMA((_HGC,)),
            pltpu.SemaphoreType.DMA,
        ],
        mesh=mesh,
    )(_gather_body)
    return f(normalized, widx)


def kernel(node_ids, updated_node_memories, new_times, node_memories,
           node_last_updated_times, ln_weight, ln_bias):
    ids = node_ids.astype(jnp.int32)
    normalized = _layer_norm_tc(updated_node_memories, ln_weight, ln_bias)
    winner = _dedup_sc(ids)
    return _gather_sc(normalized, winner)

# --- scband reference (transcript-rebuilt; emitter-appended) ---
"""Pipeline reference for scband-memory-bank-26293789786510 (READ-ONLY COPY).

The authoritative reference and input builder live on the scoring server;
editing this copy changes nothing except your own understanding.
"""

import jax, jax.numpy as jnp
import numpy as np


def layer_norm(x, w, b, eps=1e-5):
    mu = jnp.mean(x, axis=-1, keepdims=True)
    var = jnp.var(x, axis=-1, keepdims=True)
    return (x - mu) / jnp.sqrt(var + eps) * w + b


def setup_inputs(seed: int = 0) -> dict:
    key = jax.random.key(seed)
    k1, k2, k3 = jax.random.split(key, 3)
    num_nodes = 1000000
    memory_dim = 128
    B = 16384
    node_ids = jax.random.randint(k1, (B,), 0, num_nodes, dtype=jnp.int64) if jax.config.jax_enable_x64 else jax.random.randint(k1, (B,), 0, num_nodes)
    updated_node_memories = jax.random.normal(k2, (B, memory_dim), dtype=jnp.float32)
    new_times = jax.random.uniform(k3, (B,), dtype=jnp.float32)
    # learned / stateful parameters sized per init_kwargs
    node_memories = jnp.zeros((num_nodes, memory_dim), dtype=jnp.float32)
    node_last_updated_times = jnp.zeros((num_nodes,), dtype=jnp.float32)
    ln_weight = jnp.ones((memory_dim,), dtype=jnp.float32)
    ln_bias = jnp.zeros((memory_dim,), dtype=jnp.float32)
    return {
        "node_ids": node_ids,
        "updated_node_memories": updated_node_memories,
        "new_times": new_times,
        "node_memories": node_memories,
        "node_last_updated_times": node_last_updated_times,
        "ln_weight": ln_weight,
        "ln_bias": ln_bias,
    }


def reference(node_ids, updated_node_memories, new_times, node_memories,
              node_last_updated_times, ln_weight, ln_bias):
    # set_memories: LayerNorm the updated memories, scatter-overwrite into the bank
    normalized = layer_norm(updated_node_memories, ln_weight, ln_bias)
    new_mem = node_memories.at[node_ids].set(normalized)
    # set_last_update: scatter-overwrite the per-node timestamps
    new_times_bank = node_last_updated_times.at[node_ids].set(new_times)
    # get_memories after the update (gather)
    out = new_mem[node_ids]
    return out

if __name__ == "__main__":
    import jax
    _d = setup_inputs()
    print(jax.jit(kernel)(*tuple(_d.values())))

</pallas_src>

<mosaic_0001>
#map = affine_map<(d0, d1) -> (0, 0)>
#map1 = affine_map<(d0, d1) -> (0)>
module attributes {stable_mosaic.version = 14 : i64} {
  func.func @_gather_body(%arg0: i32, %arg1: i32, %arg2: memref<16384x128xf32, #tpu.memory_space<hbm>>, %arg3: memref<16384xi32, #tpu.memory_space<hbm>>, %arg4: memref<16384x128xf32, #tpu.memory_space<hbm>>, %arg5: memref<512xi32, #tpu.memory_space<vmem>>, %arg6: memref<2x256x128xf32, #tpu.memory_space<vmem>>, %arg7: memref<2x!tpu.dma_semaphore, #tpu.memory_space<semaphore_mem>>, %arg8: memref<!tpu.dma_semaphore, #tpu.memory_space<semaphore_mem>>) attributes {dimension_semantics = [#tpu.dimension_semantics<core_parallel>, #tpu.dimension_semantics<subcore_parallel>], iteration_bounds = array<i64: 2, 16>, scalar_prefetch = 0 : i64, scratch_operands = 4 : i64, tpu.core_type = #tpu.core_type<sc_vector_subcore>, window_params = [{transform_indices = #map}, {transform_indices = #map1}, {transform_indices = #map}]} {
    %mul3A = arith.constant 2 : i32
    %mul3A_0 = arith.muli %arg1, %mul3A : i32
    %add3A = arith.addi %mul3A_0, %arg0 : i32
    %mul3A_1 = arith.constant 512 : i32
    %mul3A_2 = arith.muli %add3A, %mul3A_1 : i32
    "tpu.region"() ({
      %run_scoped3A = tpu.sem_alloc : memref<!tpu.dma_semaphore, #tpu.memory_space<semaphore_mem>>
      %dma_start3A_109 = tpu.memref_slice %arg3[%mul3A_2] : memref<16384xi32, #tpu.memory_space<hbm>> -> memref<512xi32, #tpu.memory_space<hbm>>
      %dma_start3A_110 = tpu.memref_slice %arg3[%mul3A_2] : memref<16384xi32, #tpu.memory_space<hbm>> -> memref<512xi32, #tpu.memory_space<hbm>>
      tpu.enqueue_dma source(%dma_start3A_110 : memref<512xi32, #tpu.memory_space<hbm>>) target(%arg5 : memref<512xi32, #tpu.memory_space<vmem>>) target_semaphore(%run_scoped3A : memref<!tpu.dma_semaphore, #tpu.memory_space<semaphore_mem>>)
      %dma_wait3A_111 = tpu.memref_slice %arg3[%mul3A_2] : memref<16384xi32, #tpu.memory_space<hbm>> -> memref<512xi32, #tpu.memory_space<hbm>>
      %dma_wait3A_112 = tpu.memref_slice %arg3[%mul3A_2] : memref<16384xi32, #tpu.memory_space<hbm>> -> memref<512xi32, #tpu.memory_space<hbm>>
      tpu.wait_dma2 semaphore(%run_scoped3A : memref<!tpu.dma_semaphore, #tpu.memory_space<semaphore_mem>>) src(%dma_wait3A_112 : memref<512xi32, #tpu.memory_space<hbm>>) dst(%arg5 : memref<512xi32, #tpu.memory_space<vmem>>)
      tpu.yield
    }) : () -> ()
    %dma_start3A = arith.constant 0 : i32
    %dma_start3A_3 = arith.constant 0 : i32
    %dma_start3A_4 = arith.constant 0 : i32
    %dma_start3A_5 = arith.constant 0 : i32
    %dma_start3A_6 = tpu.memref_slice %arg6[%dma_start3A, %dma_start3A_4, %dma_start3A_5] : memref<2x256x128xf32, #tpu.memory_space<vmem>> -> memref<1x256x128xf32, #tpu.memory_space<vmem>>
    %dma_start3A_7 = tpu.memref_squeeze %dma_start3A_6 : memref<1x256x128xf32, #tpu.memory_space<vmem>> -> memref<256x128xf32, #tpu.memory_space<vmem>>
    %dma_start3A_8 = arith.constant 0 : i32
    %dma_start3A_9 = tpu.memref_slice %arg5[%dma_start3A_8] : memref<512xi32, #tpu.memory_space<vmem>> -> memref<256xi32, #tpu.memory_space<vmem>>
    %dma_start3A_10 = arith.constant 0 : i32
    %dma_start3A_11 = arith.constant 0 : i32
    %dma_start3A_12 = tpu.memref_slice %arg2[%dma_start3A_10, %dma_start3A_11] : memref<16384x128xf32, #tpu.memory_space<hbm>> -> memref<16384x128xf32, #tpu.memory_space<hbm>>
    %dma_start3A_13 = tpu.memref_slice %arg7[%dma_start3A_3] : memref<2x!tpu.dma_semaphore, #tpu.memory_space<semaphore_mem>> -> memref<1x!tpu.dma_semaphore, #tpu.memory_space<semaphore_mem>>
    %dma_start3A_14 = tpu.memref_squeeze %dma_start3A_13 : memref<1x!tpu.dma_semaphore, #tpu.memory_space<semaphore_mem>> -> memref<!tpu.dma_semaphore, #tpu.memory_space<semaphore_mem>>
    tpu.enqueue_indirect_dma source(%dma_start3A_12 : memref<16384x128xf32, #tpu.memory_space<hbm>>) target(%dma_start3A_7 : memref<256x128xf32, #tpu.memory_space<vmem>>) offsets(%dma_start3A_9 : memref<256xi32, #tpu.memory_space<vmem>>) semaphore(%dma_start3A_14 : memref<!tpu.dma_semaphore, #tpu.memory_space<semaphore_mem>>)
    %dma_start3A_15 = arith.constant 1 : i32
    %dma_start3A_16 = arith.constant 1 : i32
    %dma_start3A_17 = arith.constant 0 : i32
    %dma_start3A_18 = arith.constant 0 : i32
    %dma_start3A_19 = tpu.memref_slice %arg6[%dma_start3A_15, %dma_start3A_17, %dma_start3A_18] : memref<2x256x128xf32, #tpu.memory_space<vmem>> -> memref<1x256x128xf32, #tpu.memory_space<vmem>>
    %dma_start3A_20 = tpu.memref_squeeze %dma_start3A_19 : memref<1x256x128xf32, #tpu.memory_space<vmem>> -> memref<256x128xf32, #tpu.memory_space<vmem>>
    %dma_start3A_21 = arith.constant 256 : i32
    %dma_start3A_22 = tpu.memref_slice %arg5[%dma_start3A_21] : memref<512xi32, #tpu.memory_space<vmem>> -> memref<256xi32, #tpu.memory_space<vmem>>
    %dma_start3A_23 = arith.constant 0 : i32
    %dma_start3A_24 = arith.constant 0 : i32
    %dma_start3A_25 = tpu.memref_slice %arg2[%dma_start3A_23, %dma_start3A_24] : memref<16384x128xf32, #tpu.memory_space<hbm>> -> memref<16384x128xf32, #tpu.memory_space<hbm>>
    %dma_start3A_26 = tpu.memref_slice %arg7[%dma_start3A_16] : memref<2x!tpu.dma_semaphore, #tpu.memory_space<semaphore_mem>> -> memref<1x!tpu.dma_semaphore, #tpu.memory_space<semaphore_mem>>
    %dma_start3A_27 = tpu.memref_squeeze %dma_start3A_26 : memref<1x!tpu.dma_semaphore, #tpu.memory_space<semaphore_mem>> -> memref<!tpu.dma_semaphore, #tpu.memory_space<semaphore_mem>>
    tpu.enqueue_indirect_dma source(%dma_start3A_25 : memref<16384x128xf32, #tpu.memory_space<hbm>>) target(%dma_start3A_20 : memref<256x128xf32, #tpu.memory_space<vmem>>) offsets(%dma_start3A_22 : memref<256xi32, #tpu.memory_space<vmem>>) semaphore(%dma_start3A_27 : memref<!tpu.dma_semaphore, #tpu.memory_space<semaphore_mem>>)
    %dma_wait3A = arith.constant 0 : i32
    %dma_wait3A_28 = arith.constant 0 : i32
    %dma_wait3A_29 = arith.constant 0 : i32
    %dma_wait3A_30 = arith.constant 0 : i32
    %dma_wait3A_31 = tpu.memref_slice %arg6[%dma_wait3A, %dma_wait3A_29, %dma_wait3A_30] : memref<2x256x128xf32, #tpu.memory_space<vmem>> -> memref<1x256x128xf32, #tpu.memory_space<vmem>>
    %dma_wait3A_32 = tpu.memref_squeeze %dma_wait3A_31 : memref<1x256x128xf32, #tpu.memory_space<vmem>> -> memref<256x128xf32, #tpu.memory_space<vmem>>
    %dma_wait3A_33 = arith.constant 0 : i32
    %dma_wait3A_34 = tpu.memref_slice %arg5[%dma_wait3A_33] : memref<512xi32, #tpu.memory_space<vmem>> -> memref<256xi32, #tpu.memory_space<vmem>>
    %dma_wait3A_35 = arith.constant 0 : i32
    %dma_wait3A_36 = arith.constant 0 : i32
    %dma_wait3A_37 = tpu.memref_slice %arg2[%dma_wait3A_35, %dma_wait3A_36] : memref<16384x128xf32, #tpu.memory_space<hbm>> -> memref<16384x128xf32, #tpu.memory_space<hbm>>
    %dma_wait3A_38 = tpu.memref_slice %arg7[%dma_wait3A_28] : memref<2x!tpu.dma_semaphore, #tpu.memory_space<semaphore_mem>> -> memref<1x!tpu.dma_semaphore, #tpu.memory_space<semaphore_mem>>
    %dma_wait3A_39 = tpu.memref_squeeze %dma_wait3A_38 : memref<1x!tpu.dma_semaphore, #tpu.memory_space<semaphore_mem>> -> memref<!tpu.dma_semaphore, #tpu.memory_space<semaphore_mem>>
    tpu.wait_indirect_dma semaphore(%dma_wait3A_39 : memref<!tpu.dma_semaphore, #tpu.memory_space<semaphore_mem>>) src(%dma_wait3A_37 : memref<16384x128xf32, #tpu.memory_space<hbm>>) dst(%dma_wait3A_32 : memref<256x128xf32, #tpu.memory_space<vmem>>)
    %add3A_40 = arith.constant 0 : i32
    %add3A_41 = arith.addi %mul3A_2, %add3A_40 : i32
    %dma_start3A_42 = arith.constant 0 : i32
    %dma_start3A_43 = arith.constant 0 : i32
    %dma_start3A_44 = arith.constant 0 : i32
    %dma_start3A_45 = tpu.memref_slice %arg6[%dma_start3A_42, %dma_start3A_43, %dma_start3A_44] : memref<2x256x128xf32, #tpu.memory_space<vmem>> -> memref<1x256x128xf32, #tpu.memory_space<vmem>>
    %dma_start3A_46 = tpu.memref_squeeze %dma_start3A_45 : memref<1x256x128xf32, #tpu.memory_space<vmem>> -> memref<256x128xf32, #tpu.memory_space<vmem>>
    %dma_start3A_47 = arith.constant 0 : i32
    %dma_start3A_48 = tpu.memref_slice %arg4[%add3A_41, %dma_start3A_47] : memref<16384x128xf32, #tpu.memory_space<hbm>> -> memref<256x128xf32, #tpu.memory_space<hbm>>
    %dma_start3A_49 = arith.constant 0 : i32
    %dma_start3A_50 = tpu.memref_slice %arg4[%add3A_41, %dma_start3A_49] : memref<16384x128xf32, #tpu.memory_space<hbm>> -> memref<256x128xf32, #tpu.memory_space<hbm>>
    %dma_start3A_51 = arith.constant 0 : i32
    %dma_start3A_52 = arith.constant 0 : i32
    %dma_start3A_53 = tpu.memref_slice %arg6[%dma_start3A_42, %dma_start3A_51, %dma_start3A_52] : memref<2x256x128xf32, #tpu.memory_space<vmem>> -> memref<1x256x128xf32, #tpu.memory_space<vmem>>
    %dma_start3A_54 = tpu.memref_squeeze %dma_start3A_53 : memref<1x256x128xf32, #tpu.memory_space<vmem>> -> memref<256x128xf32, #tpu.memory_space<vmem>>
    tpu.enqueue_dma source(%dma_start3A_54 : memref<256x128xf32, #tpu.memory_space<vmem>>) target(%dma_start3A_50 : memref<256x128xf32, #tpu.memory_space<hbm>>) target_semaphore(%arg8 : memref<!tpu.dma_semaphore, #tpu.memory_space<semaphore_mem>>)
    %dma_wait3A_55 = arith.constant 1 : i32
    %dma_wait3A_56 = arith.constant 1 : i32
    %dma_wait3A_57 = arith.constant 0 : i32
    %dma_wait3A_58 = arith.constant 0 : i32
    %dma_wait3A_59 = tpu.memref_slice %arg6[%dma_wait3A_55, %dma_wait3A_57, %dma_wait3A_58] : memref<2x256x128xf32, #tpu.memory_space<vmem>> -> memref<1x256x128xf32, #tpu.memory_space<vmem>>
    %dma_wait3A_60 = tpu.memref_squeeze %dma_wait3A_59 : memref<1x256x128xf32, #tpu.memory_space<vmem>> -> memref<256x128xf32, #tpu.memory_space<vmem>>
    %dma_wait3A_61 = arith.constant 256 : i32
    %dma_wait3A_62 = tpu.memref_slice %arg5[%dma_wait3A_61] : memref<512xi32, #tpu.memory_space<vmem>> -> memref<256xi32, #tpu.memory_space<vmem>>
    %dma_wait3A_63 = arith.constant 0 : i32
    %dma_wait3A_64 = arith.constant 0 : i32
    %dma_wait3A_65 = tpu.memref_slice %arg2[%dma_wait3A_63, %dma_wait3A_64] : memref<16384x128xf32, #tpu.memory_space<hbm>> -> memref<16384x128xf32, #tpu.memory_space<hbm>>
    %dma_wait3A_66 = tpu.memref_slice %arg7[%dma_wait3A_56] : memref<2x!tpu.dma_semaphore, #tpu.memory_space<semaphore_mem>> -> memref<1x!tpu.dma_semaphore, #tpu.memory_space<semaphore_mem>>
    %dma_wait3A_67 = tpu.memref_squeeze %dma_wait3A_66 : memref<1x!tpu.dma_semaphore, #tpu.memory_space<semaphore_mem>> -> memref<!tpu.dma_semaphore, #tpu.memory_space<semaphore_mem>>
    tpu.wait_indirect_dma semaphore(%dma_wait3A_67 : memref<!tpu.dma_semaphore, #tpu.memory_space<semaphore_mem>>) src(%dma_wait3A_65 : memref<16384x128xf32, #tpu.memory_space<hbm>>) dst(%dma_wait3A_60 : memref<256x128xf32, #tpu.memory_space<vmem>>)
    %add3A_68 = arith.constant 256 : i32
    %add3A_69 = arith.addi %mul3A_2, %add3A_68 : i32
    %dma_start3A_70 = arith.constant 1 : i32
    %dma_start3A_71 = arith.constant 0 : i32
    %dma_start3A_72 = arith.constant 0 : i32
    %dma_start3A_73 = tpu.memref_slice %arg6[%dma_start3A_70, %dma_start3A_71, %dma_start3A_72] : memref<2x256x128xf32, #tpu.memory_space<vmem>> -> memref<1x256x128xf32, #tpu.memory_space<vmem>>
    %dma_start3A_74 = tpu.memref_squeeze %dma_start3A_73 : memref<1x256x128xf32, #tpu.memory_space<vmem>> -> memref<256x128xf32, #tpu.memory_space<vmem>>
    %dma_start3A_75 = arith.constant 0 : i32
    %dma_start3A_76 = tpu.memref_slice %arg4[%add3A_69, %dma_start3A_75] : memref<16384x128xf32, #tpu.memory_space<hbm>> -> memref<256x128xf32, #tpu.memory_space<hbm>>
    %dma_start3A_77 = arith.constant 0 : i32
    %dma_start3A_78 = tpu.memref_slice %arg4[%add3A_69, %dma_start3A_77] : memref<16384x128xf32, #tpu.memory_space<hbm>> -> memref<256x128xf32, #tpu.memory_space<hbm>>
    %dma_start3A_79 = arith.constant 0 : i32
    %dma_start3A_80 = arith.constant 0 : i32
    %dma_start3A_81 = tpu.memref_slice %arg6[%dma_start3A_70, %dma_start3A_79, %dma_start3A_80] : memref<2x256x128xf32, #tpu.memory_space<vmem>> -> memref<1x256x128xf32, #tpu.memory_space<vmem>>
    %dma_start3A_82 = tpu.memref_squeeze %dma_start3A_81 : memref<1x256x128xf32, #tpu.memory_space<vmem>> -> memref<256x128xf32, #tpu.memory_space<vmem>>
    tpu.enqueue_dma source(%dma_start3A_82 : memref<256x128xf32, #tpu.memory_space<vmem>>) target(%dma_start3A_78 : memref<256x128xf32, #tpu.memory_space<hbm>>) target_semaphore(%arg8 : memref<!tpu.dma_semaphore, #tpu.memory_space<semaphore_mem>>)
    %dma_wait3A_83 = arith.constant 0 : i32
    %dma_wait3A_84 = arith.constant 0 : i32
    %dma_wait3A_85 = arith.constant 0 : i32
    %dma_wait3A_86 = tpu.memref_slice %arg6[%dma_wait3A_83, %dma_wait3A_84, %dma_wait3A_85] : memref<2x256x128xf32, #tpu.memory_space<vmem>> -> memref<1x256x128xf32, #tpu.memory_space<vmem>>
    %dma_wait3A_87 = tpu.memref_squeeze %dma_wait3A_86 : memref<1x256x128xf32, #tpu.memory_space<vmem>> -> memref<256x128xf32, #tpu.memory_space<vmem>>
    %dma_wait3A_88 = arith.constant 0 : i32
    %dma_wait3A_89 = tpu.memref_slice %arg4[%add3A_41, %dma_wait3A_88] : memref<16384x128xf32, #tpu.memory_space<hbm>> -> memref<256x128xf32, #tpu.memory_space<hbm>>
    %dma_wait3A_90 = arith.constant 0 : i32
    %dma_wait3A_91 = tpu.memref_slice %arg4[%add3A_41, %dma_wait3A_90] : memref<16384x128xf32, #tpu.memory_space<hbm>> -> memref<256x128xf32, #tpu.memory_space<hbm>>
    %dma_wait3A_92 = arith.constant 0 : i32
    %dma_wait3A_93 = arith.constant 0 : i32
    %dma_wait3A_94 = tpu.memref_slice %arg6[%dma_wait3A_83, %dma_wait3A_92, %dma_wait3A_93] : memref<2x256x128xf32, #tpu.memory_space<vmem>> -> memref<1x256x128xf32, #tpu.memory_space<vmem>>
    %dma_wait3A_95 = tpu.memref_squeeze %dma_wait3A_94 : memref<1x256x128xf32, #tpu.memory_space<vmem>> -> memref<256x128xf32, #tpu.memory_space<vmem>>
    tpu.wait_dma2 semaphore(%arg8 : memref<!tpu.dma_semaphore, #tpu.memory_space<semaphore_mem>>) src(%dma_wait3A_95 : memref<256x128xf32, #tpu.memory_space<vmem>>) dst(%dma_wait3A_91 : memref<256x128xf32, #tpu.memory_space<hbm>>)
    %dma_wait3A_96 = arith.constant 1 : i32
    %dma_wait3A_97 = arith.constant 0 : i32
    %dma_wait3A_98 = arith.constant 0 : i32
    %dma_wait3A_99 = tpu.memref_slice %arg6[%dma_wait3A_96, %dma_wait3A_97, %dma_wait3A_98] : memref<2x256x128xf32, #tpu.memory_space<vmem>> -> memref<1x256x128xf32, #tpu.memory_space<vmem>>
    %dma_wait3A_100 = tpu.memref_squeeze %dma_wait3A_99 : memref<1x256x128xf32, #tpu.memory_space<vmem>> -> memref<256x128xf32, #tpu.memory_space<vmem>>
    %dma_wait3A_101 = arith.constant 0 : i32
    %dma_wait3A_102 = tpu.memref_slice %arg4[%add3A_69, %dma_wait3A_101] : memref<16384x128xf32, #tpu.memory_space<hbm>> -> memref<256x128xf32, #tpu.memory_space<hbm>>
    %dma_wait3A_103 = arith.constant 0 : i32
    %dma_wait3A_104 = tpu.memref_slice %arg4[%add3A_69, %dma_wait3A_103] : memref<16384x128xf32, #tpu.memory_space<hbm>> -> memref<256x128xf32, #tpu.memory_space<hbm>>
    %dma_wait3A_105 = arith.constant 0 : i32
    %dma_wait3A_106 = arith.constant 0 : i32
    %dma_wait3A_107 = tpu.memref_slice %arg6[%dma_wait3A_96, %dma_wait3A_105, %dma_wait3A_106] : memref<2x256x128xf32, #tpu.memory_space<vmem>> -> memref<1x256x128xf32, #tpu.memory_space<vmem>>
    %dma_wait3A_108 = tpu.memref_squeeze %dma_wait3A_107 : memref<1x256x128xf32, #tpu.memory_space<vmem>> -> memref<256x128xf32, #tpu.memory_space<vmem>>
    tpu.wait_dma2 semaphore(%arg8 : memref<!tpu.dma_semaphore, #tpu.memory_space<semaphore_mem>>) src(%dma_wait3A_108 : memref<256x128xf32, #tpu.memory_space<vmem>>) dst(%dma_wait3A_104 : memref<256x128xf32, #tpu.memory_space<hbm>>)
    return
  }
}

#map = affine_map<(d0, d1) -> (0)>
module attributes {stable_mosaic.version = 14 : i64} {
  func.func @_dedup_body(%arg0: i32, %arg1: i32, %arg2: memref<16384xi32, #tpu.memory_space<hbm>>, %arg3: memref<16384xi32, #tpu.memory_space<hbm>>, %arg4: memref<1016384xi32, #tpu.memory_space<vmem_shared>>, %arg5: memref<1024xi32, #tpu.memory_space<vmem>>, %arg6: memref<1024xi32, #tpu.memory_space<vmem>>, %arg7: memref<1024xi32, #tpu.memory_space<vmem>>, %arg8: memref<1024xi32, #tpu.memory_space<vmem>>, %arg9: memref<!tpu.dma_semaphore, #tpu.memory_space<semaphore_mem>>) attributes {dimension_semantics = [#tpu.dimension_semantics<core_parallel>, #tpu.dimension_semantics<subcore_parallel>], iteration_bounds = array<i64: 2, 16>, scalar_prefetch = 0 : i64, scratch_operands = 6 : i64, tpu.core_type = #tpu.core_type<sc_vector_subcore>, window_params = [{transform_indices = #map}, {transform_indices = #map}]} {
    %eq3A = arith.constant 0 : i32
    %eq3A_0 = arith.cmpi eq, %arg0, %eq3A : i32
    %convert_element_type3A = arith.extui %eq3A_0 : i1 to i32
    %cond3A = arith.constant 0 : i32
    %cond3A_1 = arith.cmpi ne, %convert_element_type3A, %cond3A : i32
    scf.if %cond3A_1 {
      %mul3A = arith.constant 1024 : i32
      %mul3A_2 = arith.muli %arg1, %mul3A : i32
      "tpu.region"() ({
        %run_scoped3A = tpu.sem_alloc : memref<!tpu.dma_semaphore, #tpu.memory_space<semaphore_mem>>
        %dma_start3A = tpu.memref_slice %arg2[%mul3A_2] : memref<16384xi32, #tpu.memory_space<hbm>> -> memref<1024xi32, #tpu.memory_space<hbm>>
        %dma_start3A_518 = tpu.memref_slice %arg2[%mul3A_2] : memref<16384xi32, #tpu.memory_space<hbm>> -> memref<1024xi32, #tpu.memory_space<hbm>>
        tpu.enqueue_dma source(%dma_start3A_518 : memref<1024xi32, #tpu.memory_space<hbm>>) target(%arg5 : memref<1024xi32, #tpu.memory_space<vmem>>) target_semaphore(%run_scoped3A : memref<!tpu.dma_semaphore, #tpu.memory_space<semaphore_mem>>)
        %dma_wait3A = tpu.memref_slice %arg2[%mul3A_2] : memref<16384xi32, #tpu.memory_space<hbm>> -> memref<1024xi32, #tpu.memory_space<hbm>>
        %dma_wait3A_519 = tpu.memref_slice %arg2[%mul3A_2] : memref<16384xi32, #tpu.memory_space<hbm>> -> memref<1024xi32, #tpu.memory_space<hbm>>
        tpu.wait_dma2 semaphore(%run_scoped3A : memref<!tpu.dma_semaphore, #tpu.memory_space<semaphore_mem>>) src(%dma_wait3A_519 : memref<1024xi32, #tpu.memory_space<hbm>>) dst(%arg5 : memref<1024xi32, #tpu.memory_space<vmem>>)
        tpu.yield
      }) : () -> ()
      %iota3A = tpu.iota {dimensions = array<i32: 0>} : vector<16xi32>
      %add3A = arith.constant 0 : i32
      %add3A_3 = arith.addi %mul3A_2, %add3A : i32
      %add3A_4 = vector.broadcast %add3A_3 : i32 to vector<16xi32>
      %add3A_5 = arith.addi %add3A_4, %iota3A : vector<16xi32>
      %swap3A = arith.constant 0 : index
      %swap3A_6 = tpu.vector_load %arg6[%swap3A] {strides = array<i32>} : memref<1024xi32, #tpu.memory_space<vmem>>, vector<16xi32>,
      %swap3A_7 = vector.shape_cast %swap3A_6 : vector<16xi32> to vector<16xi32>
      %swap3A_8 = vector.shape_cast %add3A_5 : vector<16xi32> to vector<16xi32>
      tpu.vector_store %arg6[%swap3A], %swap3A_8 {strides = array<i32>} : memref<1024xi32, #tpu.memory_space<vmem>>, vector<16xi32>,
      %add3A_9 = arith.constant 16 : i32
      %add3A_10 = arith.addi %mul3A_2, %add3A_9 : i32
      %add3A_11 = vector.broadcast %add3A_10 : i32 to vector<16xi32>
      %add3A_12 = arith.addi %add3A_11, %iota3A : vector<16xi32>
      %swap3A_13 = arith.constant 16 : index
      %swap3A_14 = tpu.vector_load %arg6[%swap3A_13] {strides = array<i32>} : memref<1024xi32, #tpu.memory_space<vmem>>, vector<16xi32>,
      %swap3A_15 = vector.shape_cast %swap3A_14 : vector<16xi32> to vector<16xi32>
      %swap3A_16 = vector.shape_cast %add3A_12 : vector<16xi32> to vector<16xi32>
      tpu.vector_store %arg6[%swap3A_13], %swap3A_16 {strides = array<i32>} : memref<1024xi32, #tpu.memory_space<vmem>>, vector<16xi32>,
      %add3A_17 = arith.constant 32 : i32
      %add3A_18 = arith.addi %mul3A_2, %add3A_17 : i32
      %add3A_19 = vector.broadcast %add3A_18 : i32 to vector<16xi32>
      %add3A_20 = arith.addi %add3A_19, %iota3A : vector<16xi32>
      %swap3A_21 = arith.constant 32 : index
      %swap3A_22 = tpu.vector_load %arg6[%swap3A_21] {strides = array<i32>} : memref<1024xi32, #tpu.memory_space<vmem>>, vector<16xi32>,
      %swap3A_23 = vector.shape_cast %swap3A_22 : vector<16xi32> to vector<16xi32>
      %swap3A_24 = vector.shape_cast %add3A_20 : vector<16xi32> to vector<16xi32>
      tpu.vector_store %arg6[%swap3A_21], %swap3A_24 {strides = array<i32>} : memref<1024xi32, #tpu.memory_space<vmem>>, vector<16xi32>,
      %add3A_25 = arith.constant 48 : i32
      %add3A_26 = arith.addi %mul3A_2, %add3A_25 : i32
      %add3A_27 = vector.broadcast %add3A_26 : i32 to vector<16xi32>
      %add3A_28 = arith.addi %add3A_27, %iota3A : vector<16xi32>
      %swap3A_29 = arith.constant 48 : index
      %swap3A_30 = tpu.vector_load %arg6[%swap3A_29] {strides = array<i32>} : memref<1024xi32, #tpu.memory_space<vmem>>, vector<16xi32>,
      %swap3A_31 = vector.shape_cast %swap3A_30 : vector<16xi32> to vector<16xi32>
      %swap3A_32 = vector.shape_cast %add3A_28 : vector<16xi32> to vector<16xi32>
      tpu.vector_store %arg6[%swap3A_29], %swap3A_32 {strides = array<i32>} : memref<1024xi32, #tpu.memory_space<vmem>>, vector<16xi32>,
      %add3A_33 = arith.constant 64 : i32
      %add3A_34 = arith.addi %mul3A_2, %add3A_33 : i32
      %add3A_35 = vector.broadcast %add3A_34 : i32 to vector<16xi32>
      %add3A_36 = arith.addi %add3A_35, %iota3A : vector<16xi32>
      %swap3A_37 = arith.constant 64 : index
      %swap3A_38 = tpu.vector_load %arg6[%swap3A_37] {strides = array<i32>} : memref<1024xi32, #tpu.memory_space<vmem>>, vector<16xi32>,
      %swap3A_39 = vector.shape_cast %swap3A_38 : vector<16xi32> to vector<16xi32>
      %swap3A_40 = vector.shape_cast %add3A_36 : vector<16xi32> to vector<16xi32>
      tpu.vector_store %arg6[%swap3A_37], %swap3A_40 {strides = array<i32>} : memref<1024xi32, #tpu.memory_space<vmem>>, vector<16xi32>,
      %add3A_41 = arith.constant 80 : i32
      %add3A_42 = arith.addi %mul3A_2, %add3A_41 : i32
      %add3A_43 = vector.broadcast %add3A_42 : i32 to vector<16xi32>
      %add3A_44 = arith.addi %add3A_43, %iota3A : vector<16xi32>
      %swap3A_45 = arith.constant 80 : index
      %swap3A_46 = tpu.vector_load %arg6[%swap3A_45] {strides = array<i32>} : memref<1024xi32, #tpu.memory_space<vmem>>, vector<16xi32>,
      %swap3A_47 = vector.shape_cast %swap3A_46 : vector<16xi32> to vector<16xi32>
      %swap3A_48 = vector.shape_cast %add3A_44 : vector<16xi32> to vector<16xi32>
      tpu.vector_store %arg6[%swap3A_45], %swap3A_48 {strides = array<i32>} : memref<1024xi32, #tpu.memory_space<vmem>>, vector<16xi32>,
      %add3A_49 = arith.constant 96 : i32
      %add3A_50 = arith.addi %mul3A_2, %add3A_49 : i32
      %add3A_51 = vector.broadcast %add3A_50 : i32 to vector<16xi32>
      %add3A_52 = arith.addi %add3A_51, %iota3A : vector<16xi32>
      %swap3A_53 = arith.constant 96 : index
      %swap3A_54 = tpu.vector_load %arg6[%swap3A_53] {strides = array<i32>} : memref<1024xi32, #tpu.memory_space<vmem>>, vector<16xi32>,
      %swap3A_55 = vector.shape_cast %swap3A_54 : vector<16xi32> to vector<16xi32>
      %swap3A_56 = vector.shape_cast %add3A_52 : vector<16xi32> to vector<16xi32>
      tpu.vector_store %arg6[%swap3A_53], %swap3A_56 {strides = array<i32>} : memref<1024xi32, #tpu.memory_space<vmem>>, vector<16xi32>,
      %add3A_57 = arith.constant 112 : i32
      %add3A_58 = arith.addi %mul3A_2, %add3A_57 : i32
      %add3A_59 = vector.broadcast %add3A_58 : i32 to vector<16xi32>
      %add3A_60 = arith.addi %add3A_59, %iota3A : vector<16xi32>
      %swap3A_61 = arith.constant 112 : index
      %swap3A_62 = tpu.vector_load %arg6[%swap3A_61] {strides = array<i32>} : memref<1024xi32, #tpu.memory_space<vmem>>, vector<16xi32>,
      %swap3A_63 = vector.shape_cast %swap3A_62 : vector<16xi32> to vector<16xi32>
      %swap3A_64 = vector.shape_cast %add3A_60 : vector<16xi32> to vector<16xi32>
      tpu.vector_store %arg6[%swap3A_61], %swap3A_64 {strides = array<i32>} : memref<1024xi32, #tpu.memory_space<vmem>>, vector<16xi32>,
      %add3A_65 = arith.constant 128 : i32
      %add3A_66 = arith.addi %mul3A_2, %add3A_65 : i32
      %add3A_67 = vector.broadcast %add3A_66 : i32 to vector<16xi32>
      %add3A_68 = arith.addi %add3A_67, %iota3A : vector<16xi32>
      %swap3A_69 = arith.constant 128 : index
      %swap3A_70 = tpu.vector_load %arg6[%swap3A_69] {strides = array<i32>} : memref<1024xi32, #tpu.memory_space<vmem>>, vector<16xi32>,
      %swap3A_71 = vector.shape_cast %swap3A_70 : vector<16xi32> to vector<16xi32>
      %swap3A_72 = vector.shape_cast %add3A_68 : vector<16xi32> to vector<16xi32>
      tpu.vector_store %arg6[%swap3A_69], %swap3A_72 {strides = array<i32>} : memref<1024xi32, #tpu.memory_space<vmem>>, vector<16xi32>,
      %add3A_73 = arith.constant 144 : i32
      %add3A_74 = arith.addi %mul3A_2, %add3A_73 : i32
      %add3A_75 = vector.broadcast %add3A_74 : i32 to vector<16xi32>
      %add3A_76 = arith.addi %add3A_75, %iota3A : vector<16xi32>
      %swap3A_77 = arith.constant 144 : index
      %swap3A_78 = tpu.vector_load %arg6[%swap3A_77] {strides = array<i32>} : memref<1024xi32, #tpu.memory_space<vmem>>, vector<16xi32>,
      %swap3A_79 = vector.shape_cast %swap3A_78 : vector<16xi32> to vector<16xi32>
      %swap3A_80 = vector.shape_cast %add3A_76 : vector<16xi32> to vector<16xi32>
      tpu.vector_store %arg6[%swap3A_77], %swap3A_80 {strides = array<i32>} : memref<1024xi32, #tpu.memory_space<vmem>>, vector<16xi32>,
      %add3A_81 = arith.constant 160 : i32
      %add3A_82 = arith.addi %mul3A_2, %add3A_81 : i32
      %add3A_83 = vector.broadcast %add3A_82 : i32 to vector<16xi32>
      %add3A_84 = arith.addi %add3A_83, %iota3A : vector<16xi32>
      %swap3A_85 = arith.constant 160 : index
      %swap3A_86 = tpu.vector_load %arg6[%swap3A_85] {strides = array<i32>} : memref<1024xi32, #tpu.memory_space<vmem>>, vector<16xi32>,
      %swap3A_87 = vector.shape_cast %swap3A_86 : vector<16xi32> to vector<16xi32>
      %swap3A_88 = vector.shape_cast %add3A_84 : vector<16xi32> to vector<16xi32>
      tpu.vector_store %arg6[%swap3A_85], %swap3A_88 {strides = array<i32>} : memref<1024xi32, #tpu.memory_space<vmem>>, vector<16xi32>,
      %add3A_89 = arith.constant 176 : i32
      %add3A_90 = arith.addi %mul3A_2, %add3A_89 : i32
      %add3A_91 = vector.broadcast %add3A_90 : i32 to vector<16xi32>
      %add3A_92 = arith.addi %add3A_91, %iota3A : vector<16xi32>
      %swap3A_93 = arith.constant 176 : index
      %swap3A_94 = tpu.vector_load %arg6[%swap3A_93] {strides = array<i32>} : memref<1024xi32, #tpu.memory_space<vmem>>, vector<16xi32>,
      %swap3A_95 = vector.shape_cast %swap3A_94 : vector<16xi32> to vector<16xi32>
      %swap3A_96 = vector.shape_cast %add3A_92 : vector<16xi32> to vector<16xi32>
      tpu.vector_store %arg6[%swap3A_93], %swap3A_96 {strides = array<i32>} : memref<1024xi32, #tpu.memory_space<vmem>>, vector<16xi32>,
      %add3A_97 = arith.constant 192 : i32
      %add3A_98 = arith.addi %mul3A_2, %add3A_97 : i32
      %add3A_99 = vector.broadcast %add3A_98 : i32 to vector<16xi32>
      %add3A_100 = arith.addi %add3A_99, %iota3A : vector<16xi32>
      %swap3A_101 = arith.constant 192 : index
      %swap3A_102 = tpu.vector_load %arg6[%swap3A_101] {strides = array<i32>} : memref<1024xi32, #tpu.memory_space<vmem>>, vector<16xi32>,
      %swap3A_103 = vector.shape_cast %swap3A_102 : vector<16xi32> to vector<16xi32>
      %swap3A_104 = vector.shape_cast %add3A_100 : vector<16xi32> to vector<16xi32>
      tpu.vector_store %arg6[%swap3A_101], %swap3A_104 {strides = array<i32>} : memref<1024xi32, #tpu.memory_space<vmem>>, vector<16xi32>,
      %add3A_105 = arith.constant 208 : i32
      %add3A_106 = arith.addi %mul3A_2, %add3A_105 : i32
      %add3A_107 = vector.broadcast %add3A_106 : i32 to vector<16xi32>
      %add3A_108 = arith.addi %add3A_107, %iota3A : vector<16xi32>
      %swap3A_109 = arith.constant 208 : index
      %swap3A_110 = tpu.vector_load %arg6[%swap3A_109] {strides = array<i32>} : memref<1024xi32, #tpu.memory_space<vmem>>, vector<16xi32>,
      %swap3A_111 = vector.shape_cast %swap3A_110 : vector<16xi32> to vector<16xi32>
      %swap3A_112 = vector.shape_cast %add3A_108 : vector<16xi32> to vector<16xi32>
      tpu.vector_store %arg6[%swap3A_109], %swap3A_112 {strides = array<i32>} : memref<1024xi32, #tpu.memory_space<vmem>>, vector<16xi32>,
      %add3A_113 = arith.constant 224 : i32
      %add3A_114 = arith.addi %mul3A_2, %add3A_113 : i32
      %add3A_115 = vector.broadcast %add3A_114 : i32 to vector<16xi32>
      %add3A_116 = arith.addi %add3A_115, %iota3A : vector<16xi32>
      %swap3A_117 = arith.constant 224 : index
      %swap3A_118 = tpu.vector_load %arg6[%swap3A_117] {strides = array<i32>} : memref<1024xi32, #tpu.memory_space<vmem>>, vector<16xi32>,
      %swap3A_119 = vector.shape_cast %swap3A_118 : vector<16xi32> to vector<16xi32>
      %swap3A_120 = vector.shape_cast %add3A_116 : vector<16xi32> to vector<16xi32>
      tpu.vector_store %arg6[%swap3A_117], %swap3A_120 {strides = array<i32>} : memref<1024xi32, #tpu.memory_space<vmem>>, vector<16xi32>,
      %add3A_121 = arith.constant 240 : i32
      %add3A_122 = arith.addi %mul3A_2, %add3A_121 : i32
      %add3A_123 = vector.broadcast %add3A_122 : i32 to vector<16xi32>
      %add3A_124 = arith.addi %add3A_123, %iota3A : vector<16xi32>
      %swap3A_125 = arith.constant 240 : index
      %swap3A_126 = tpu.vector_load %arg6[%swap3A_125] {strides = array<i32>} : memref<1024xi32, #tpu.memory_space<vmem>>, vector<16xi32>,
      %swap3A_127 = vector.shape_cast %swap3A_126 : vector<16xi32> to vector<16xi32>
      %swap3A_128 = vector.shape_cast %add3A_124 : vector<16xi32> to vector<16xi32>
      tpu.vector_store %arg6[%swap3A_125], %swap3A_128 {strides = array<i32>} : memref<1024xi32, #tpu.memory_space<vmem>>, vector<16xi32>,
      %add3A_129 = arith.constant 256 : i32
      %add3A_130 = arith.addi %mul3A_2, %add3A_129 : i32
      %add3A_131 = vector.broadcast %add3A_130 : i32 to vector<16xi32>
      %add3A_132 = arith.addi %add3A_131, %iota3A : vector<16xi32>
      %swap3A_133 = arith.constant 256 : index
      %swap3A_134 = tpu.vector_load %arg6[%swap3A_133] {strides = array<i32>} : memref<1024xi32, #tpu.memory_space<vmem>>, vector<16xi32>,
      %swap3A_135 = vector.shape_cast %swap3A_134 : vector<16xi32> to vector<16xi32>
      %swap3A_136 = vector.shape_cast %add3A_132 : vector<16xi32> to vector<16xi32>
      tpu.vector_store %arg6[%swap3A_133], %swap3A_136 {strides = array<i32>} : memref<1024xi32, #tpu.memory_space<vmem>>, vector<16xi32>,
      %add3A_137 = arith.constant 272 : i32
      %add3A_138 = arith.addi %mul3A_2, %add3A_137 : i32
      %add3A_139 = vector.broadcast %add3A_138 : i32 to vector<16xi32>
      %add3A_140 = arith.addi %add3A_139, %iota3A : vector<16xi32>
      %swap3A_141 = arith.constant 272 : index
      %swap3A_142 = tpu.vector_load %arg6[%swap3A_141] {strides = array<i32>} : memref<1024xi32, #tpu.memory_space<vmem>>, vector<16xi32>,
      %swap3A_143 = vector.shape_cast %swap3A_142 : vector<16xi32> to vector<16xi32>
      %swap3A_144 = vector.shape_cast %add3A_140 : vector<16xi32> to vector<16xi32>
      tpu.vector_store %arg6[%swap3A_141], %swap3A_144 {strides = array<i32>} : memref<1024xi32, #tpu.memory_space<vmem>>, vector<16xi32>,
      %add3A_145 = arith.constant 288 : i32
      %add3A_146 = arith.addi %mul3A_2, %add3A_145 : i32
      %add3A_147 = vector.broadcast %add3A_146 : i32 to vector<16xi32>
      %add3A_148 = arith.addi %add3A_147, %iota3A : vector<16xi32>
      %swap3A_149 = arith.constant 288 : index
      %swap3A_150 = tpu.vector_load %arg6[%swap3A_149] {strides = array<i32>} : memref<1024xi32, #tpu.memory_space<vmem>>, vector<16xi32>,
      %swap3A_151 = vector.shape_cast %swap3A_150 : vector<16xi32> to vector<16xi32>
      %swap3A_152 = vector.shape_cast %add3A_148 : vector<16xi32> to vector<16xi32>
      tpu.vector_store %arg6[%swap3A_149], %swap3A_152 {strides = array<i32>} : memref<1024xi32, #tpu.memory_space<vmem>>, vector<16xi32>,
      %add3A_153 = arith.constant 304 : i32
      %add3A_154 = arith.addi %mul3A_2, %add3A_153 : i32
      %add3A_155 = vector.broadcast %add3A_154 : i32 to vector<16xi32>
      %add3A_156 = arith.addi %add3A_155, %iota3A : vector<16xi32>
      %swap3A_157 = arith.constant 304 : index
      %swap3A_158 = tpu.vector_load %arg6[%swap3A_157] {strides = array<i32>} : memref<1024xi32, #tpu.memory_space<vmem>>, vector<16xi32>,
      %swap3A_159 = vector.shape_cast %swap3A_158 : vector<16xi32> to vector<16xi32>
      %swap3A_160 = vector.shape_cast %add3A_156 : vector<16xi32> to vector<16xi32>
      tpu.vector_store %arg6[%swap3A_157], %swap3A_160 {strides = array<i32>} : memref<1024xi32, #tpu.memory_space<vmem>>, vector<16xi32>,
      %add3A_161 = arith.constant 320 : i32
      %add3A_162 = arith.addi %mul3A_2, %add3A_161 : i32
      %add3A_163 = vector.broadcast %add3A_162 : i32 to vector<16xi32>
      %add3A_164 = arith.addi %add3A_163, %iota3A : vector<16xi32>
      %swap3A_165 = arith.constant 320 : index
      %swap3A_166 = tpu.vector_load %arg6[%swap3A_165] {strides = array<i32>} : memref<1024xi32, #tpu.memory_space<vmem>>, vector<16xi32>,
      %swap3A_167 = vector.shape_cast %swap3A_166 : vector<16xi32> to vector<16xi32>
      %swap3A_168 = vector.shape_cast %add3A_164 : vector<16xi32> to vector<16xi32>
      tpu.vector_store %arg6[%swap3A_165], %swap3A_168 {strides = array<i32>} : memref<1024xi32, #tpu.memory_space<vmem>>, vector<16xi32>,
      %add3A_169 = arith.constant 336 : i32
      %add3A_170 = arith.addi %mul3A_2, %add3A_169 : i32
      %add3A_171 = vector.broadcast %add3A_170 : i32 to vector<16xi32>
      %add3A_172 = arith.addi %add3A_171, %iota3A : vector<16xi32>
      %swap3A_173 = arith.constant 336 : index
      %swap3A_174 = tpu.vector_load %arg6[%swap3A_173] {strides = array<i32>} : memref<1024xi32, #tpu.memory_space<vmem>>, vector<16xi32>,
      %swap3A_175 = vector.shape_cast %swap3A_174 : vector<16xi32> to vector<16xi32>
      %swap3A_176 = vector.shape_cast %add3A_172 : vector<16xi32> to vector<16xi32>
      tpu.vector_store %arg6[%swap3A_173], %swap3A_176 {strides = array<i32>} : memref<1024xi32, #tpu.memory_space<vmem>>, vector<16xi32>,
      %add3A_177 = arith.constant 352 : i32
      %add3A_178 = arith.addi %mul3A_2, %add3A_177 : i32
      %add3A_179 = vector.broadcast %add3A_178 : i32 to vector<16xi32>
      %add3A_180 = arith.addi %add3A_179, %iota3A : vector<16xi32>
      %swap3A_181 = arith.constant 352 : index
      %swap3A_182 = tpu.vector_load %arg6[%swap3A_181] {strides = array<i32>} : memref<1024xi32, #tpu.memory_space<vmem>>, vector<16xi32>,
      %swap3A_183 = vector.shape_cast %swap3A_182 : vector<16xi32> to vector<16xi32>
      %swap3A_184 = vector.shape_cast %add3A_180 : vector<16xi32> to vector<16xi32>
      tpu.vector_store %arg6[%swap3A_181], %swap3A_184 {strides = array<i32>} : memref<1024xi32, #tpu.memory_space<vmem>>, vector<16xi32>,
      %add3A_185 = arith.constant 368 : i32
      %add3A_186 = arith.addi %mul3A_2, %add3A_185 : i32
      %add3A_187 = vector.broadcast %add3A_186 : i32 to vector<16xi32>
      %add3A_188 = arith.addi %add3A_187, %iota3A : vector<16xi32>
      %swap3A_189 = arith.constant 368 : index
      %swap3A_190 = tpu.vector_load %arg6[%swap3A_189] {strides = array<i32>} : memref<1024xi32, #tpu.memory_space<vmem>>, vector<16xi32>,
      %swap3A_191 = vector.shape_cast %swap3A_190 : vector<16xi32> to vector<16xi32>
      %swap3A_192 = vector.shape_cast %add3A_188 : vector<16xi32> to vector<16xi32>
      tpu.vector_store %arg6[%swap3A_189], %swap3A_192 {strides = array<i32>} : memref<1024xi32, #tpu.memory_space<vmem>>, vector<16xi32>,
      %add3A_193 = arith.constant 384 : i32
      %add3A_194 = arith.addi %mul3A_2, %add3A_193 : i32
      %add3A_195 = vector.broadcast %add3A_194 : i32 to vector<16xi32>
      %add3A_196 = arith.addi %add3A_195, %iota3A : vector<16xi32>
      %swap3A_197 = arith.constant 384 : index
      %swap3A_198 = tpu.vector_load %arg6[%swap3A_197] {strides = array<i32>} : memref<1024xi32, #tpu.memory_space<vmem>>, vector<16xi32>,
      %swap3A_199 = vector.shape_cast %swap3A_198 : vector<16xi32> to vector<16xi32>
      %swap3A_200 = vector.shape_cast %add3A_196 : vector<16xi32> to vector<16xi32>
      tpu.vector_store %arg6[%swap3A_197], %swap3A_200 {strides = array<i32>} : memref<1024xi32, #tpu.memory_space<vmem>>, vector<16xi32>,
      %add3A_201 = arith.constant 400 : i32
      %add3A_202 = arith.addi %mul3A_2, %add3A_201 : i32
      %add3A_203 = vector.broadcast %add3A_202 : i32 to vector<16xi32>
      %add3A_204 = arith.addi %add3A_203, %iota3A : vector<16xi32>
      %swap3A_205 = arith.constant 400 : index
      %swap3A_206 = tpu.vector_load %arg6[%swap3A_205] {strides = array<i32>} : memref<1024xi32, #tpu.memory_space<vmem>>, vector<16xi32>,
      %swap3A_207 = vector.shape_cast %swap3A_206 : vector<16xi32> to vector<16xi32>
      %swap3A_208 = vector.shape_cast %add3A_204 : vector<16xi32> to vector<16xi32>
      tpu.vector_store %arg6[%swap3A_205], %swap3A_208 {strides = array<i32>} : memref<1024xi32, #tpu.memory_space<vmem>>, vector<16xi32>,
      %add3A_209 = arith.constant 416 : i32
      %add3A_210 = arith.addi %mul3A_2, %add3A_209 : i32
      %add3A_211 = vector.broadcast %add3A_210 : i32 to vector<16xi32>
      %add3A_212 = arith.addi %add3A_211, %iota3A : vector<16xi32>
      %swap3A_213 = arith.constant 416 : index
      %swap3A_214 = tpu.vector_load %arg6[%swap3A_213] {strides = array<i32>} : memref<1024xi32, #tpu.memory_space<vmem>>, vector<16xi32>,
      %swap3A_215 = vector.shape_cast %swap3A_214 : vector<16xi32> to vector<16xi32>
      %swap3A_216 = vector.shape_cast %add3A_212 : vector<16xi32> to vector<16xi32>
      tpu.vector_store %arg6[%swap3A_213], %swap3A_216 {strides = array<i32>} : memref<1024xi32, #tpu.memory_space<vmem>>, vector<16xi32>,
      %add3A_217 = arith.constant 432 : i32
      %add3A_218 = arith.addi %mul3A_2, %add3A_217 : i32
      %add3A_219 = vector.broadcast %add3A_218 : i32 to vector<16xi32>
      %add3A_220 = arith.addi %add3A_219, %iota3A : vector<16xi32>
      %swap3A_221 = arith.constant 432 : index
      %swap3A_222 = tpu.vector_load %arg6[%swap3A_221] {strides = array<i32>} : memref<1024xi32, #tpu.memory_space<vmem>>, vector<16xi32>,
      %swap3A_223 = vector.shape_cast %swap3A_222 : vector<16xi32> to vector<16xi32>
      %swap3A_224 = vector.shape_cast %add3A_220 : vector<16xi32> to vector<16xi32>
      tpu.vector_store %arg6[%swap3A_221], %swap3A_224 {strides = array<i32>} : memref<1024xi32, #tpu.memory_space<vmem>>, vector<16xi32>,
      %add3A_225 = arith.constant 448 : i32
      %add3A_226 = arith.addi %mul3A_2, %add3A_225 : i32
      %add3A_227 = vector.broadcast %add3A_226 : i32 to vector<16xi32>
      %add3A_228 = arith.addi %add3A_227, %iota3A : vector<16xi32>
      %swap3A_229 = arith.constant 448 : index
      %swap3A_230 = tpu.vector_load %arg6[%swap3A_229] {strides = array<i32>} : memref<1024xi32, #tpu.memory_space<vmem>>, vector<16xi32>,
      %swap3A_231 = vector.shape_cast %swap3A_230 : vector<16xi32> to vector<16xi32>
      %swap3A_232 = vector.shape_cast %add3A_228 : vector<16xi32> to vector<16xi32>
      tpu.vector_store %arg6[%swap3A_229], %swap3A_232 {strides = array<i32>} : memref<1024xi32, #tpu.memory_space<vmem>>, vector<16xi32>,
      %add3A_233 = arith.constant 464 : i32
      %add3A_234 = arith.addi %mul3A_2, %add3A_233 : i32
      %add3A_235 = vector.broadcast %add3A_234 : i32 to vector<16xi32>
      %add3A_236 = arith.addi %add3A_235, %iota3A : vector<16xi32>
      %swap3A_237 = arith.constant 464 : index
      %swap3A_238 = tpu.vector_load %arg6[%swap3A_237] {strides = array<i32>} : memref<1024xi32, #tpu.memory_space<vmem>>, vector<16xi32>,
      %swap3A_239 = vector.shape_cast %swap3A_238 : vector<16xi32> to vector<16xi32>
      %swap3A_240 = vector.shape_cast %add3A_236 : vector<16xi32> to vector<16xi32>
      tpu.vector_store %arg6[%swap3A_237], %swap3A_240 {strides = array<i32>} : memref<1024xi32, #tpu.memory_space<vmem>>, vector<16xi32>,
      %add3A_241 = arith.constant 480 : i32
      %add3A_242 = arith.addi %mul3A_2, %add3A_241 : i32
      %add3A_243 = vector.broadcast %add3A_242 : i32 to vector<16xi32>
      %add3A_244 = arith.addi %add3A_243, %iota3A : vector<16xi32>
      %swap3A_245 = arith.constant 480 : index
      %swap3A_246 = tpu.vector_load %arg6[%swap3A_245] {strides = array<i32>} : memref<1024xi32, #tpu.memory_space<vmem>>, vector<16xi32>,
      %swap3A_247 = vector.shape_cast %swap3A_246 : vector<16xi32> to vector<16xi32>
      %swap3A_248 = vector.shape_cast %add3A_244 : vector<16xi32> to vector<16xi32>
      tpu.vector_store %arg6[%swap3A_245], %swap3A_248 {strides = array<i32>} : memref<1024xi32, #tpu.memory_space<vmem>>, vector<16xi32>,
      %add3A_249 = arith.constant 496 : i32
      %add3A_250 = arith.addi %mul3A_2, %add3A_249 : i32
      %add3A_251 = vector.broadcast %add3A_250 : i32 to vector<16xi32>
      %add3A_252 = arith.addi %add3A_251, %iota3A : vector<16xi32>
      %swap3A_253 = arith.constant 496 : index
      %swap3A_254 = tpu.vector_load %arg6[%swap3A_253] {strides = array<i32>} : memref<1024xi32, #tpu.memory_space<vmem>>, vector<16xi32>,
      %swap3A_255 = vector.shape_cast %swap3A_254 : vector<16xi32> to vector<16xi32>
      %swap3A_256 = vector.shape_cast %add3A_252 : vector<16xi32> to vector<16xi32>
      tpu.vector_store %arg6[%swap3A_253], %swap3A_256 {strides = array<i32>} : memref<1024xi32, #tpu.memory_space<vmem>>, vector<16xi32>,
      %add3A_257 = arith.constant 512 : i32
      %add3A_258 = arith.addi %mul3A_2, %add3A_257 : i32
      %add3A_259 = vector.broadcast %add3A_258 : i32 to vector<16xi32>
      %add3A_260 = arith.addi %add3A_259, %iota3A : vector<16xi32>
      %swap3A_261 = arith.constant 512 : index
      %swap3A_262 = tpu.vector_load %arg6[%swap3A_261] {strides = array<i32>} : memref<1024xi32, #tpu.memory_space<vmem>>, vector<16xi32>,
      %swap3A_263 = vector.shape_cast %swap3A_262 : vector<16xi32> to vector<16xi32>
      %swap3A_264 = vector.shape_cast %add3A_260 : vector<16xi32> to vector<16xi32>
      tpu.vector_store %arg6[%swap3A_261], %swap3A_264 {strides = array<i32>} : memref<1024xi32, #tpu.memory_space<vmem>>, vector<16xi32>,
      %add3A_265 = arith.constant 528 : i32
      %add3A_266 = arith.addi %mul3A_2, %add3A_265 : i32
      %add3A_267 = vector.broadcast %add3A_266 : i32 to vector<16xi32>
      %add3A_268 = arith.addi %add3A_267, %iota3A : vector<16xi32>
      %swap3A_269 = arith.constant 528 : index
      %swap3A_270 = tpu.vector_load %arg6[%swap3A_269] {strides = array<i32>} : memref<1024xi32, #tpu.memory_space<vmem>>, vector<16xi32>,
      %swap3A_271 = vector.shape_cast %swap3A_270 : vector<16xi32> to vector<16xi32>
      %swap3A_272 = vector.shape_cast %add3A_268 : vector<16xi32> to vector<16xi32>
      tpu.vector_store %arg6[%swap3A_269], %swap3A_272 {strides = array<i32>} : memref<1024xi32, #tpu.memory_space<vmem>>, vector<16xi32>,
      %add3A_273 = arith.constant 544 : i32
      %add3A_274 = arith.addi %mul3A_2, %add3A_273 : i32
      %add3A_275 = vector.broadcast %add3A_274 : i32 to vector<16xi32>
      %add3A_276 = arith.addi %add3A_275, %iota3A : vector<16xi32>
      %swap3A_277 = arith.constant 544 : index
      %swap3A_278 = tpu.vector_load %arg6[%swap3A_277] {strides = array<i32>} : memref<1024xi32, #tpu.memory_space<vmem>>, vector<16xi32>,
      %swap3A_279 = vector.shape_cast %swap3A_278 : vector<16xi32> to vector<16xi32>
      %swap3A_280 = vector.shape_cast %add3A_276 : vector<16xi32> to vector<16xi32>
      tpu.vector_store %arg6[%swap3A_277], %swap3A_280 {strides = array<i32>} : memref<1024xi32, #tpu.memory_space<vmem>>, vector<16xi32>,
      %add3A_281 = arith.constant 560 : i32
      %add3A_282 = arith.addi %mul3A_2, %add3A_281 : i32
      %add3A_283 = vector.broadcast %add3A_282 : i32 to vector<16xi32>
      %add3A_284 = arith.addi %add3A_283, %iota3A : vector<16xi32>
      %swap3A_285 = arith.constant 560 : index
      %swap3A_286 = tpu.vector_load %arg6[%swap3A_285] {strides = array<i32>} : memref<1024xi32, #tpu.memory_space<vmem>>, vector<16xi32>,
      %swap3A_287 = vector.shape_cast %swap3A_286 : vector<16xi32> to vector<16xi32>
      %swap3A_288 = vector.shape_cast %add3A_284 : vector<16xi32> to vector<16xi32>
      tpu.vector_store %arg6[%swap3A_285], %swap3A_288 {strides = array<i32>} : memref<1024xi32, #tpu.memory_space<vmem>>, vector<16xi32>,
      %add3A_289 = arith.constant 576 : i32
      %add3A_290 = arith.addi %mul3A_2, %add3A_289 : i32
      %add3A_291 = vector.broadcast %add3A_290 : i32 to vector<16xi32>
      %add3A_292 = arith.addi %add3A_291, %iota3A : vector<16xi32>
      %swap3A_293 = arith.constant 576 : index
      %swap3A_294 = tpu.vector_load %arg6[%swap3A_293] {strides = array<i32>} : memref<1024xi32, #tpu.memory_space<vmem>>, vector<16xi32>,
      %swap3A_295 = vector.shape_cast %swap3A_294 : vector<16xi32> to vector<16xi32>
      %swap3A_296 = vector.shape_cast %add3A_292 : vector<16xi32> to vector<16xi32>
      tpu.vector_store %arg6[%swap3A_293], %swap3A_296 {strides = array<i32>} : memref<1024xi32, #tpu.memory_space<vmem>>, vector<16xi32>,
      %add3A_297 = arith.constant 592 : i32
      %add3A_298 = arith.addi %mul3A_2, %add3A_297 : i32
      %add3A_299 = vector.broadcast %add3A_298 : i32 to vector<16xi32>
      %add3A_300 = arith.addi %add3A_299, %iota3A : vector<16xi32>
      %swap3A_301 = arith.constant 592 : index
      %swap3A_302 = tpu.vector_load %arg6[%swap3A_301] {strides = array<i32>} : memref<1024xi32, #tpu.memory_space<vmem>>, vector<16xi32>,
      %swap3A_303 = vector.shape_cast %swap3A_302 : vector<16xi32> to vector<16xi32>
      %swap3A_304 = vector.shape_cast %add3A_300 : vector<16xi32> to vector<16xi32>
      tpu.vector_store %arg6[%swap3A_301], %swap3A_304 {strides = array<i32>} : memref<1024xi32, #tpu.memory_space<vmem>>, vector<16xi32>,
      %add3A_305 = arith.constant 608 : i32
      %add3A_306 = arith.addi %mul3A_2, %add3A_305 : i32
      %add3A_307 = vector.broadcast %add3A_306 : i32 to vector<16xi32>
      %add3A_308 = arith.addi %add3A_307, %iota3A : vector<16xi32>
      %swap3A_309 = arith.constant 608 : index
      %swap3A_310 = tpu.vector_load %arg6[%swap3A_309] {strides = array<i32>} : memref<1024xi32, #tpu.memory_space<vmem>>, vector<16xi32>,
      %swap3A_311 = vector.shape_cast %swap3A_310 : vector<16xi32> to vector<16xi32>
      %swap3A_312 = vector.shape_cast %add3A_308 : vector<16xi32> to vector<16xi32>
      tpu.vector_store %arg6[%swap3A_309], %swap3A_312 {strides = array<i32>} : memref<1024xi32, #tpu.memory_space<vmem>>, vector<16xi32>,
      %add3A_313 = arith.constant 624 : i32
      %add3A_314 = arith.addi %mul3A_2, %add3A_313 : i32
      %add3A_315 = vector.broadcast %add3A_314 : i32 to vector<16xi32>
      %add3A_316 = arith.addi %add3A_315, %iota3A : vector<16xi32>
      %swap3A_317 = arith.constant 624 : index
      %swap3A_318 = tpu.vector_load %arg6[%swap3A_317] {strides = array<i32>} : memref<1024xi32, #tpu.memory_space<vmem>>, vector<16xi32>,
      %swap3A_319 = vector.shape_cast %swap3A_318 : vector<16xi32> to vector<16xi32>
      %swap3A_320 = vector.shape_cast %add3A_316 : vector<16xi32> to vector<16xi32>
      tpu.vector_store %arg6[%swap3A_317], %swap3A_320 {strides = array<i32>} : memref<1024xi32, #tpu.memory_space<vmem>>, vector<16xi32>,
      %add3A_321 = arith.constant 640 : i32
      %add3A_322 = arith.addi %mul3A_2, %add3A_321 : i32
      %add3A_323 = vector.broadcast %add3A_322 : i32 to vector<16xi32>
      %add3A_324 = arith.addi %add3A_323, %iota3A : vector<16xi32>
      %swap3A_325 = arith.constant 640 : index
      %swap3A_326 = tpu.vector_load %arg6[%swap3A_325] {strides = array<i32>} : memref<1024xi32, #tpu.memory_space<vmem>>, vector<16xi32>,
      %swap3A_327 = vector.shape_cast %swap3A_326 : vector<16xi32> to vector<16xi32>
      %swap3A_328 = vector.shape_cast %add3A_324 : vector<16xi32> to vector<16xi32>
      tpu.vector_store %arg6[%swap3A_325], %swap3A_328 {strides = array<i32>} : memref<1024xi32, #tpu.memory_space<vmem>>, vector<16xi32>,
      %add3A_329 = arith.constant 656 : i32
      %add3A_330 = arith.addi %mul3A_2, %add3A_329 : i32
      %add3A_331 = vector.broadcast %add3A_330 : i32 to vector<16xi32>
      %add3A_332 = arith.addi %add3A_331, %iota3A : vector<16xi32>
      %swap3A_333 = arith.constant 656 : index
      %swap3A_334 = tpu.vector_load %arg6[%swap3A_333] {strides = array<i32>} : memref<1024xi32, #tpu.memory_space<vmem>>, vector<16xi32>,
      %swap3A_335 = vector.shape_cast %swap3A_334 : vector<16xi32> to vector<16xi32>
      %swap3A_336 = vector.shape_cast %add3A_332 : vector<16xi32> to vector<16xi32>
      tpu.vector_store %arg6[%swap3A_333], %swap3A_336 {strides = array<i32>} : memref<1024xi32, #tpu.memory_space<vmem>>, vector<16xi32>,
      %add3A_337 = arith.constant 672 : i32
      %add3A_338 = arith.addi %mul3A_2, %add3A_337 : i32
      %add3A_339 = vector.broadcast %add3A_338 : i32 to vector<16xi32>
      %add3A_340 = arith.addi %add3A_339, %iota3A : vector<16xi32>
      %swap3A_341 = arith.constant 672 : index
      %swap3A_342 = tpu.vector_load %arg6[%swap3A_341] {strides = array<i32>} : memref<1024xi32, #tpu.memory_space<vmem>>, vector<16xi32>,
      %swap3A_343 = vector.shape_cast %swap3A_342 : vector<16xi32> to vector<16xi32>
      %swap3A_344 = vector.shape_cast %add3A_340 : vector<16xi32> to vector<16xi32>
      tpu.vector_store %arg6[%swap3A_341], %swap3A_344 {strides = array<i32>} : memref<1024xi32, #tpu.memory_space<vmem>>, vector<16xi32>,
      %add3A_345 = arith.constant 688 : i32
      %add3A_346 = arith.addi %mul3A_2, %add3A_345 : i32
      %add3A_347 = vector.broadcast %add3A_346 : i32 to vector<16xi32>
      %add3A_348 = arith.addi %add3A_347, %iota3A : vector<16xi32>
      %swap3A_349 = arith.constant 688 : index
      %swap3A_350 = tpu.vector_load %arg6[%swap3A_349] {strides = array<i32>} : memref<1024xi32, #tpu.memory_space<vmem>>, vector<16xi32>,
      %swap3A_351 = vector.shape_cast %swap3A_350 : vector<16xi32> to vector<16xi32>
      %swap3A_352 = vector.shape_cast %add3A_348 : vector<16xi32> to vector<16xi32>
      tpu.vector_store %arg6[%swap3A_349], %swap3A_352 {strides = array<i32>} : memref<1024xi32, #tpu.memory_space<vmem>>, vector<16xi32>,
      %add3A_353 = arith.constant 704 : i32
      %add3A_354 = arith.addi %mul3A_2, %add3A_353 : i32
      %add3A_355 = vector.broadcast %add3A_354 : i32 to vector<16xi32>
      %add3A_356 = arith.addi %add3A_355, %iota3A : vector<16xi32>
      %swap3A_357 = arith.constant 704 : index
      %swap3A_358 = tpu.vector_load %arg6[%swap3A_357] {strides = array<i32>} : memref<1024xi32, #tpu.memory_space<vmem>>, vector<16xi32>,
      %swap3A_359 = vector.shape_cast %swap3A_358 : vector<16xi32> to vector<16xi32>
      %swap3A_360 = vector.shape_cast %add3A_356 : vector<16xi32> to vector<16xi32>
      tpu.vector_store %arg6[%swap3A_357], %swap3A_360 {strides = array<i32>} : memref<1024xi32, #tpu.memory_space<vmem>>, vector<16xi32>,
      %add3A_361 = arith.constant 720 : i32
      %add3A_362 = arith.addi %mul3A_2, %add3A_361 : i32
      %add3A_363 = vector.broadcast %add3A_362 : i32 to vector<16xi32>
      %add3A_364 = arith.addi %add3A_363, %iota3A : vector<16xi32>
      %swap3A_365 = arith.constant 720 : index
      %swap3A_366 = tpu.vector_load %arg6[%swap3A_365] {strides = array<i32>} : memref<1024xi32, #tpu.memory_space<vmem>>, vector<16xi32>,
      %swap3A_367 = vector.shape_cast %swap3A_366 : vector<16xi32> to vector<16xi32>
      %swap3A_368 = vector.shape_cast %add3A_364 : vector<16xi32> to vector<16xi32>
      tpu.vector_store %arg6[%swap3A_365], %swap3A_368 {strides = array<i32>} : memref<1024xi32, #tpu.memory_space<vmem>>, vector<16xi32>,
      %add3A_369 = arith.constant 736 : i32
      %add3A_370 = arith.addi %mul3A_2, %add3A_369 : i32
      %add3A_371 = vector.broadcast %add3A_370 : i32 to vector<16xi32>
      %add3A_372 = arith.addi %add3A_371, %iota3A : vector<16xi32>
      %swap3A_373 = arith.constant 736 : index
      %swap3A_374 = tpu.vector_load %arg6[%swap3A_373] {strides = array<i32>} : memref<1024xi32, #tpu.memory_space<vmem>>, vector<16xi32>,
      %swap3A_375 = vector.shape_cast %swap3A_374 : vector<16xi32> to vector<16xi32>
      %swap3A_376 = vector.shape_cast %add3A_372 : vector<16xi32> to vector<16xi32>
      tpu.vector_store %arg6[%swap3A_373], %swap3A_376 {strides = array<i32>} : memref<1024xi32, #tpu.memory_space<vmem>>, vector<16xi32>,
      %add3A_377 = arith.constant 752 : i32
      %add3A_378 = arith.addi %mul3A_2, %add3A_377 : i32
      %add3A_379 = vector.broadcast %add3A_378 : i32 to vector<16xi32>
      %add3A_380 = arith.addi %add3A_379, %iota3A : vector<16xi32>
      %swap3A_381 = arith.constant 752 : index
      %swap3A_382 = tpu.vector_load %arg6[%swap3A_381] {strides = array<i32>} : memref<1024xi32, #tpu.memory_space<vmem>>, vector<16xi32>,
      %swap3A_383 = vector.shape_cast %swap3A_382 : vector<16xi32> to vector<16xi32>
      %swap3A_384 = vector.shape_cast %add3A_380 : vector<16xi32> to vector<16xi32>
      tpu.vector_store %arg6[%swap3A_381], %swap3A_384 {strides = array<i32>} : memref<1024xi32, #tpu.memory_space<vmem>>, vector<16xi32>,
      %add3A_385 = arith.constant 768 : i32
      %add3A_386 = arith.addi %mul3A_2, %add3A_385 : i32
      %add3A_387 = vector.broadcast %add3A_386 : i32 to vector<16xi32>
      %add3A_388 = arith.addi %add3A_387, %iota3A : vector<16xi32>
      %swap3A_389 = arith.constant 768 : index
      %swap3A_390 = tpu.vector_load %arg6[%swap3A_389] {strides = array<i32>} : memref<1024xi32, #tpu.memory_space<vmem>>, vector<16xi32>,
      %swap3A_391 = vector.shape_cast %swap3A_390 : vector<16xi32> to vector<16xi32>
      %swap3A_392 = vector.shape_cast %add3A_388 : vector<16xi32> to vector<16xi32>
      tpu.vector_store %arg6[%swap3A_389], %swap3A_392 {strides = array<i32>} : memref<1024xi32, #tpu.memory_space<vmem>>, vector<16xi32>,
      %add3A_393 = arith.constant 784 : i32
      %add3A_394 = arith.addi %mul3A_2, %add3A_393 : i32
      %add3A_395 = vector.broadcast %add3A_394 : i32 to vector<16xi32>
      %add3A_396 = arith.addi %add3A_395, %iota3A : vector<16xi32>
      %swap3A_397 = arith.constant 784 : index
      %swap3A_398 = tpu.vector_load %arg6[%swap3A_397] {strides = array<i32>} : memref<1024xi32, #tpu.memory_space<vmem>>, vector<16xi32>,
      %swap3A_399 = vector.shape_cast %swap3A_398 : vector<16xi32> to vector<16xi32>
      %swap3A_400 = vector.shape_cast %add3A_396 : vector<16xi32> to vector<16xi32>
      tpu.vector_store %arg6[%swap3A_397], %swap3A_400 {strides = array<i32>} : memref<1024xi32, #tpu.memory_space<vmem>>, vector<16xi32>,
      %add3A_401 = arith.constant 800 : i32
      %add3A_402 = arith.addi %mul3A_2, %add3A_401 : i32
      %add3A_403 = vector.broadcast %add3A_402 : i32 to vector<16xi32>
      %add3A_404 = arith.addi %add3A_403, %iota3A : vector<16xi32>
      %swap3A_405 = arith.constant 800 : index
      %swap3A_406 = tpu.vector_load %arg6[%swap3A_405] {strides = array<i32>} : memref<1024xi32, #tpu.memory_space<vmem>>, vector<16xi32>,
      %swap3A_407 = vector.shape_cast %swap3A_406 : vector<16xi32> to vector<16xi32>
      %swap3A_408 = vector.shape_cast %add3A_404 : vector<16xi32> to vector<16xi32>
      tpu.vector_store %arg6[%swap3A_405], %swap3A_408 {strides = array<i32>} : memref<1024xi32, #tpu.memory_space<vmem>>, vector<16xi32>,
      %add3A_409 = arith.constant 816 : i32
      %add3A_410 = arith.addi %mul3A_2, %add3A_409 : i32
      %add3A_411 = vector.broadcast %add3A_410 : i32 to vector<16xi32>
      %add3A_412 = arith.addi %add3A_411, %iota3A : vector<16xi32>
      %swap3A_413 = arith.constant 816 : index
      %swap3A_414 = tpu.vector_load %arg6[%swap3A_413] {strides = array<i32>} : memref<1024xi32, #tpu.memory_space<vmem>>, vector<16xi32>,
      %swap3A_415 = vector.shape_cast %swap3A_414 : vector<16xi32> to vector<16xi32>
      %swap3A_416 = vector.shape_cast %add3A_412 : vector<16xi32> to vector<16xi32>
      tpu.vector_store %arg6[%swap3A_413], %swap3A_416 {strides = array<i32>} : memref<1024xi32, #tpu.memory_space<vmem>>, vector<16xi32>,
      %add3A_417 = arith.constant 832 : i32
      %add3A_418 = arith.addi %mul3A_2, %add3A_417 : i32
      %add3A_419 = vector.broadcast %add3A_418 : i32 to vector<16xi32>
      %add3A_420 = arith.addi %add3A_419, %iota3A : vector<16xi32>
      %swap3A_421 = arith.constant 832 : index
      %swap3A_422 = tpu.vector_load %arg6[%swap3A_421] {strides = array<i32>} : memref<1024xi32, #tpu.memory_space<vmem>>, vector<16xi32>,
      %swap3A_423 = vector.shape_cast %swap3A_422 : vector<16xi32> to vector<16xi32>
      %swap3A_424 = vector.shape_cast %add3A_420 : vector<16xi32> to vector<16xi32>
      tpu.vector_store %arg6[%swap3A_421], %swap3A_424 {strides = array<i32>} : memref<1024xi32, #tpu.memory_space<vmem>>, vector<16xi32>,
      %add3A_425 = arith.constant 848 : i32
      %add3A_426 = arith.addi %mul3A_2, %add3A_425 : i32
      %add3A_427 = vector.broadcast %add3A_426 : i32 to vector<16xi32>
      %add3A_428 = arith.addi %add3A_427, %iota3A : vector<16xi32>
      %swap3A_429 = arith.constant 848 : index
      %swap3A_430 = tpu.vector_load %arg6[%swap3A_429] {strides = array<i32>} : memref<1024xi32, #tpu.memory_space<vmem>>, vector<16xi32>,
      %swap3A_431 = vector.shape_cast %swap3A_430 : vector<16xi32> to vector<16xi32>
      %swap3A_432 = vector.shape_cast %add3A_428 : vector<16xi32> to vector<16xi32>
      tpu.vector_store %arg6[%swap3A_429], %swap3A_432 {strides = array<i32>} : memref<1024xi32, #tpu.memory_space<vmem>>, vector<16xi32>,
      %add3A_433 = arith.constant 864 : i32
      %add3A_434 = arith.addi %mul3A_2, %add3A_433 : i32
      %add3A_435 = vector.broadcast %add3A_434 : i32 to vector<16xi32>
      %add3A_436 = arith.addi %add3A_435, %iota3A : vector<16xi32>
      %swap3A_437 = arith.constant 864 : index
      %swap3A_438 = tpu.vector_load %arg6[%swap3A_437] {strides = array<i32>} : memref<1024xi32, #tpu.memory_space<vmem>>, vector<16xi32>,
      %swap3A_439 = vector.shape_cast %swap3A_438 : vector<16xi32> to vector<16xi32>
      %swap3A_440 = vector.shape_cast %add3A_436 : vector<16xi32> to vector<16xi32>
      tpu.vector_store %arg6[%swap3A_437], %swap3A_440 {strides = array<i32>} : memref<1024xi32, #tpu.memory_space<vmem>>, vector<16xi32>,
      %add3A_441 = arith.constant 880 : i32
      %add3A_442 = arith.addi %mul3A_2, %add3A_441 : i32
      %add3A_443 = vector.broadcast %add3A_442 : i32 to vector<16xi32>
      %add3A_444 = arith.addi %add3A_443, %iota3A : vector<16xi32>
      %swap3A_445 = arith.constant 880 : index
      %swap3A_446 = tpu.vector_load %arg6[%swap3A_445] {strides = array<i32>} : memref<1024xi32, #tpu.memory_space<vmem>>, vector<16xi32>,
      %swap3A_447 = vector.shape_cast %swap3A_446 : vector<16xi32> to vector<16xi32>
      %swap3A_448 = vector.shape_cast %add3A_444 : vector<16xi32> to vector<16xi32>
      tpu.vector_store %arg6[%swap3A_445], %swap3A_448 {strides = array<i32>} : memref<1024xi32, #tpu.memory_space<vmem>>, vector<16xi32>,
      %add3A_449 = arith.constant 896 : i32
      %add3A_450 = arith.addi %mul3A_2, %add3A_449 : i32
      %add3A_451 = vector.broadcast %add3A_450 : i32 to vector<16xi32>
      %add3A_452 = arith.addi %add3A_451, %iota3A : vector<16xi32>
      %swap3A_453 = arith.constant 896 : index
      %swap3A_454 = tpu.vector_load %arg6[%swap3A_453] {strides = array<i32>} : memref<1024xi32, #tpu.memory_space<vmem>>, vector<16xi32>,
      %swap3A_455 = vector.shape_cast %swap3A_454 : vector<16xi32> to vector<16xi32>
      %swap3A_456 = vector.shape_cast %add3A_452 : vector<16xi32> to vector<16xi32>
      tpu.vector_store %arg6[%swap3A_453], %swap3A_456 {strides = array<i32>} : memref<1024xi32, #tpu.memory_space<vmem>>, vector<16xi32>,
      %add3A_457 = arith.constant 912 : i32
      %add3A_458 = arith.addi %mul3A_2, %add3A_457 : i32
      %add3A_459 = vector.broadcast %add3A_458 : i32 to vector<16xi32>
      %add3A_460 = arith.addi %add3A_459, %iota3A : vector<16xi32>
      %swap3A_461 = arith.constant 912 : index
      %swap3A_462 = tpu.vector_load %arg6[%swap3A_461] {strides = array<i32>} : memref<1024xi32, #tpu.memory_space<vmem>>, vector<16xi32>,
      %swap3A_463 = vector.shape_cast %swap3A_462 : vector<16xi32> to vector<16xi32>
      %swap3A_464 = vector.shape_cast %add3A_460 : vector<16xi32> to vector<16xi32>
      tpu.vector_store %arg6[%swap3A_461], %swap3A_464 {strides = array<i32>} : memref<1024xi32, #tpu.memory_space<vmem>>, vector<16xi32>,
      %add3A_465 = arith.constant 928 : i32
      %add3A_466 = arith.addi %mul3A_2, %add3A_465 : i32
      %add3A_467 = vector.broadcast %add3A_466 : i32 to vector<16xi32>
      %add3A_468 = arith.addi %add3A_467, %iota3A : vector<16xi32>
      %swap3A_469 = arith.constant 928 : index
      %swap3A_470 = tpu.vector_load %arg6[%swap3A_469] {strides = array<i32>} : memref<1024xi32, #tpu.memory_space<vmem>>, vector<16xi32>,
      %swap3A_471 = vector.shape_cast %swap3A_470 : vector<16xi32> to vector<16xi32>
      %swap3A_472 = vector.shape_cast %add3A_468 : vector<16xi32> to vector<16xi32>
      tpu.vector_store %arg6[%swap3A_469], %swap3A_472 {strides = array<i32>} : memref<1024xi32, #tpu.memory_space<vmem>>, vector<16xi32>,
      %add3A_473 = arith.constant 944 : i32
      %add3A_474 = arith.addi %mul3A_2, %add3A_473 : i32
      %add3A_475 = vector.broadcast %add3A_474 : i32 to vector<16xi32>
      %add3A_476 = arith.addi %add3A_475, %iota3A : vector<16xi32>
      %swap3A_477 = arith.constant 944 : index
      %swap3A_478 = tpu.vector_load %arg6[%swap3A_477] {strides = array<i32>} : memref<1024xi32, #tpu.memory_space<vmem>>, vector<16xi32>,
      %swap3A_479 = vector.shape_cast %swap3A_478 : vector<16xi32> to vector<16xi32>
      %swap3A_480 = vector.shape_cast %add3A_476 : vector<16xi32> to vector<16xi32>
      tpu.vector_store %arg6[%swap3A_477], %swap3A_480 {strides = array<i32>} : memref<1024xi32, #tpu.memory_space<vmem>>, vector<16xi32>,
      %add3A_481 = arith.constant 960 : i32
      %add3A_482 = arith.addi %mul3A_2, %add3A_481 : i32
      %add3A_483 = vector.broadcast %add3A_482 : i32 to vector<16xi32>
      %add3A_484 = arith.addi %add3A_483, %iota3A : vector<16xi32>
      %swap3A_485 = arith.constant 960 : index
      %swap3A_486 = tpu.vector_load %arg6[%swap3A_485] {strides = array<i32>} : memref<1024xi32, #tpu.memory_space<vmem>>, vector<16xi32>,
      %swap3A_487 = vector.shape_cast %swap3A_486 : vector<16xi32> to vector<16xi32>
      %swap3A_488 = vector.shape_cast %add3A_484 : vector<16xi32> to vector<16xi32>
      tpu.vector_store %arg6[%swap3A_485], %swap3A_488 {strides = array<i32>} : memref<1024xi32, #tpu.memory_space<vmem>>, vector<16xi32>,
      %add3A_489 = arith.constant 976 : i32
      %add3A_490 = arith.addi %mul3A_2, %add3A_489 : i32
      %add3A_491 = vector.broadcast %add3A_490 : i32 to vector<16xi32>
      %add3A_492 = arith.addi %add3A_491, %iota3A : vector<16xi32>
      %swap3A_493 = arith.constant 976 : index
      %swap3A_494 = tpu.vector_load %arg6[%swap3A_493] {strides = array<i32>} : memref<1024xi32, #tpu.memory_space<vmem>>, vector<16xi32>,
      %swap3A_495 = vector.shape_cast %swap3A_494 : vector<16xi32> to vector<16xi32>
      %swap3A_496 = vector.shape_cast %add3A_492 : vector<16xi32> to vector<16xi32>
      tpu.vector_store %arg6[%swap3A_493], %swap3A_496 {strides = array<i32>} : memref<1024xi32, #tpu.memory_space<vmem>>, vector<16xi32>,
      %add3A_497 = arith.constant 992 : i32
      %add3A_498 = arith.addi %mul3A_2, %add3A_497 : i32
      %add3A_499 = vector.broadcast %add3A_498 : i32 to vector<16xi32>
      %add3A_500 = arith.addi %add3A_499, %iota3A : vector<16xi32>
      %swap3A_501 = arith.constant 992 : index
      %swap3A_502 = tpu.vector_load %arg6[%swap3A_501] {strides = array<i32>} : memref<1024xi32, #tpu.memory_space<vmem>>, vector<16xi32>,
      %swap3A_503 = vector.shape_cast %swap3A_502 : vector<16xi32> to vector<16xi32>
      %swap3A_504 = vector.shape_cast %add3A_500 : vector<16xi32> to vector<16xi32>
      tpu.vector_store %arg6[%swap3A_501], %swap3A_504 {strides = array<i32>} : memref<1024xi32, #tpu.memory_space<vmem>>, vector<16xi32>,
      %add3A_505 = arith.constant 1008 : i32
      %add3A_506 = arith.addi %mul3A_2, %add3A_505 : i32
      %add3A_507 = vector.broadcast %add3A_506 : i32 to vector<16xi32>
      %add3A_508 = arith.addi %add3A_507, %iota3A : vector<16xi32>
      %swap3A_509 = arith.constant 1008 : index
      %swap3A_510 = tpu.vector_load %arg6[%swap3A_509] {strides = array<i32>} : memref<1024xi32, #tpu.memory_space<vmem>>, vector<16xi32>,
      %swap3A_511 = vector.shape_cast %swap3A_510 : vector<16xi32> to vector<16xi32>
      %swap3A_512 = vector.shape_cast %add3A_508 : vector<16xi32> to vector<16xi32>
      tpu.vector_store %arg6[%swap3A_509], %swap3A_512 {strides = array<i32>} : memref<1024xi32, #tpu.memory_space<vmem>>, vector<16xi32>,
      "tpu.region"() ({
        %run_scoped3A = tpu.sem_alloc : memref<!tpu.dma_semaphore, #tpu.memory_space<semaphore_mem>>
        %dma_start3A = arith.constant 0 : i32
        %dma_start3A_518 = tpu.memref_slice %arg4[%dma_start3A] : memref<1016384xi32, #tpu.memory_space<vmem_shared>> -> memref<1016384xi32, #tpu.memory_space<vmem_shared>>
        tpu.enqueue_indirect_dma source(%arg6 : memref<1024xi32, #tpu.memory_space<vmem>>) target(%dma_start3A_518 : memref<1016384xi32, #tpu.memory_space<vmem_shared>>) offsets(%arg5 : memref<1024xi32, #tpu.memory_space<vmem>>) semaphore(%run_scoped3A : memref<!tpu.dma_semaphore, #tpu.memory_space<semaphore_mem>>)
        %dma_wait3A = arith.constant 0 : i32
        %dma_wait3A_519 = tpu.memref_slice %arg4[%dma_wait3A] : memref<1016384xi32, #tpu.memory_space<vmem_shared>> -> memref<1016384xi32, #tpu.memory_space<vmem_shared>>
        tpu.wait_indirect_dma semaphore(%run_scoped3A : memref<!tpu.dma_semaphore, #tpu.memory_space<semaphore_mem>>) src(%arg6 : memref<1024xi32, #tpu.memory_space<vmem>>) dst(%dma_wait3A_519 : memref<1016384xi32, #tpu.memory_space<vmem_shared>>)
        tpu.yield
      }) : () -> ()
      %barrier3A = arith.constant 0 : index
      tpu.barrier barrier_id(%barrier3A)
      %scan3A = arith.constant 0 : i32
      %scan3A_513 = arith.constant 0 : i32
      %scan3A_514 = arith.constant 4 : i32
      %scan3A_515 = arith.addi %scan3A_513, %scan3A_514 : i32
      %scan3A_516 = arith.constant 1 : i32
      scf.for %scan3A_518 = %scan3A_513 to %scan3A_515 step %scan3A_516  : i32 {
        "tpu.region"() ({
          %run_scoped3A = tpu.sem_alloc : memref<!tpu.dma_semaphore, #tpu.memory_space<semaphore_mem>>
          %dma_start3A = arith.constant 0 : i32
          %dma_start3A_1861 = tpu.memref_slice %arg4[%dma_start3A] : memref<1016384xi32, #tpu.memory_space<vmem_shared>> -> memref<1016384xi32, #tpu.memory_space<vmem_shared>>
          tpu.enqueue_indirect_dma source(%dma_start3A_1861 : memref<1016384xi32, #tpu.memory_space<vmem_shared>>) target(%arg7 : memref<1024xi32, #tpu.memory_space<vmem>>) offsets(%arg5 : memref<1024xi32, #tpu.memory_space<vmem>>) semaphore(%run_scoped3A : memref<!tpu.dma_semaphore, #tpu.memory_space<semaphore_mem>>)
          %dma_wait3A = arith.constant 0 : i32
          %dma_wait3A_1862 = tpu.memref_slice %arg4[%dma_wait3A] : memref<1016384xi32, #tpu.memory_space<vmem_shared>> -> memref<1016384xi32, #tpu.memory_space<vmem_shared>>
          tpu.wait_indirect_dma semaphore(%run_scoped3A : memref<!tpu.dma_semaphore, #tpu.memory_space<semaphore_mem>>) src(%dma_wait3A_1862 : memref<1016384xi32, #tpu.memory_space<vmem_shared>>) dst(%arg7 : memref<1024xi32, #tpu.memory_space<vmem>>)
          tpu.yield
        }) : () -> ()
        %get3A = arith.constant 0 : index
        %get3A_519 = tpu.vector_load %arg7[%get3A] {strides = array<i32>} : memref<1024xi32, #tpu.memory_space<vmem>>, vector<16xi32>,
        %get3A_520 = vector.shape_cast %get3A_519 : vector<16xi32> to vector<16xi32>
        %get3A_521 = arith.constant 0 : index
        %get3A_522 = tpu.vector_load %arg6[%get3A_521] {strides = array<i32>} : memref<1024xi32, #tpu.memory_space<vmem>>, vector<16xi32>,
        %get3A_523 = vector.shape_cast %get3A_522 : vector<16xi32> to vector<16xi32>
        %lt3A = arith.cmpi slt, %get3A_520, %get3A_523 : vector<16xi32>
        %get3A_524 = arith.constant 0 : index
        %get3A_525 = tpu.vector_load %arg5[%get3A_524] {strides = array<i32>} : memref<1024xi32, #tpu.memory_space<vmem>>, vector<16xi32>,
        %get3A_526 = vector.shape_cast %get3A_525 : vector<16xi32> to vector<16xi32>
        %get3A_527 = arith.constant 0 : index
        %get3A_528 = tpu.vector_load %arg6[%get3A_527] {strides = array<i32>} : memref<1024xi32, #tpu.memory_space<vmem>>, vector<16xi32>,
        %get3A_529 = vector.shape_cast %get3A_528 : vector<16xi32> to vector<16xi32>
        %add3A_530 = arith.constant 1000000 : i32
        %add3A_531 = vector.broadcast %add3A_530 : i32 to vector<16xi32>
        %add3A_532 = arith.addi %get3A_529, %add3A_531 : vector<16xi32>
        %select_n3A = arith.select %lt3A, %get3A_526, %add3A_532 : vector<16xi1>, vector<16xi32>
        %swap3A_533 = arith.constant 0 : index
        %swap3A_534 = tpu.vector_load %arg8[%swap3A_533] {strides = array<i32>} : memref<1024xi32, #tpu.memory_space<vmem>>, vector<16xi32>,
        %swap3A_535 = vector.shape_cast %swap3A_534 : vector<16xi32> to vector<16xi32>
        %swap3A_536 = vector.shape_cast %select_n3A : vector<16xi32> to vector<16xi32>
        tpu.vector_store %arg8[%swap3A_533], %swap3A_536 {strides = array<i32>} : memref<1024xi32, #tpu.memory_space<vmem>>, vector<16xi32>,
        %get3A_537 = arith.constant 16 : index
        %get3A_538 = tpu.vector_load %arg7[%get3A_537] {strides = array<i32>} : memref<1024xi32, #tpu.memory_space<vmem>>, vector<16xi32>,
        %get3A_539 = vector.shape_cast %get3A_538 : vector<16xi32> to vector<16xi32>
        %get3A_540 = arith.constant 16 : index
        %get3A_541 = tpu.vector_load %arg6[%get3A_540] {strides = array<i32>} : memref<1024xi32, #tpu.memory_space<vmem>>, vector<16xi32>,
        %get3A_542 = vector.shape_cast %get3A_541 : vector<16xi32> to vector<16xi32>
        %lt3A_543 = arith.cmpi slt, %get3A_539, %get3A_542 : vector<16xi32>
        %get3A_544 = arith.constant 16 : index
        %get3A_545 = tpu.vector_load %arg5[%get3A_544] {strides = array<i32>} : memref<1024xi32, #tpu.memory_space<vmem>>, vector<16xi32>,
        %get3A_546 = vector.shape_cast %get3A_545 : vector<16xi32> to vector<16xi32>
        %get3A_547 = arith.constant 16 : index
        %get3A_548 = tpu.vector_load %arg6[%get3A_547] {strides = array<i32>} : memref<1024xi32, #tpu.memory_space<vmem>>, vector<16xi32>,
        %get3A_549 = vector.shape_cast %get3A_548 : vector<16xi32> to vector<16xi32>
        %add3A_550 = arith.constant 1000000 : i32
        %add3A_551 = vector.broadcast %add3A_550 : i32 to vector<16xi32>
        %add3A_552 = arith.addi %get3A_549, %add3A_551 : vector<16xi32>
        %select_n3A_553 = arith.select %lt3A_543, %get3A_546, %add3A_552 : vector<16xi1>, vector<16xi32>
        %swap3A_554 = arith.constant 16 : index
        %swap3A_555 = tpu.vector_load %arg8[%swap3A_554] {strides = array<i32>} : memref<1024xi32, #tpu.memory_space<vmem>>, vector<16xi32>,
        %swap3A_556 = vector.shape_cast %swap3A_555 : vector<16xi32> to vector<16xi32>
        %swap3A_557 = vector.shape_cast %select_n3A_553 : vector<16xi32> to vector<16xi32>
        tpu.vector_store %arg8[%swap3A_554], %swap3A_557 {strides = array<i32>} : memref<1024xi32, #tpu.memory_space<vmem>>, vector<16xi32>,
        %get3A_558 = arith.constant 32 : index
        %get3A_559 = tpu.vector_load %arg7[%get3A_558] {strides = array<i32>} : memref<1024xi32, #tpu.memory_space<vmem>>, vector<16xi32>,
        %get3A_560 = vector.shape_cast %get3A_559 : vector<16xi32> to vector<16xi32>
        %get3A_561 = arith.constant 32 : index
        %get3A_562 = tpu.vector_load %arg6[%get3A_561] {strides = array<i32>} : memref<1024xi32, #tpu.memory_space<vmem>>, vector<16xi32>,
        %get3A_563 = vector.shape_cast %get3A_562 : vector<16xi32> to vector<16xi32>
        %lt3A_564 = arith.cmpi slt, %get3A_560, %get3A_563 : vector<16xi32>
        %get3A_565 = arith.constant 32 : index
        %get3A_566 = tpu.vector_load %arg5[%get3A_565] {strides = array<i32>} : memref<1024xi32, #tpu.memory_space<vmem>>, vector<16xi32>,
        %get3A_567 = vector.shape_cast %get3A_566 : vector<16xi32> to vector<16xi32>
        %get3A_568 = arith.constant 32 : index
        %get3A_569 = tpu.vector_load %arg6[%get3A_568] {strides = array<i32>} : memref<1024xi32, #tpu.memory_space<vmem>>, vector<16xi32>,
        %get3A_570 = vector.shape_cast %get3A_569 : vector<16xi32> to vector<16xi32>
        %add3A_571 = arith.constant 1000000 : i32
        %add3A_572 = vector.broadcast %add3A_571 : i32 to vector<16xi32>
        %add3A_573 = arith.addi %get3A_570, %add3A_572 : vector<16xi32>
        %select_n3A_574 = arith.select %lt3A_564, %get3A_567, %add3A_573 : vector<16xi1>, vector<16xi32>
        %swap3A_575 = arith.constant 32 : index
        %swap3A_576 = tpu.vector_load %arg8[%swap3A_575] {strides = array<i32>} : memref<1024xi32, #tpu.memory_space<vmem>>, vector<16xi32>,
        %swap3A_577 = vector.shape_cast %swap3A_576 : vector<16xi32> to vector<16xi32>
        %swap3A_578 = vector.shape_cast %select_n3A_574 : vector<16xi32> to vector<16xi32>
        tpu.vector_store %arg8[%swap3A_575], %swap3A_578 {strides = array<i32>} : memref<1024xi32, #tpu.memory_space<vmem>>, vector<16xi32>,
        %get3A_579 = arith.constant 48 : index
        %get3A_580 = tpu.vector_load %arg7[%get3A_579] {strides = array<i32>} : memref<1024xi32, #tpu.memory_space<vmem>>, vector<16xi32>,
        %get3A_581 = vector.shape_cast %get3A_580 : vector<16xi32> to vector<16xi32>
        %get3A_582 = arith.constant 48 : index
        %get3A_583 = tpu.vector_load %arg6[%get3A_582] {strides = array<i32>} : memref<1024xi32, #tpu.memory_space<vmem>>, vector<16xi32>,
        %get3A_584 = vector.shape_cast %get3A_583 : vector<16xi32> to vector<16xi32>
        %lt3A_585 = arith.cmpi slt, %get3A_581, %get3A_584 : vector<16xi32>
        %get3A_586 = arith.constant 48 : index
        %get3A_587 = tpu.vector_load %arg5[%get3A_586] {strides = array<i32>} : memref<1024xi32, #tpu.memory_space<vmem>>, vector<16xi32>,
        %get3A_588 = vector.shape_cast %get3A_587 : vector<16xi32> to vector<16xi32>
        %get3A_589 = arith.constant 48 : index
        %get3A_590 = tpu.vector_load %arg6[%get3A_589] {strides = array<i32>} : memref<1024xi32, #tpu.memory_space<vmem>>, vector<16xi32>,
        %get3A_591 = vector.shape_cast %get3A_590 : vector<16xi32> to vector<16xi32>
        %add3A_592 = arith.constant 1000000 : i32
        %add3A_593 = vector.broadcast %add3A_592 : i32 to vector<16xi32>
        %add3A_594 = arith.addi %get3A_591, %add3A_593 : vector<16xi32>
        %select_n3A_595 = arith.select %lt3A_585, %get3A_588, %add3A_594 : vector<16xi1>, vector<16xi32>
        %swap3A_596 = arith.constant 48 : index
        %swap3A_597 = tpu.vector_load %arg8[%swap3A_596] {strides = array<i32>} : memref<1024xi32, #tpu.memory_space<vmem>>, vector<16xi32>,
        %swap3A_598 = vector.shape_cast %swap3A_597 : vector<16xi32> to vector<16xi32>
        %swap3A_599 = vector.shape_cast %select_n3A_595 : vector<16xi32> to vector<16xi32>
        tpu.vector_store %arg8[%swap3A_596], %swap3A_599 {strides = array<i32>} : memref<1024xi32, #tpu.memory_space<vmem>>, vector<16xi32>,
        %get3A_600 = arith.constant 64 : index
        %get3A_601 = tpu.vector_load %arg7[%get3A_600] {strides = array<i32>} : memref<1024xi32, #tpu.memory_space<vmem>>, vector<16xi32>,
        %get3A_602 = vector.shape_cast %get3A_601 : vector<16xi32> to vector<16xi32>
        %get3A_603 = arith.constant 64 : index
        %get3A_604 = tpu.vector_load %arg6[%get3A_603] {strides = array<i32>} : memref<1024xi32, #tpu.memory_space<vmem>>, vector<16xi32>,
        %get3A_605 = vector.shape_cast %get3A_604 : vector<16xi32> to vector<16xi32>
        %lt3A_606 = arith.cmpi slt, %get3A_602, %get3A_605 : vector<16xi32>
        %get3A_607 = arith.constant 64 : index
        %get3A_608 = tpu.vector_load %arg5[%get3A_607] {strides = array<i32>} : memref<1024xi32, #tpu.memory_space<vmem>>, vector<16xi32>,
        %get3A_609 = vector.shape_cast %get3A_608 : vector<16xi32> to vector<16xi32>
        %get3A_610 = arith.constant 64 : index
        %get3A_611 = tpu.vector_load %arg6[%get3A_610] {strides = array<i32>} : memref<1024xi32, #tpu.memory_space<vmem>>, vector<16xi32>,
        %get3A_612 = vector.shape_cast %get3A_611 : vector<16xi32> to vector<16xi32>
        %add3A_613 = arith.constant 1000000 : i32
        %add3A_614 = vector.broadcast %add3A_613 : i32 to vector<16xi32>
        %add3A_615 = arith.addi %get3A_612, %add3A_614 : vector<16xi32>
        %select_n3A_616 = arith.select %lt3A_606, %get3A_609, %add3A_615 : vector<16xi1>, vector<16xi32>
        %swap3A_617 = arith.constant 64 : index
        %swap3A_618 = tpu.vector_load %arg8[%swap3A_617] {strides = array<i32>} : memref<1024xi32, #tpu.memory_space<vmem>>, vector<16xi32>,
        %swap3A_619 = vector.shape_cast %swap3A_618 : vector<16xi32> to vector<16xi32>
        %swap3A_620 = vector.shape_cast %select_n3A_616 : vector<16xi32> to vector<16xi32>
        tpu.vector_store %arg8[%swap3A_617], %swap3A_620 {strides = array<i32>} : memref<1024xi32, #tpu.memory_space<vmem>>, vector<16xi32>,
        %get3A_621 = arith.constant 80 : index
        %get3A_622 = tpu.vector_load %arg7[%get3A_621] {strides = array<i32>} : memref<1024xi32, #tpu.memory_space<vmem>>, vector<16xi32>,
        %get3A_623 = vector.shape_cast %get3A_622 : vector<16xi32> to vector<16xi32>
        %get3A_624 = arith.constant 80 : index
        %get3A_625 = tpu.vector_load %arg6[%get3A_624] {strides = array<i32>} : memref<1024xi32, #tpu.memory_space<vmem>>, vector<16xi32>,
        %get3A_626 = vector.shape_cast %get3A_625 : vector<16xi32> to vector<16xi32>
        %lt3A_627 = arith.cmpi slt, %get3A_623, %get3A_626 : vector<16xi32>
        %get3A_628 = arith.constant 80 : index
        %get3A_629 = tpu.vector_load %arg5[%get3A_628] {strides = array<i32>} : memref<1024xi32, #tpu.memory_space<vmem>>, vector<16xi32>,
        %get3A_630 = vector.shape_cast %get3A_629 : vector<16xi32> to vector<16xi32>
        %get3A_631 = arith.constant 80 : index
        %get3A_632 = tpu.vector_load %arg6[%get3A_631] {strides = array<i32>} : memref<1024xi32, #tpu.memory_space<vmem>>, vector<16xi32>,
        %get3A_633 = vector.shape_cast %get3A_632 : vector<16xi32> to vector<16xi32>
        %add3A_634 = arith.constant 1000000 : i32
        %add3A_635 = vector.broadcast %add3A_634 : i32 to vector<16xi32>
        %add3A_636 = arith.addi %get3A_633, %add3A_635 : vector<16xi32>
        %select_n3A_637 = arith.select %lt3A_627, %get3A_630, %add3A_636 : vector<16xi1>, vector<16xi32>
        %swap3A_638 = arith.constant 80 : index
        %swap3A_639 = tpu.vector_load %arg8[%swap3A_638] {strides = array<i32>} : memref<1024xi32, #tpu.memory_space<vmem>>, vector<16xi32>,
        %swap3A_640 = vector.shape_cast %swap3A_639 : vector<16xi32> to vector<16xi32>
        %swap3A_641 = vector.shape_cast %select_n3A_637 : vector<16xi32> to vector<16xi32>
        tpu.vector_store %arg8[%swap3A_638], %swap3A_641 {strides = array<i32>} : memref<1024xi32, #tpu.memory_space<vmem>>, vector<16xi32>,
        %get3A_642 = arith.constant 96 : index
        %get3A_643 = tpu.vector_load %arg7[%get3A_642] {strides = array<i32>} : memref<1024xi32, #tpu.memory_space<vmem>>, vector<16xi32>,
        %get3A_644 = vector.shape_cast %get3A_643 : vector<16xi32> to vector<16xi32>
        %get3A_645 = arith.constant 96 : index
        %get3A_646 = tpu.vector_load %arg6[%get3A_645] {strides = array<i32>} : memref<1024xi32, #tpu.memory_space<vmem>>, vector<16xi32>,
        %get3A_647 = vector.shape_cast %get3A_646 : vector<16xi32> to vector<16xi32>
        %lt3A_648 = arith.cmpi slt, %get3A_644, %get3A_647 : vector<16xi32>
        %get3A_649 = arith.constant 96 : index
        %get3A_650 = tpu.vector_load %arg5[%get3A_649] {strides = array<i32>} : memref<1024xi32, #tpu.memory_space<vmem>>, vector<16xi32>,
        %get3A_651 = vector.shape_cast %get3A_650 : vector<16xi32> to vector<16xi32>
        %get3A_652 = arith.constant 96 : index
        %get3A_653 = tpu.vector_load %arg6[%get3A_652] {strides = array<i32>} : memref<1024xi32, #tpu.memory_space<vmem>>, vector<16xi32>,
        %get3A_654 = vector.shape_cast %get3A_653 : vector<16xi32> to vector<16xi32>
        %add3A_655 = arith.constant 1000000 : i32
        %add3A_656 = vector.broadcast %add3A_655 : i32 to vector<16xi32>
        %add3A_657 = arith.addi %get3A_654, %add3A_656 : vector<16xi32>
        %select_n3A_658 = arith.select %lt3A_648, %get3A_651, %add3A_657 : vector<16xi1>, vector<16xi32>
        %swap3A_659 = arith.constant 96 : index
        %swap3A_660 = tpu.vector_load %arg8[%swap3A_659] {strides = array<i32>} : memref<1024xi32, #tpu.memory_space<vmem>>, vector<16xi32>,
        %swap3A_661 = vector.shape_cast %swap3A_660 : vector<16xi32> to vector<16xi32>
        %swap3A_662 = vector.shape_cast %select_n3A_658 : vector<16xi32> to vector<16xi32>
        tpu.vector_store %arg8[%swap3A_659], %swap3A_662 {strides = array<i32>} : memref<1024xi32, #tpu.memory_space<vmem>>, vector<16xi32>,
        %get3A_663 = arith.constant 112 : index
        %get3A_664 = tpu.vector_load %arg7[%get3A_663] {strides = array<i32>} : memref<1024xi32, #tpu.memory_space<vmem>>, vector<16xi32>,
        %get3A_665 = vector.shape_cast %get3A_664 : vector<16xi32> to vector<16xi32>
        %get3A_666 = arith.constant 112 : index
        %get3A_667 = tpu.vector_load %arg6[%get3A_666] {strides = array<i32>} : memref<1024xi32, #tpu.memory_space<vmem>>, vector<16xi32>,
        %get3A_668 = vector.shape_cast %get3A_667 : vector<16xi32> to vector<16xi32>
        %lt3A_669 = arith.cmpi slt, %get3A_665, %get3A_668 : vector<16xi32>
        %get3A_670 = arith.constant 112 : index
        %get3A_671 = tpu.vector_load %arg5[%get3A_670] {strides = array<i32>} : memref<1024xi32, #tpu.memory_space<vmem>>, vector<16xi32>,
        %get3A_672 = vector.shape_cast %get3A_671 : vector<16xi32> to vector<16xi32>
        %get3A_673 = arith.constant 112 : index
        %get3A_674 = tpu.vector_load %arg6[%get3A_673] {strides = array<i32>} : memref<1024xi32, #tpu.memory_space<vmem>>, vector<16xi32>,
        %get3A_675 = vector.shape_cast %get3A_674 : vector<16xi32> to vector<16xi32>
        %add3A_676 = arith.constant 1000000 : i32
        %add3A_677 = vector.broadcast %add3A_676 : i32 to vector<16xi32>
        %add3A_678 = arith.addi %get3A_675, %add3A_677 : vector<16xi32>
        %select_n3A_679 = arith.select %lt3A_669, %get3A_672, %add3A_678 : vector<16xi1>, vector<16xi32>
        %swap3A_680 = arith.constant 112 : index
        %swap3A_681 = tpu.vector_load %arg8[%swap3A_680] {strides = array<i32>} : memref<1024xi32, #tpu.memory_space<vmem>>, vector<16xi32>,
        %swap3A_682 = vector.shape_cast %swap3A_681 : vector<16xi32> to vector<16xi32>
        %swap3A_683 = vector.shape_cast %select_n3A_679 : vector<16xi32> to vector<16xi32>
        tpu.vector_store %arg8[%swap3A_680], %swap3A_683 {strides = array<i32>} : memref<1024xi32, #tpu.memory_space<vmem>>, vector<16xi32>,
        %get3A_684 = arith.constant 128 : index
        %get3A_685 = tpu.vector_load %arg7[%get3A_684] {strides = array<i32>} : memref<1024xi32, #tpu.memory_space<vmem>>, vector<16xi32>,
        %get3A_686 = vector.shape_cast %get3A_685 : vector<16xi32> to vector<16xi32>
        %get3A_687 = arith.constant 128 : index
        %get3A_688 = tpu.vector_load %arg6[%get3A_687] {strides = array<i32>} : memref<1024xi32, #tpu.memory_space<vmem>>, vector<16xi32>,
        %get3A_689 = vector.shape_cast %get3A_688 : vector<16xi32> to vector<16xi32>
        %lt3A_690 = arith.cmpi slt, %get3A_686, %get3A_689 : vector<16xi32>
        %get3A_691 = arith.constant 128 : index
        %get3A_692 = tpu.vector_load %arg5[%get3A_691] {strides = array<i32>} : memref<1024xi32, #tpu.memory_space<vmem>>, vector<16xi32>,
        %get3A_693 = vector.shape_cast %get3A_692 : vector<16xi32> to vector<16xi32>
        %get3A_694 = arith.constant 128 : index
        %get3A_695 = tpu.vector_load %arg6[%get3A_694] {strides = array<i32>} : memref<1024xi32, #tpu.memory_space<vmem>>, vector<16xi32>,
        %get3A_696 = vector.shape_cast %get3A_695 : vector<16xi32> to vector<16xi32>
        %add3A_697 = arith.constant 1000000 : i32
        %add3A_698 = vector.broadcast %add3A_697 : i32 to vector<16xi32>
        %add3A_699 = arith.addi %get3A_696, %add3A_698 : vector<16xi32>
        %select_n3A_700 = arith.select %lt3A_690, %get3A_693, %add3A_699 : vector<16xi1>, vector<16xi32>
        %swap3A_701 = arith.constant 128 : index
        %swap3A_702 = tpu.vector_load %arg8[%swap3A_701] {strides = array<i32>} : memref<1024xi32, #tpu.memory_space<vmem>>, vector<16xi32>,
        %swap3A_703 = vector.shape_cast %swap3A_702 : vector<16xi32> to vector<16xi32>
        %swap3A_704 = vector.shape_cast %select_n3A_700 : vector<16xi32> to vector<16xi32>
        tpu.vector_store %arg8[%swap3A_701], %swap3A_704 {strides = array<i32>} : memref<1024xi32, #tpu.memory_space<vmem>>, vector<16xi32>,
        %get3A_705 = arith.constant 144 : index
        %get3A_706 = tpu.vector_load %arg7[%get3A_705] {strides = array<i32>} : memref<1024xi32, #tpu.memory_space<vmem>>, vector<16xi32>,
        %get3A_707 = vector.shape_cast %get3A_706 : vector<16xi32> to vector<16xi32>
        %get3A_708 = arith.constant 144 : index
        %get3A_709 = tpu.vector_load %arg6[%get3A_708] {strides = array<i32>} : memref<1024xi32, #tpu.memory_space<vmem>>, vector<16xi32>,
        %get3A_710 = vector.shape_cast %get3A_709 : vector<16xi32> to vector<16xi32>
        %lt3A_711 = arith.cmpi slt, %get3A_707, %get3A_710 : vector<16xi32>
        %get3A_712 = arith.constant 144 : index
        %get3A_713 = tpu.vector_load %arg5[%get3A_712] {strides = array<i32>} : memref<1024xi32, #tpu.memory_space<vmem>>, vector<16xi32>,
        %get3A_714 = vector.shape_cast %get3A_713 : vector<16xi32> to vector<16xi32>
        %get3A_715 = arith.constant 144 : index
        %get3A_716 = tpu.vector_load %arg6[%get3A_715] {strides = array<i32>} : memref<1024xi32, #tpu.memory_space<vmem>>, vector<16xi32>,
        %get3A_717 = vector.shape_cast %get3A_716 : vector<16xi32> to vector<16xi32>
        %add3A_718 = arith.constant 1000000 : i32
        %add3A_719 = vector.broadcast %add3A_718 : i32 to vector<16xi32>
        %add3A_720 = arith.addi %get3A_717, %add3A_719 : vector<16xi32>
        %select_n3A_721 = arith.select %lt3A_711, %get3A_714, %add3A_720 : vector<16xi1>, vector<16xi32>
        %swap3A_722 = arith.constant 144 : index
        %swap3A_723 = tpu.vector_load %arg8[%swap3A_722] {strides = array<i32>} : memref<1024xi32, #tpu.memory_space<vmem>>, vector<16xi32>,
        %swap3A_724 = vector.shape_cast %swap3A_723 : vector<16xi32> to vector<16xi32>
        %swap3A_725 = vector.shape_cast %select_n3A_721 : vector<16xi32> to vector<16xi32>
        tpu.vector_store %arg8[%swap3A_722], %swap3A_725 {strides = array<i32>} : memref<1024xi32, #tpu.memory_space<vmem>>, vector<16xi32>,
        %get3A_726 = arith.constant 160 : index
        %get3A_727 = tpu.vector_load %arg7[%get3A_726] {strides = array<i32>} : memref<1024xi32, #tpu.memory_space<vmem>>, vector<16xi32>,
        %get3A_728 = vector.shape_cast %get3A_727 : vector<16xi32> to vector<16xi32>
        %get3A_729 = arith.constant 160 : index
        %get3A_730 = tpu.vector_load %arg6[%get3A_729] {strides = array<i32>} : memref<1024xi32, #tpu.memory_space<vmem>>, vector<16xi32>,
        %get3A_731 = vector.shape_cast %get3A_730 : vector<16xi32> to vector<16xi32>
        %lt3A_732 = arith.cmpi slt, %get3A_728, %get3A_731 : vector<16xi32>
        %get3A_733 = arith.constant 160 : index
        %get3A_734 = tpu.vector_load %arg5[%get3A_733] {strides = array<i32>} : memref<1024xi32, #tpu.memory_space<vmem>>, vector<16xi32>,
        %get3A_735 = vector.shape_cast %get3A_734 : vector<16xi32> to vector<16xi32>
        %get3A_736 = arith.constant 160 : index
        %get3A_737 = tpu.vector_load %arg6[%get3A_736] {strides = array<i32>} : memref<1024xi32, #tpu.memory_space<vmem>>, vector<16xi32>,
        %get3A_738 = vector.shape_cast %get3A_737 : vector<16xi32> to vector<16xi32>
        %add3A_739 = arith.constant 1000000 : i32
        %add3A_740 = vector.broadcast %add3A_739 : i32 to vector<16xi32>
        %add3A_741 = arith.addi %get3A_738, %add3A_740 : vector<16xi32>
        %select_n3A_742 = arith.select %lt3A_732, %get3A_735, %add3A_741 : vector<16xi1>, vector<16xi32>
        %swap3A_743 = arith.constant 160 : index
        %swap3A_744 = tpu.vector_load %arg8[%swap3A_743] {strides = array<i32>} : memref<1024xi32, #tpu.memory_space<vmem>>, vector<16xi32>,
        %swap3A_745 = vector.shape_cast %swap3A_744 : vector<16xi32> to vector<16xi32>
        %swap3A_746 = vector.shape_cast %select_n3A_742 : vector<16xi32> to vector<16xi32>
        tpu.vector_store %arg8[%swap3A_743], %swap3A_746 {strides = array<i32>} : memref<1024xi32, #tpu.memory_space<vmem>>, vector<16xi32>,
        %get3A_747 = arith.constant 176 : index
        %get3A_748 = tpu.vector_load %arg7[%get3A_747] {strides = array<i32>} : memref<1024xi32, #tpu.memory_space<vmem>>, vector<16xi32>,
        %get3A_749 = vector.shape_cast %get3A_748 : vector<16xi32> to vector<16xi32>
        %get3A_750 = arith.constant 176 : index
        %get3A_751 = tpu.vector_load %arg6[%get3A_750] {strides = array<i32>} : memref<1024xi32, #tpu.memory_space<vmem>>, vector<16xi32>,
        %get3A_752 = vector.shape_cast %get3A_751 : vector<16xi32> to vector<16xi32>
        %lt3A_753 = arith.cmpi slt, %get3A_749, %get3A_752 : vector<16xi32>
        %get3A_754 = arith.constant 176 : index
        %get3A_755 = tpu.vector_load %arg5[%get3A_754] {strides = array<i32>} : memref<1024xi32, #tpu.memory_space<vmem>>, vector<16xi32>,
        %get3A_756 = vector.shape_cast %get3A_755 : vector<16xi32> to vector<16xi32>
        %get3A_757 = arith.constant 176 : index
        %get3A_758 = tpu.vector_load %arg6[%get3A_757] {strides = array<i32>} : memref<1024xi32, #tpu.memory_space<vmem>>, vector<16xi32>,
        %get3A_759 = vector.shape_cast %get3A_758 : vector<16xi32> to vector<16xi32>
        %add3A_760 = arith.constant 1000000 : i32
        %add3A_761 = vector.broadcast %add3A_760 : i32 to vector<16xi32>
        %add3A_762 = arith.addi %get3A_759, %add3A_761 : vector<16xi32>
        %select_n3A_763 = arith.select %lt3A_753, %get3A_756, %add3A_762 : vector<16xi1>, vector<16xi32>
        %swap3A_764 = arith.constant 176 : index
        %swap3A_765 = tpu.vector_load %arg8[%swap3A_764] {strides = array<i32>} : memref<1024xi32, #tpu.memory_space<vmem>>, vector<16xi32>,
        %swap3A_766 = vector.shape_cast %swap3A_765 : vector<16xi32> to vector<16xi32>
        %swap3A_767 = vector.shape_cast %select_n3A_763 : vector<16xi32> to vector<16xi32>
        tpu.vector_store %arg8[%swap3A_764], %swap3A_767 {strides = array<i32>} : memref<1024xi32, #tpu.memory_space<vmem>>, vector<16xi32>,
        %get3A_768 = arith.constant 192 : index
        %get3A_769 = tpu.vector_load %arg7[%get3A_768] {strides = array<i32>} : memref<1024xi32, #tpu.memory_space<vmem>>, vector<16xi32>,
        %get3A_770 = vector.shape_cast %get3A_769 : vector<16xi32> to vector<16xi32>
        %get3A_771 = arith.constant 192 : index
        %get3A_772 = tpu.vector_load %arg6[%get3A_771] {strides = array<i32>} : memref<1024xi32, #tpu.memory_space<vmem>>, vector<16xi32>,
        %get3A_773 = vector.shape_cast %get3A_772 : vector<16xi32> to vector<16xi32>
        %lt3A_774 = arith.cmpi slt, %get3A_770, %get3A_773 : vector<16xi32>
        %get3A_775 = arith.constant 192 : index
        %get3A_776 = tpu.vector_load %arg5[%get3A_775] {strides = array<i32>} : memref<1024xi32, #tpu.memory_space<vmem>>, vector<16xi32>,
        %get3A_777 = vector.shape_cast %get3A_776 : vector<16xi32> to vector<16xi32>
        %get3A_778 = arith.constant 192 : index
        %get3A_779 = tpu.vector_load %arg6[%get3A_778] {strides = array<i32>} : memref<1024xi32, #tpu.memory_space<vmem>>, vector<16xi32>,
        %get3A_780 = vector.shape_cast %get3A_779 : vector<16xi32> to vector<16xi32>
        %add3A_781 = arith.constant 1000000 : i32
        %add3A_782 = vector.broadcast %add3A_781 : i32 to vector<16xi32>
        %add3A_783 = arith.addi %get3A_780, %add3A_782 : vector<16xi32>
        %select_n3A_784 = arith.select %lt3A_774, %get3A_777, %add3A_783 : vector<16xi1>, vector<16xi32>
        %swap3A_785 = arith.constant 192 : index
        %swap3A_786 = tpu.vector_load %arg8[%swap3A_785] {strides = array<i32>} : memref<1024xi32, #tpu.memory_space<vmem>>, vector<16xi32>,
        %swap3A_787 = vector.shape_cast %swap3A_786 : vector<16xi32> to vector<16xi32>
        %swap3A_788 = vector.shape_cast %select_n3A_784 : vector<16xi32> to vector<16xi32>
        tpu.vector_store %arg8[%swap3A_785], %swap3A_788 {strides = array<i32>} : memref<1024xi32, #tpu.memory_space<vmem>>, vector<16xi32>,
        %get3A_789 = arith.constant 208 : index
        %get3A_790 = tpu.vector_load %arg7[%get3A_789] {strides = array<i32>} : memref<1024xi32, #tpu.memory_space<vmem>>, vector<16xi32>,
        %get3A_791 = vector.shape_cast %get3A_790 : vector<16xi32> to vector<16xi32>
        %get3A_792 = arith.constant 208 : index
        %get3A_793 = tpu.vector_load %arg6[%get3A_792] {strides = array<i32>} : memref<1024xi32, #tpu.memory_space<vmem>>, vector<16xi32>,
        %get3A_794 = vector.shape_cast %get3A_793 : vector<16xi32> to vector<16xi32>
        %lt3A_795 = arith.cmpi slt, %get3A_791, %get3A_794 : vector<16xi32>
        %get3A_796 = arith.constant 208 : index
        %get3A_797 = tpu.vector_load %arg5[%get3A_796] {strides = array<i32>} : memref<1024xi32, #tpu.memory_space<vmem>>, vector<16xi32>,
        %get3A_798 = vector.shape_cast %get3A_797 : vector<16xi32> to vector<16xi32>
        %get3A_799 = arith.constant 208 : index
        %get3A_800 = tpu.vector_load %arg6[%get3A_799] {strides = array<i32>} : memref<1024xi32, #tpu.memory_space<vmem>>, vector<16xi32>,
        %get3A_801 = vector.shape_cast %get3A_800 : vector<16xi32> to vector<16xi32>
        %add3A_802 = arith.constant 1000000 : i32
        %add3A_803 = vector.broadcast %add3A_802 : i32 to vector<16xi32>
        %add3A_804 = arith.addi %get3A_801, %add3A_803 : vector<16xi32>
        %select_n3A_805 = arith.select %lt3A_795, %get3A_798, %add3A_804 : vector<16xi1>, vector<16xi32>
        %swap3A_806 = arith.constant 208 : index
        %swap3A_807 = tpu.vector_load %arg8[%swap3A_806] {strides = array<i32>} : memref<1024xi32, #tpu.memory_space<vmem>>, vector<16xi32>,
        %swap3A_808 = vector.shape_cast %swap3A_807 : vector<16xi32> to vector<16xi32>
        %swap3A_809 = vector.shape_cast %select_n3A_805 : vector<16xi32> to vector<16xi32>
        tpu.vector_store %arg8[%swap3A_806], %swap3A_809 {strides = array<i32>} : memref<1024xi32, #tpu.memory_space<vmem>>, vector<16xi32>,
        %get3A_810 = arith.constant 224 : index
        %get3A_811 = tpu.vector_load %arg7[%get3A_810] {strides = array<i32>} : memref<1024xi32, #tpu.memory_space<vmem>>, vector<16xi32>,
        %get3A_812 = vector.shape_cast %get3A_811 : vector<16xi32> to vector<16xi32>
        %get3A_813 = arith.constant 224 : index
        %get3A_814 = tpu.vector_load %arg6[%get3A_813] {strides = array<i32>} : memref<1024xi32, #tpu.memory_space<vmem>>, vector<16xi32>,
        %get3A_815 = vector.shape_cast %get3A_814 : vector<16xi32> to vector<16xi32>
        %lt3A_816 = arith.cmpi slt, %get3A_812, %get3A_815 : vector<16xi32>
        %get3A_817 = arith.constant 224 : index
        %get3A_818 = tpu.vector_load %arg5[%get3A_817] {strides = array<i32>} : memref<1024xi32, #tpu.memory_space<vmem>>, vector<16xi32>,
        %get3A_819 = vector.shape_cast %get3A_818 : vector<16xi32> to vector<16xi32>
        %get3A_820 = arith.constant 224 : index
        %get3A_821 = tpu.vector_load %arg6[%get3A_820] {strides = array<i32>} : memref<1024xi32, #tpu.memory_space<vmem>>, vector<16xi32>,
        %get3A_822 = vector.shape_cast %get3A_821 : vector<16xi32> to vector<16xi32>
        %add3A_823 = arith.constant 1000000 : i32
        %add3A_824 = vector.broadcast %add3A_823 : i32 to vector<16xi32>
        %add3A_825 = arith.addi %get3A_822, %add3A_824 : vector<16xi32>
        %select_n3A_826 = arith.select %lt3A_816, %get3A_819, %add3A_825 : vector<16xi1>, vector<16xi32>
        %swap3A_827 = arith.constant 224 : index
        %swap3A_828 = tpu.vector_load %arg8[%swap3A_827] {strides = array<i32>} : memref<1024xi32, #tpu.memory_space<vmem>>, vector<16xi32>,
        %swap3A_829 = vector.shape_cast %swap3A_828 : vector<16xi32> to vector<16xi32>
        %swap3A_830 = vector.shape_cast %select_n3A_826 : vector<16xi32> to vector<16xi32>
        tpu.vector_store %arg8[%swap3A_827], %swap3A_830 {strides = array<i32>} : memref<1024xi32, #tpu.memory_space<vmem>>, vector<16xi32>,
        %get3A_831 = arith.constant 240 : index
        %get3A_832 = tpu.vector_load %arg7[%get3A_831] {strides = array<i32>} : memref<1024xi32, #tpu.memory_space<vmem>>, vector<16xi32>,
        %get3A_833 = vector.shape_cast %get3A_832 : vector<16xi32> to vector<16xi32>
        %get3A_834 = arith.constant 240 : index
        %get3A_835 = tpu.vector_load %arg6[%get3A_834] {strides = array<i32>} : memref<1024xi32, #tpu.memory_space<vmem>>, vector<16xi32>,
        %get3A_836 = vector.shape_cast %get3A_835 : vector<16xi32> to vector<16xi32>
        %lt3A_837 = arith.cmpi slt, %get3A_833, %get3A_836 : vector<16xi32>
        %get3A_838 = arith.constant 240 : index
        %get3A_839 = tpu.vector_load %arg5[%get3A_838] {strides = array<i32>} : memref<1024xi32, #tpu.memory_space<vmem>>, vector<16xi32>,
        %get3A_840 = vector.shape_cast %get3A_839 : vector<16xi32> to vector<16xi32>
        %get3A_841 = arith.constant 240 : index
        %get3A_842 = tpu.vector_load %arg6[%get3A_841] {strides = array<i32>} : memref<1024xi32, #tpu.memory_space<vmem>>, vector<16xi32>,
        %get3A_843 = vector.shape_cast %get3A_842 : vector<16xi32> to vector<16xi32>
        %add3A_844 = arith.constant 1000000 : i32
        %add3A_845 = vector.broadcast %add3A_844 : i32 to vector<16xi32>
        %add3A_846 = arith.addi %get3A_843, %add3A_845 : vector<16xi32>
        %select_n3A_847 = arith.select %lt3A_837, %get3A_840, %add3A_846 : vector<16xi1>, vector<16xi32>
        %swap3A_848 = arith.constant 240 : index
        %swap3A_849 = tpu.vector_load %arg8[%swap3A_848] {strides = array<i32>} : memref<1024xi32, #tpu.memory_space<vmem>>, vector<16xi32>,
        %swap3A_850 = vector.shape_cast %swap3A_849 : vector<16xi32> to vector<16xi32>
        %swap3A_851 = vector.shape_cast %select_n3A_847 : vector<16xi32> to vector<16xi32>
        tpu.vector_store %arg8[%swap3A_848], %swap3A_851 {strides = array<i32>} : memref<1024xi32, #tpu.memory_space<vmem>>, vector<16xi32>,
        %get3A_852 = arith.constant 256 : index
        %get3A_853 = tpu.vector_load %arg7[%get3A_852] {strides = array<i32>} : memref<1024xi32, #tpu.memory_space<vmem>>, vector<16xi32>,
        %get3A_854 = vector.shape_cast %get3A_853 : vector<16xi32> to vector<16xi32>
        %get3A_855 = arith.constant 256 : index
        %get3A_856 = tpu.vector_load %arg6[%get3A_855] {strides = array<i32>} : memref<1024xi32, #tpu.memory_space<vmem>>, vector<16xi32>,
        %get3A_857 = vector.shape_cast %get3A_856 : vector<16xi32> to vector<16xi32>
        %lt3A_858 = arith.cmpi slt, %get3A_854, %get3A_857 : vector<16xi32>
        %get3A_859 = arith.constant 256 : index
        %get3A_860 = tpu.vector_load %arg5[%get3A_859] {strides = array<i32>} : memref<1024xi32, #tpu.memory_space<vmem>>, vector<16xi32>,
        %get3A_861 = vector.shape_cast %get3A_860 : vector<16xi32> to vector<16xi32>
        %get3A_862 = arith.constant 256 : index
        %get3A_863 = tpu.vector_load %arg6[%get3A_862] {strides = array<i32>} : memref<1024xi32, #tpu.memory_space<vmem>>, vector<16xi32>,
        %get3A_864 = vector.shape_cast %get3A_863 : vector<16xi32> to vector<16xi32>
        %add3A_865 = arith.constant 1000000 : i32
        %add3A_866 = vector.broadcast %add3A_865 : i32 to vector<16xi32>
        %add3A_867 = arith.addi %get3A_864, %add3A_866 : vector<16xi32>
        %select_n3A_868 = arith.select %lt3A_858, %get3A_861, %add3A_867 : vector<16xi1>, vector<16xi32>
        %swap3A_869 = arith.constant 256 : index
        %swap3A_870 = tpu.vector_load %arg8[%swap3A_869] {strides = array<i32>} : memref<1024xi32, #tpu.memory_space<vmem>>, vector<16xi32>,
        %swap3A_871 = vector.shape_cast %swap3A_870 : vector<16xi32> to vector<16xi32>
        %swap3A_872 = vector.shape_cast %select_n3A_868 : vector<16xi32> to vector<16xi32>
        tpu.vector_store %arg8[%swap3A_869], %swap3A_872 {strides = array<i32>} : memref<1024xi32, #tpu.memory_space<vmem>>, vector<16xi32>,
        %get3A_873 = arith.constant 272 : index
        %get3A_874 = tpu.vector_load %arg7[%get3A_873] {strides = array<i32>} : memref<1024xi32, #tpu.memory_space<vmem>>, vector<16xi32>,
        %get3A_875 = vector.shape_cast %get3A_874 : vector<16xi32> to vector<16xi32>
        %get3A_876 = arith.constant 272 : index
        %get3A_877 = tpu.vector_load %arg6[%get3A_876] {strides = array<i32>} : memref<1024xi32, #tpu.memory_space<vmem>>, vector<16xi32>,
        %get3A_878 = vector.shape_cast %get3A_877 : vector<16xi32> to vector<16xi32>
        %lt3A_879 = arith.cmpi slt, %get3A_875, %get3A_878 : vector<16xi32>
        %get3A_880 = arith.constant 272 : index
        %get3A_881 = tpu.vector_load %arg5[%get3A_880] {strides = array<i32>} : memref<1024xi32, #tpu.memory_space<vmem>>, vector<16xi32>,
        %get3A_882 = vector.shape_cast %get3A_881 : vector<16xi32> to vector<16xi32>
        %get3A_883 = arith.constant 272 : index
        %get3A_884 = tpu.vector_load %arg6[%get3A_883] {strides = array<i32>} : memref<1024xi32, #tpu.memory_space<vmem>>, vector<16xi32>,
        %get3A_885 = vector.shape_cast %get3A_884 : vector<16xi32> to vector<16xi32>
        %add3A_886 = arith.constant 1000000 : i32
        %add3A_887 = vector.broadcast %add3A_886 : i32 to vector<16xi32>
        %add3A_888 = arith.addi %get3A_885, %add3A_887 : vector<16xi32>
        %select_n3A_889 = arith.select %lt3A_879, %get3A_882, %add3A_888 : vector<16xi1>, vector<16xi32>
        %swap3A_890 = arith.constant 272 : index
        %swap3A_891 = tpu.vector_load %arg8[%swap3A_890] {strides = array<i32>} : memref<1024xi32, #tpu.memory_space<vmem>>, vector<16xi32>,
        %swap3A_892 = vector.shape_cast %swap3A_891 : vector<16xi32> to vector<16xi32>
        %swap3A_893 = vector.shape_cast %select_n3A_889 : vector<16xi32> to vector<16xi32>
        tpu.vector_store %arg8[%swap3A_890], %swap3A_893 {strides = array<i32>} : memref<1024xi32, #tpu.memory_space<vmem>>, vector<16xi32>,
        %get3A_894 = arith.constant 288 : index
        %get3A_895 = tpu.vector_load %arg7[%get3A_894] {strides = array<i32>} : memref<1024xi32, #tpu.memory_space<vmem>>, vector<16xi32>,
        %get3A_896 = vector.shape_cast %get3A_895 : vector<16xi32> to vector<16xi32>
        %get3A_897 = arith.constant 288 : index
        %get3A_898 = tpu.vector_load %arg6[%get3A_897] {strides = array<i32>} : memref<1024xi32, #tpu.memory_space<vmem>>, vector<16xi32>,
        %get3A_899 = vector.shape_cast %get3A_898 : vector<16xi32> to vector<16xi32>
        %lt3A_900 = arith.cmpi slt, %get3A_896, %get3A_899 : vector<16xi32>
        %get3A_901 = arith.constant 288 : index
        %get3A_902 = tpu.vector_load %arg5[%get3A_901] {strides = array<i32>} : memref<1024xi32, #tpu.memory_space<vmem>>, vector<16xi32>,
        %get3A_903 = vector.shape_cast %get3A_902 : vector<16xi32> to vector<16xi32>
        %get3A_904 = arith.constant 288 : index
        %get3A_905 = tpu.vector_load %arg6[%get3A_904] {strides = array<i32>} : memref<1024xi32, #tpu.memory_space<vmem>>, vector<16xi32>,
        %get3A_906 = vector.shape_cast %get3A_905 : vector<16xi32> to vector<16xi32>
        %add3A_907 = arith.constant 1000000 : i32
        %add3A_908 = vector.broadcast %add3A_907 : i32 to vector<16xi32>
        %add3A_909 = arith.addi %get3A_906, %add3A_908 : vector<16xi32>
        %select_n3A_910 = arith.select %lt3A_900, %get3A_903, %add3A_909 : vector<16xi1>, vector<16xi32>
        %swap3A_911 = arith.constant 288 : index
        %swap3A_912 = tpu.vector_load %arg8[%swap3A_911] {strides = array<i32>} : memref<1024xi32, #tpu.memory_space<vmem>>, vector<16xi32>,
        %swap3A_913 = vector.shape_cast %swap3A_912 : vector<16xi32> to vector<16xi32>
        %swap3A_914 = vector.shape_cast %select_n3A_910 : vector<16xi32> to vector<16xi32>
        tpu.vector_store %arg8[%swap3A_911], %swap3A_914 {strides = array<i32>} : memref<1024xi32, #tpu.memory_space<vmem>>, vector<16xi32>,
        %get3A_915 = arith.constant 304 : index
        %get3A_916 = tpu.vector_load %arg7[%get3A_915] {strides = array<i32>} : memref<1024xi32, #tpu.memory_space<vmem>>, vector<16xi32>,
        %get3A_917 = vector.shape_cast %get3A_916 : vector<16xi32> to vector<16xi32>
        %get3A_918 = arith.constant 304 : index
        %get3A_919 = tpu.vector_load %arg6[%get3A_918] {strides = array<i32>} : memref<1024xi32, #tpu.memory_space<vmem>>, vector<16xi32>,
        %get3A_920 = vector.shape_cast %get3A_919 : vector<16xi32> to vector<16xi32>
        %lt3A_921 = arith.cmpi slt, %get3A_917, %get3A_920 : vector<16xi32>
        %get3A_922 = arith.constant 304 : index
        %get3A_923 = tpu.vector_load %arg5[%get3A_922] {strides = array<i32>} : memref<1024xi32, #tpu.memory_space<vmem>>, vector<16xi32>,
        %get3A_924 = vector.shape_cast %get3A_923 : vector<16xi32> to vector<16xi32>
        %get3A_925 = arith.constant 304 : index
        %get3A_926 = tpu.vector_load %arg6[%get3A_925] {strides = array<i32>} : memref<1024xi32, #tpu.memory_space<vmem>>, vector<16xi32>,
        %get3A_927 = vector.shape_cast %get3A_926 : vector<16xi32> to vector<16xi32>
        %add3A_928 = arith.constant 1000000 : i32
        %add3A_929 = vector.broadcast %add3A_928 : i32 to vector<16xi32>
        %add3A_930 = arith.addi %get3A_927, %add3A_929 : vector<16xi32>
        %select_n3A_931 = arith.select %lt3A_921, %get3A_924, %add3A_930 : vector<16xi1>, vector<16xi32>
        %swap3A_932 = arith.constant 304 : index
        %swap3A_933 = tpu.vector_load %arg8[%swap3A_932] {strides = array<i32>} : memref<1024xi32, #tpu.memory_space<vmem>>, vector<16xi32>,
        %swap3A_934 = vector.shape_cast %swap3A_933 : vector<16xi32> to vector<16xi32>
        %swap3A_935 = vector.shape_cast %select_n3A_931 : vector<16xi32> to vector<16xi32>
        tpu.vector_store %arg8[%swap3A_932], %swap3A_935 {strides = array<i32>} : memref<1024xi32, #tpu.memory_space<vmem>>, vector<16xi32>,
        %get3A_936 = arith.constant 320 : index
        %get3A_937 = tpu.vector_load %arg7[%get3A_936] {strides = array<i32>} : memref<1024xi32, #tpu.memory_space<vmem>>, vector<16xi32>,
        %get3A_938 = vector.shape_cast %get3A_937 : vector<16xi32> to vector<16xi32>
        %get3A_939 = arith.constant 320 : index
        %get3A_940 = tpu.vector_load %arg6[%get3A_939] {strides = array<i32>} : memref<1024xi32, #tpu.memory_space<vmem>>, vector<16xi32>,
        %get3A_941 = vector.shape_cast %get3A_940 : vector<16xi32> to vector<16xi32>
        %lt3A_942 = arith.cmpi slt, %get3A_938, %get3A_941 : vector<16xi32>
        %get3A_943 = arith.constant 320 : index
        %get3A_944 = tpu.vector_load %arg5[%get3A_943] {strides = array<i32>} : memref<1024xi32, #tpu.memory_space<vmem>>, vector<16xi32>,
        %get3A_945 = vector.shape_cast %get3A_944 : vector<16xi32> to vector<16xi32>
        %get3A_946 = arith.constant 320 : index
        %get3A_947 = tpu.vector_load %arg6[%get3A_946] {strides = array<i32>} : memref<1024xi32, #tpu.memory_space<vmem>>, vector<16xi32>,
        %get3A_948 = vector.shape_cast %get3A_947 : vector<16xi32> to vector<16xi32>
        %add3A_949 = arith.constant 1000000 : i32
        %add3A_950 = vector.broadcast %add3A_949 : i32 to vector<16xi32>
        %add3A_951 = arith.addi %get3A_948, %add3A_950 : vector<16xi32>
        %select_n3A_952 = arith.select %lt3A_942, %get3A_945, %add3A_951 : vector<16xi1>, vector<16xi32>
        %swap3A_953 = arith.constant 320 : index
        %swap3A_954 = tpu.vector_load %arg8[%swap3A_953] {strides = array<i32>} : memref<1024xi32, #tpu.memory_space<vmem>>, vector<16xi32>,
        %swap3A_955 = vector.shape_cast %swap3A_954 : vector<16xi32> to vector<16xi32>
        %swap3A_956 = vector.shape_cast %select_n3A_952 : vector<16xi32> to vector<16xi32>
        tpu.vector_store %arg8[%swap3A_953], %swap3A_956 {strides = array<i32>} : memref<1024xi32, #tpu.memory_space<vmem>>, vector<16xi32>,
        %get3A_957 = arith.constant 336 : index
        %get3A_958 = tpu.vector_load %arg7[%get3A_957] {strides = array<i32>} : memref<1024xi32, #tpu.memory_space<vmem>>, vector<16xi32>,
        %get3A_959 = vector.shape_cast %get3A_958 : vector<16xi32> to vector<16xi32>
        %get3A_960 = arith.constant 336 : index
        %get3A_961 = tpu.vector_load %arg6[%get3A_960] {strides = array<i32>} : memref<1024xi32, #tpu.memory_space<vmem>>, vector<16xi32>,
        %get3A_962 = vector.shape_cast %get3A_961 : vector<16xi32> to vector<16xi32>
        %lt3A_963 = arith.cmpi slt, %get3A_959, %get3A_962 : vector<16xi32>
        %get3A_964 = arith.constant 336 : index
        %get3A_965 = tpu.vector_load %arg5[%get3A_964] {strides = array<i32>} : memref<1024xi32, #tpu.memory_space<vmem>>, vector<16xi32>,
        %get3A_966 = vector.shape_cast %get3A_965 : vector<16xi32> to vector<16xi32>
        %get3A_967 = arith.constant 336 : index
        %get3A_968 = tpu.vector_load %arg6[%get3A_967] {strides = array<i32>} : memref<1024xi32, #tpu.memory_space<vmem>>, vector<16xi32>,
        %get3A_969 = vector.shape_cast %get3A_968 : vector<16xi32> to vector<16xi32>
        %add3A_970 = arith.constant 1000000 : i32
        %add3A_971 = vector.broadcast %add3A_970 : i32 to vector<16xi32>
        %add3A_972 = arith.addi %get3A_969, %add3A_971 : vector<16xi32>
        %select_n3A_973 = arith.select %lt3A_963, %get3A_966, %add3A_972 : vector<16xi1>, vector<16xi32>
        %swap3A_974 = arith.constant 336 : index
        %swap3A_975 = tpu.vector_load %arg8[%swap3A_974] {strides = array<i32>} : memref<1024xi32, #tpu.memory_space<vmem>>, vector<16xi32>,
        %swap3A_976 = vector.shape_cast %swap3A_975 : vector<16xi32> to vector<16xi32>
        %swap3A_977 = vector.shape_cast %select_n3A_973 : vector<16xi32> to vector<16xi32>
        tpu.vector_store %arg8[%swap3A_974], %swap3A_977 {strides = array<i32>} : memref<1024xi32, #tpu.memory_space<vmem>>, vector<16xi32>,
        %get3A_978 = arith.constant 352 : index
        %get3A_979 = tpu.vector_load %arg7[%get3A_978] {strides = array<i32>} : memref<1024xi32, #tpu.memory_space<vmem>>, vector<16xi32>,
        %get3A_980 = vector.shape_cast %get3A_979 : vector<16xi32> to vector<16xi32>
        %get3A_981 = arith.constant 352 : index
        %get3A_982 = tpu.vector_load %arg6[%get3A_981] {strides = array<i32>} : memref<1024xi32, #tpu.memory_space<vmem>>, vector<16xi32>,
        %get3A_983 = vector.shape_cast %get3A_982 : vector<16xi32> to vector<16xi32>
        %lt3A_984 = arith.cmpi slt, %get3A_980, %get3A_983 : vector<16xi32>
        %get3A_985 = arith.constant 352 : index
        %get3A_986 = tpu.vector_load %arg5[%get3A_985] {strides = array<i32>} : memref<1024xi32, #tpu.memory_space<vmem>>, vector<16xi32>,
        %get3A_987 = vector.shape_cast %get3A_986 : vector<16xi32> to vector<16xi32>
        %get3A_988 = arith.constant 352 : index
        %get3A_989 = tpu.vector_load %arg6[%get3A_988] {strides = array<i32>} : memref<1024xi32, #tpu.memory_space<vmem>>, vector<16xi32>,
        %get3A_990 = vector.shape_cast %get3A_989 : vector<16xi32> to vector<16xi32>
        %add3A_991 = arith.constant 1000000 : i32
        %add3A_992 = vector.broadcast %add3A_991 : i32 to vector<16xi32>
        %add3A_993 = arith.addi %get3A_990, %add3A_992 : vector<16xi32>
        %select_n3A_994 = arith.select %lt3A_984, %get3A_987, %add3A_993 : vector<16xi1>, vector<16xi32>
        %swap3A_995 = arith.constant 352 : index
        %swap3A_996 = tpu.vector_load %arg8[%swap3A_995] {strides = array<i32>} : memref<1024xi32, #tpu.memory_space<vmem>>, vector<16xi32>,
        %swap3A_997 = vector.shape_cast %swap3A_996 : vector<16xi32> to vector<16xi32>
        %swap3A_998 = vector.shape_cast %select_n3A_994 : vector<16xi32> to vector<16xi32>
        tpu.vector_store %arg8[%swap3A_995], %swap3A_998 {strides = array<i32>} : memref<1024xi32, #tpu.memory_space<vmem>>, vector<16xi32>,
        %get3A_999 = arith.constant 368 : index
        %get3A_1000 = tpu.vector_load %arg7[%get3A_999] {strides = array<i32>} : memref<1024xi32, #tpu.memory_space<vmem>>, vector<16xi32>,
        %get3A_1001 = vector.shape_cast %get3A_1000 : vector<16xi32> to vector<16xi32>
        %get3A_1002 = arith.constant 368 : index
        %get3A_1003 = tpu.vector_load %arg6[%get3A_1002] {strides = array<i32>} : memref<1024xi32, #tpu.memory_space<vmem>>, vector<16xi32>,
        %get3A_1004 = vector.shape_cast %get3A_1003 : vector<16xi32> to vector<16xi32>
        %lt3A_1005 = arith.cmpi slt, %get3A_1001, %get3A_1004 : vector<16xi32>
        %get3A_1006 = arith.constant 368 : index
        %get3A_1007 = tpu.vector_load %arg5[%get3A_1006] {strides = array<i32>} : memref<1024xi32, #tpu.memory_space<vmem>>, vector<16xi32>,
        %get3A_1008 = vector.shape_cast %get3A_1007 : vector<16xi32> to vector<16xi32>
        %get3A_1009 = arith.constant 368 : index
        %get3A_1010 = tpu.vector_load %arg6[%get3A_1009] {strides = array<i32>} : memref<1024xi32, #tpu.memory_space<vmem>>, vector<16xi32>,
        %get3A_1011 = vector.shape_cast %get3A_1010 : vector<16xi32> to vector<16xi32>
        %add3A_1012 = arith.constant 1000000 : i32
        %add3A_1013 = vector.broadcast %add3A_1012 : i32 to vector<16xi32>
        %add3A_1014 = arith.addi %get3A_1011, %add3A_1013 : vector<16xi32>
        %select_n3A_1015 = arith.select %lt3A_1005, %get3A_1008, %add3A_1014 : vector<16xi1>, vector<16xi32>
        %swap3A_1016 = arith.constant 368 : index
        %swap3A_1017 = tpu.vector_load %arg8[%swap3A_1016] {strides = array<i32>} : memref<1024xi32, #tpu.memory_space<vmem>>, vector<16xi32>,
        %swap3A_1018 = vector.shape_cast %swap3A_1017 : vector<16xi32> to vector<16xi32>
        %swap3A_1019 = vector.shape_cast %select_n3A_1015 : vector<16xi32> to vector<16xi32>
        tpu.vector_store %arg8[%swap3A_1016], %swap3A_1019 {strides = array<i32>} : memref<1024xi32, #tpu.memory_space<vmem>>, vector<16xi32>,
        %get3A_1020 = arith.constant 384 : index
        %get3A_1021 = tpu.vector_load %arg7[%get3A_1020] {strides = array<i32>} : memref<1024xi32, #tpu.memory_space<vmem>>, vector<16xi32>,
        %get3A_1022 = vector.shape_cast %get3A_1021 : vector<16xi32> to vector<16xi32>
        %get3A_1023 = arith.constant 384 : index
        %get3A_1024 = tpu.vector_load %arg6[%get3A_1023] {strides = array<i32>} : memref<1024xi32, #tpu.memory_space<vmem>>, vector<16xi32>,
        %get3A_1025 = vector.shape_cast %get3A_1024 : vector<16xi32> to vector<16xi32>
        %lt3A_1026 = arith.cmpi slt, %get3A_1022, %get3A_1025 : vector<16xi32>
        %get3A_1027 = arith.constant 384 : index
        %get3A_1028 = tpu.vector_load %arg5[%get3A_1027] {strides = array<i32>} : memref<1024xi32, #tpu.memory_space<vmem>>, vector<16xi32>,
        %get3A_1029 = vector.shape_cast %get3A_1028 : vector<16xi32> to vector<16xi32>
        %get3A_1030 = arith.constant 384 : index
        %get3A_1031 = tpu.vector_load %arg6[%get3A_1030] {strides = array<i32>} : memref<1024xi32, #tpu.memory_space<vmem>>, vector<16xi32>,
        %get3A_1032 = vector.shape_cast %get3A_1031 : vector<16xi32> to vector<16xi32>
        %add3A_1033 = arith.constant 1000000 : i32
        %add3A_1034 = vector.broadcast %add3A_1033 : i32 to vector<16xi32>
        %add3A_1035 = arith.addi %get3A_1032, %add3A_1034 : vector<16xi32>
        %select_n3A_1036 = arith.select %lt3A_1026, %get3A_1029, %add3A_1035 : vector<16xi1>, vector<16xi32>
        %swap3A_1037 = arith.constant 384 : index
        %swap3A_1038 = tpu.vector_load %arg8[%swap3A_1037] {strides = array<i32>} : memref<1024xi32, #tpu.memory_space<vmem>>, vector<16xi32>,
        %swap3A_1039 = vector.shape_cast %swap3A_1038 : vector<16xi32> to vector<16xi32>
        %swap3A_1040 = vector.shape_cast %select_n3A_1036 : vector<16xi32> to vector<16xi32>
        tpu.vector_store %arg8[%swap3A_1037], %swap3A_1040 {strides = array<i32>} : memref<1024xi32, #tpu.memory_space<vmem>>, vector<16xi32>,
        %get3A_1041 = arith.constant 400 : index
        %get3A_1042 = tpu.vector_load %arg7[%get3A_1041] {strides = array<i32>} : memref<1024xi32, #tpu.memory_space<vmem>>, vector<16xi32>,
        %get3A_1043 = vector.shape_cast %get3A_1042 : vector<16xi32> to vector<16xi32>
        %get3A_1044 = arith.constant 400 : index
        %get3A_1045 = tpu.vector_load %arg6[%get3A_1044] {strides = array<i32>} : memref<1024xi32, #tpu.memory_space<vmem>>, vector<16xi32>,
        %get3A_1046 = vector.shape_cast %get3A_1045 : vector<16xi32> to vector<16xi32>
        %lt3A_1047 = arith.cmpi slt, %get3A_1043, %get3A_1046 : vector<16xi32>
        %get3A_1048 = arith.constant 400 : index
        %get3A_1049 = tpu.vector_load %arg5[%get3A_1048] {strides = array<i32>} : memref<1024xi32, #tpu.memory_space<vmem>>, vector<16xi32>,
        %get3A_1050 = vector.shape_cast %get3A_1049 : vector<16xi32> to vector<16xi32>
        %get3A_1051 = arith.constant 400 : index
        %get3A_1052 = tpu.vector_load %arg6[%get3A_1051] {strides = array<i32>} : memref<1024xi32, #tpu.memory_space<vmem>>, vector<16xi32>,
        %get3A_1053 = vector.shape_cast %get3A_1052 : vector<16xi32> to vector<16xi32>
        %add3A_1054 = arith.constant 1000000 : i32
        %add3A_1055 = vector.broadcast %add3A_1054 : i32 to vector<16xi32>
        %add3A_1056 = arith.addi %get3A_1053, %add3A_1055 : vector<16xi32>
        %select_n3A_1057 = arith.select %lt3A_1047, %get3A_1050, %add3A_1056 : vector<16xi1>, vector<16xi32>
        %swap3A_1058 = arith.constant 400 : index
        %swap3A_1059 = tpu.vector_load %arg8[%swap3A_1058] {strides = array<i32>} : memref<1024xi32, #tpu.memory_space<vmem>>, vector<16xi32>,
        %swap3A_1060 = vector.shape_cast %swap3A_1059 : vector<16xi32> to vector<16xi32>
        %swap3A_1061 = vector.shape_cast %select_n3A_1057 : vector<16xi32> to vector<16xi32>
        tpu.vector_store %arg8[%swap3A_1058], %swap3A_1061 {strides = array<i32>} : memref<1024xi32, #tpu.memory_space<vmem>>, vector<16xi32>,
        %get3A_1062 = arith.constant 416 : index
        %get3A_1063 = tpu.vector_load %arg7[%get3A_1062] {strides = array<i32>} : memref<1024xi32, #tpu.memory_space<vmem>>, vector<16xi32>,
        %get3A_1064 = vector.shape_cast %get3A_1063 : vector<16xi32> to vector<16xi32>
        %get3A_1065 = arith.constant 416 : index
        %get3A_1066 = tpu.vector_load %arg6[%get3A_1065] {strides = array<i32>} : memref<1024xi32, #tpu.memory_space<vmem>>, vector<16xi32>,
        %get3A_1067 = vector.shape_cast %get3A_1066 : vector<16xi32> to vector<16xi32>
        %lt3A_1068 = arith.cmpi slt, %get3A_1064, %get3A_1067 : vector<16xi32>
        %get3A_1069 = arith.constant 416 : index
        %get3A_1070 = tpu.vector_load %arg5[%get3A_1069] {strides = array<i32>} : memref<1024xi32, #tpu.memory_space<vmem>>, vector<16xi32>,
        %get3A_1071 = vector.shape_cast %get3A_1070 : vector<16xi32> to vector<16xi32>
        %get3A_1072 = arith.constant 416 : index
        %get3A_1073 = tpu.vector_load %arg6[%get3A_1072] {strides = array<i32>} : memref<1024xi32, #tpu.memory_space<vmem>>, vector<16xi32>,
        %get3A_1074 = vector.shape_cast %get3A_1073 : vector<16xi32> to vector<16xi32>
        %add3A_1075 = arith.constant 1000000 : i32
        %add3A_1076 = vector.broadcast %add3A_1075 : i32 to vector<16xi32>
        %add3A_1077 = arith.addi %get3A_1074, %add3A_1076 : vector<16xi32>
        %select_n3A_1078 = arith.select %lt3A_1068, %get3A_1071, %add3A_1077 : vector<16xi1>, vector<16xi32>
        %swap3A_1079 = arith.constant 416 : index
        %swap3A_1080 = tpu.vector_load %arg8[%swap3A_1079] {strides = array<i32>} : memref<1024xi32, #tpu.memory_space<vmem>>, vector<16xi32>,
        %swap3A_1081 = vector.shape_cast %swap3A_1080 : vector<16xi32> to vector<16xi32>
        %swap3A_1082 = vector.shape_cast %select_n3A_1078 : vector<16xi32> to vector<16xi32>
        tpu.vector_store %arg8[%swap3A_1079], %swap3A_1082 {strides = array<i32>} : memref<1024xi32, #tpu.memory_space<vmem>>, vector<16xi32>,
        %get3A_1083 = arith.constant 432 : index
        %get3A_1084 = tpu.vector_load %arg7[%get3A_1083] {strides = array<i32>} : memref<1024xi32, #tpu.memory_space<vmem>>, vector<16xi32>,
        %get3A_1085 = vector.shape_cast %get3A_1084 : vector<16xi32> to vector<16xi32>
        %get3A_1086 = arith.constant 432 : index
        %get3A_1087 = tpu.vector_load %arg6[%get3A_1086] {strides = array<i32>} : memref<1024xi32, #tpu.memory_space<vmem>>, vector<16xi32>,
        %get3A_1088 = vector.shape_cast %get3A_1087 : vector<16xi32> to vector<16xi32>
        %lt3A_1089 = arith.cmpi slt, %get3A_1085, %get3A_1088 : vector<16xi32>
        %get3A_1090 = arith.constant 432 : index
        %get3A_1091 = tpu.vector_load %arg5[%get3A_1090] {strides = array<i32>} : memref<1024xi32, #tpu.memory_space<vmem>>, vector<16xi32>,
        %get3A_1092 = vector.shape_cast %get3A_1091 : vector<16xi32> to vector<16xi32>
        %get3A_1093 = arith.constant 432 : index
        %get3A_1094 = tpu.vector_load %arg6[%get3A_1093] {strides = array<i32>} : memref<1024xi32, #tpu.memory_space<vmem>>, vector<16xi32>,
        %get3A_1095 = vector.shape_cast %get3A_1094 : vector<16xi32> to vector<16xi32>
        %add3A_1096 = arith.constant 1000000 : i32
        %add3A_1097 = vector.broadcast %add3A_1096 : i32 to vector<16xi32>
        %add3A_1098 = arith.addi %get3A_1095, %add3A_1097 : vector<16xi32>
        %select_n3A_1099 = arith.select %lt3A_1089, %get3A_1092, %add3A_1098 : vector<16xi1>, vector<16xi32>
        %swap3A_1100 = arith.constant 432 : index
        %swap3A_1101 = tpu.vector_load %arg8[%swap3A_1100] {strides = array<i32>} : memref<1024xi32, #tpu.memory_space<vmem>>, vector<16xi32>,
        %swap3A_1102 = vector.shape_cast %swap3A_1101 : vector<16xi32> to vector<16xi32>
        %swap3A_1103 = vector.shape_cast %select_n3A_1099 : vector<16xi32> to vector<16xi32>
        tpu.vector_store %arg8[%swap3A_1100], %swap3A_1103 {strides = array<i32>} : memref<1024xi32, #tpu.memory_space<vmem>>, vector<16xi32>,
        %get3A_1104 = arith.constant 448 : index
        %get3A_1105 = tpu.vector_load %arg7[%get3A_1104] {strides = array<i32>} : memref<1024xi32, #tpu.memory_space<vmem>>, vector<16xi32>,
        %get3A_1106 = vector.shape_cast %get3A_1105 : vector<16xi32> to vector<16xi32>
        %get3A_1107 = arith.constant 448 : index
        %get3A_1108 = tpu.vector_load %arg6[%get3A_1107] {strides = array<i32>} : memref<1024xi32, #tpu.memory_space<vmem>>, vector<16xi32>,
        %get3A_1109 = vector.shape_cast %get3A_1108 : vector<16xi32> to vector<16xi32>
        %lt3A_1110 = arith.cmpi slt, %get3A_1106, %get3A_1109 : vector<16xi32>
        %get3A_1111 = arith.constant 448 : index
        %get3A_1112 = tpu.vector_load %arg5[%get3A_1111] {strides = array<i32>} : memref<1024xi32, #tpu.memory_space<vmem>>, vector<16xi32>,
        %get3A_1113 = vector.shape_cast %get3A_1112 : vector<16xi32> to vector<16xi32>
        %get3A_1114 = arith.constant 448 : index
        %get3A_1115 = tpu.vector_load %arg6[%get3A_1114] {strides = array<i32>} : memref<1024xi32, #tpu.memory_space<vmem>>, vector<16xi32>,
        %get3A_1116 = vector.shape_cast %get3A_1115 : vector<16xi32> to vector<16xi32>
        %add3A_1117 = arith.constant 1000000 : i32
        %add3A_1118 = vector.broadcast %add3A_1117 : i32 to vector<16xi32>
        %add3A_1119 = arith.addi %get3A_1116, %add3A_1118 : vector<16xi32>
        %select_n3A_1120 = arith.select %lt3A_1110, %get3A_1113, %add3A_1119 : vector<16xi1>, vector<16xi32>
        %swap3A_1121 = arith.constant 448 : index
        %swap3A_1122 = tpu.vector_load %arg8[%swap3A_1121] {strides = array<i32>} : memref<1024xi32, #tpu.memory_space<vmem>>, vector<16xi32>,
        %swap3A_1123 = vector.shape_cast %swap3A_1122 : vector<16xi32> to vector<16xi32>
        %swap3A_1124 = vector.shape_cast %select_n3A_1120 : vector<16xi32> to vector<16xi32>
        tpu.vector_store %arg8[%swap3A_1121], %swap3A_1124 {strides = array<i32>} : memref<1024xi32, #tpu.memory_space<vmem>>, vector<16xi32>,
        %get3A_1125 = arith.constant 464 : index
        %get3A_1126 = tpu.vector_load %arg7[%get3A_1125] {strides = array<i32>} : memref<1024xi32, #tpu.memory_space<vmem>>, vector<16xi32>,
        %get3A_1127 = vector.shape_cast %get3A_1126 : vector<16xi32> to vector<16xi32>
        %get3A_1128 = arith.constant 464 : index
        %get3A_1129 = tpu.vector_load %arg6[%get3A_1128] {strides = array<i32>} : memref<1024xi32, #tpu.memory_space<vmem>>, vector<16xi32>,
        %get3A_1130 = vector.shape_cast %get3A_1129 : vector<16xi32> to vector<16xi32>
        %lt3A_1131 = arith.cmpi slt, %get3A_1127, %get3A_1130 : vector<16xi32>
        %get3A_1132 = arith.constant 464 : index
        %get3A_1133 = tpu.vector_load %arg5[%get3A_1132] {strides = array<i32>} : memref<1024xi32, #tpu.memory_space<vmem>>, vector<16xi32>,
        %get3A_1134 = vector.shape_cast %get3A_1133 : vector<16xi32> to vector<16xi32>
        %get3A_1135 = arith.constant 464 : index
        %get3A_1136 = tpu.vector_load %arg6[%get3A_1135] {strides = array<i32>} : memref<1024xi32, #tpu.memory_space<vmem>>, vector<16xi32>,
        %get3A_1137 = vector.shape_cast %get3A_1136 : vector<16xi32> to vector<16xi32>
        %add3A_1138 = arith.constant 1000000 : i32
        %add3A_1139 = vector.broadcast %add3A_1138 : i32 to vector<16xi32>
        %add3A_1140 = arith.addi %get3A_1137, %add3A_1139 : vector<16xi32>
        %select_n3A_1141 = arith.select %lt3A_1131, %get3A_1134, %add3A_1140 : vector<16xi1>, vector<16xi32>
        %swap3A_1142 = arith.constant 464 : index
        %swap3A_1143 = tpu.vector_load %arg8[%swap3A_1142] {strides = array<i32>} : memref<1024xi32, #tpu.memory_space<vmem>>, vector<16xi32>,
        %swap3A_1144 = vector.shape_cast %swap3A_1143 : vector<16xi32> to vector<16xi32>
        %swap3A_1145 = vector.shape_cast %select_n3A_1141 : vector<16xi32> to vector<16xi32>
        tpu.vector_store %arg8[%swap3A_1142], %swap3A_1145 {strides = array<i32>} : memref<1024xi32, #tpu.memory_space<vmem>>, vector<16xi32>,
        %get3A_1146 = arith.constant 480 : index
        %get3A_1147 = tpu.vector_load %arg7[%get3A_1146] {strides = array<i32>} : memref<1024xi32, #tpu.memory_space<vmem>>, vector<16xi32>,
        %get3A_1148 = vector.shape_cast %get3A_1147 : vector<16xi32> to vector<16xi32>
        %get3A_1149 = arith.constant 480 : index
        %get3A_1150 = tpu.vector_load %arg6[%get3A_1149] {strides = array<i32>} : memref<1024xi32, #tpu.memory_space<vmem>>, vector<16xi32>,
        %get3A_1151 = vector.shape_cast %get3A_1150 : vector<16xi32> to vector<16xi32>
        %lt3A_1152 = arith.cmpi slt, %get3A_1148, %get3A_1151 : vector<16xi32>
        %get3A_1153 = arith.constant 480 : index
        %get3A_1154 = tpu.vector_load %arg5[%get3A_1153] {strides = array<i32>} : memref<1024xi32, #tpu.memory_space<vmem>>, vector<16xi32>,
        %get3A_1155 = vector.shape_cast %get3A_1154 : vector<16xi32> to vector<16xi32>
        %get3A_1156 = arith.constant 480 : index
        %get3A_1157 = tpu.vector_load %arg6[%get3A_1156] {strides = array<i32>} : memref<1024xi32, #tpu.memory_space<vmem>>, vector<16xi32>,
        %get3A_1158 = vector.shape_cast %get3A_1157 : vector<16xi32> to vector<16xi32>
        %add3A_1159 = arith.constant 1000000 : i32
        %add3A_1160 = vector.broadcast %add3A_1159 : i32 to vector<16xi32>
        %add3A_1161 = arith.addi %get3A_1158, %add3A_1160 : vector<16xi32>
        %select_n3A_1162 = arith.select %lt3A_1152, %get3A_1155, %add3A_1161 : vector<16xi1>, vector<16xi32>
        %swap3A_1163 = arith.constant 480 : index
        %swap3A_1164 = tpu.vector_load %arg8[%swap3A_1163] {strides = array<i32>} : memref<1024xi32, #tpu.memory_space<vmem>>, vector<16xi32>,
        %swap3A_1165 = vector.shape_cast %swap3A_1164 : vector<16xi32> to vector<16xi32>
        %swap3A_1166 = vector.shape_cast %select_n3A_1162 : vector<16xi32> to vector<16xi32>
        tpu.vector_store %arg8[%swap3A_1163], %swap3A_1166 {strides = array<i32>} : memref<1024xi32, #tpu.memory_space<vmem>>, vector<16xi32>,
        %get3A_1167 = arith.constant 496 : index
        %get3A_1168 = tpu.vector_load %arg7[%get3A_1167] {strides = array<i32>} : memref<1024xi32, #tpu.memory_space<vmem>>, vector<16xi32>,
        %get3A_1169 = vector.shape_cast %get3A_1168 : vector<16xi32> to vector<16xi32>
        %get3A_1170 = arith.constant 496 : index
        %get3A_1171 = tpu.vector_load %arg6[%get3A_1170] {strides = array<i32>} : memref<1024xi32, #tpu.memory_space<vmem>>, vector<16xi32>,
        %get3A_1172 = vector.shape_cast %get3A_1171 : vector<16xi32> to vector<16xi32>
        %lt3A_1173 = arith.cmpi slt, %get3A_1169, %get3A_1172 : vector<16xi32>
        %get3A_1174 = arith.constant 496 : index
        %get3A_1175 = tpu.vector_load %arg5[%get3A_1174] {strides = array<i32>} : memref<1024xi32, #tpu.memory_space<vmem>>, vector<16xi32>,
        %get3A_1176 = vector.shape_cast %get3A_1175 : vector<16xi32> to vector<16xi32>
        %get3A_1177 = arith.constant 496 : index
        %get3A_1178 = tpu.vector_load %arg6[%get3A_1177] {strides = array<i32>} : memref<1024xi32, #tpu.memory_space<vmem>>, vector<16xi32>,
        %get3A_1179 = vector.shape_cast %get3A_1178 : vector<16xi32> to vector<16xi32>
        %add3A_1180 = arith.constant 1000000 : i32
        %add3A_1181 = vector.broadcast %add3A_1180 : i32 to vector<16xi32>
        %add3A_1182 = arith.addi %get3A_1179, %add3A_1181 : vector<16xi32>
        %select_n3A_1183 = arith.select %lt3A_1173, %get3A_1176, %add3A_1182 : vector<16xi1>, vector<16xi32>
        %swap3A_1184 = arith.constant 496 : index
        %swap3A_1185 = tpu.vector_load %arg8[%swap3A_1184] {strides = array<i32>} : memref<1024xi32, #tpu.memory_space<vmem>>, vector<16xi32>,
        %swap3A_1186 = vector.shape_cast %swap3A_1185 : vector<16xi32> to vector<16xi32>
        %swap3A_1187 = vector.shape_cast %select_n3A_1183 : vector<16xi32> to vector<16xi32>
        tpu.vector_store %arg8[%swap3A_1184], %swap3A_1187 {strides = array<i32>} : memref<1024xi32, #tpu.memory_space<vmem>>, vector<16xi32>,
        %get3A_1188 = arith.constant 512 : index
        %get3A_1189 = tpu.vector_load %arg7[%get3A_1188] {strides = array<i32>} : memref<1024xi32, #tpu.memory_space<vmem>>, vector<16xi32>,
        %get3A_1190 = vector.shape_cast %get3A_1189 : vector<16xi32> to vector<16xi32>
        %get3A_1191 = arith.constant 512 : index
        %get3A_1192 = tpu.vector_load %arg6[%get3A_1191] {strides = array<i32>} : memref<1024xi32, #tpu.memory_space<vmem>>, vector<16xi32>,
        %get3A_1193 = vector.shape_cast %get3A_1192 : vector<16xi32> to vector<16xi32>
        %lt3A_1194 = arith.cmpi slt, %get3A_1190, %get3A_1193 : vector<16xi32>
        %get3A_1195 = arith.constant 512 : index
        %get3A_1196 = tpu.vector_load %arg5[%get3A_1195] {strides = array<i32>} : memref<1024xi32, #tpu.memory_space<vmem>>, vector<16xi32>,
        %get3A_1197 = vector.shape_cast %get3A_1196 : vector<16xi32> to vector<16xi32>
        %get3A_1198 = arith.constant 512 : index
        %get3A_1199 = tpu.vector_load %arg6[%get3A_1198] {strides = array<i32>} : memref<1024xi32, #tpu.memory_space<vmem>>, vector<16xi32>,
        %get3A_1200 = vector.shape_cast %get3A_1199 : vector<16xi32> to vector<16xi32>
        %add3A_1201 = arith.constant 1000000 : i32
        %add3A_1202 = vector.broadcast %add3A_1201 : i32 to vector<16xi32>
        %add3A_1203 = arith.addi %get3A_1200, %add3A_1202 : vector<16xi32>
        %select_n3A_1204 = arith.select %lt3A_1194, %get3A_1197, %add3A_1203 : vector<16xi1>, vector<16xi32>
        %swap3A_1205 = arith.constant 512 : index
        %swap3A_1206 = tpu.vector_load %arg8[%swap3A_1205] {strides = array<i32>} : memref<1024xi32, #tpu.memory_space<vmem>>, vector<16xi32>,
        %swap3A_1207 = vector.shape_cast %swap3A_1206 : vector<16xi32> to vector<16xi32>
        %swap3A_1208 = vector.shape_cast %select_n3A_1204 : vector<16xi32> to vector<16xi32>
        tpu.vector_store %arg8[%swap3A_1205], %swap3A_1208 {strides = array<i32>} : memref<1024xi32, #tpu.memory_space<vmem>>, vector<16xi32>,
        %get3A_1209 = arith.constant 528 : index
        %get3A_1210 = tpu.vector_load %arg7[%get3A_1209] {strides = array<i32>} : memref<1024xi32, #tpu.memory_space<vmem>>, vector<16xi32>,
        %get3A_1211 = vector.shape_cast %get3A_1210 : vector<16xi32> to vector<16xi32>
        %get3A_1212 = arith.constant 528 : index
        %get3A_1213 = tpu.vector_load %arg6[%get3A_1212] {strides = array<i32>} : memref<1024xi32, #tpu.memory_space<vmem>>, vector<16xi32>,
        %get3A_1214 = vector.shape_cast %get3A_1213 : vector<16xi32> to vector<16xi32>
        %lt3A_1215 = arith.cmpi slt, %get3A_1211, %get3A_1214 : vector<16xi32>
        %get3A_1216 = arith.constant 528 : index
        %get3A_1217 = tpu.vector_load %arg5[%get3A_1216] {strides = array<i32>} : memref<1024xi32, #tpu.memory_space<vmem>>, vector<16xi32>,
        %get3A_1218 = vector.shape_cast %get3A_1217 : vector<16xi32> to vector<16xi32>
        %get3A_1219 = arith.constant 528 : index
        %get3A_1220 = tpu.vector_load %arg6[%get3A_1219] {strides = array<i32>} : memref<1024xi32, #tpu.memory_space<vmem>>, vector<16xi32>,
        %get3A_1221 = vector.shape_cast %get3A_1220 : vector<16xi32> to vector<16xi32>
        %add3A_1222 = arith.constant 1000000 : i32
        %add3A_1223 = vector.broadcast %add3A_1222 : i32 to vector<16xi32>
        %add3A_1224 = arith.addi %get3A_1221, %add3A_1223 : vector<16xi32>
        %select_n3A_1225 = arith.select %lt3A_1215, %get3A_1218, %add3A_1224 : vector<16xi1>, vector<16xi32>
        %swap3A_1226 = arith.constant 528 : index
        %swap3A_1227 = tpu.vector_load %arg8[%swap3A_1226] {strides = array<i32>} : memref<1024xi32, #tpu.memory_space<vmem>>, vector<16xi32>,
        %swap3A_1228 = vector.shape_cast %swap3A_1227 : vector<16xi32> to vector<16xi32>
        %swap3A_1229 = vector.shape_cast %select_n3A_1225 : vector<16xi32> to vector<16xi32>
        tpu.vector_store %arg8[%swap3A_1226], %swap3A_1229 {strides = array<i32>} : memref<1024xi32, #tpu.memory_space<vmem>>, vector<16xi32>,
        %get3A_1230 = arith.constant 544 : index
        %get3A_1231 = tpu.vector_load %arg7[%get3A_1230] {strides = array<i32>} : memref<1024xi32, #tpu.memory_space<vmem>>, vector<16xi32>,
        %get3A_1232 = vector.shape_cast %get3A_1231 : vector<16xi32> to vector<16xi32>
        %get3A_1233 = arith.constant 544 : index
        %get3A_1234 = tpu.vector_load %arg6[%get3A_1233] {strides = array<i32>} : memref<1024xi32, #tpu.memory_space<vmem>>, vector<16xi32>,
        %get3A_1235 = vector.shape_cast %get3A_1234 : vector<16xi32> to vector<16xi32>
        %lt3A_1236 = arith.cmpi slt, %get3A_1232, %get3A_1235 : vector<16xi32>
        %get3A_1237 = arith.constant 544 : index
        %get3A_1238 = tpu.vector_load %arg5[%get3A_1237] {strides = array<i32>} : memref<1024xi32, #tpu.memory_space<vmem>>, vector<16xi32>,
        %get3A_1239 = vector.shape_cast %get3A_1238 : vector<16xi32> to vector<16xi32>
        %get3A_1240 = arith.constant 544 : index
        %get3A_1241 = tpu.vector_load %arg6[%get3A_1240] {strides = array<i32>} : memref<1024xi32, #tpu.memory_space<vmem>>, vector<16xi32>,
        %get3A_1242 = vector.shape_cast %get3A_1241 : vector<16xi32> to vector<16xi32>
        %add3A_1243 = arith.constant 1000000 : i32
        %add3A_1244 = vector.broadcast %add3A_1243 : i32 to vector<16xi32>
        %add3A_1245 = arith.addi %get3A_1242, %add3A_1244 : vector<16xi32>
        %select_n3A_1246 = arith.select %lt3A_1236, %get3A_1239, %add3A_1245 : vector<16xi1>, vector<16xi32>
        %swap3A_1247 = arith.constant 544 : index
        %swap3A_1248 = tpu.vector_load %arg8[%swap3A_1247] {strides = array<i32>} : memref<1024xi32, #tpu.memory_space<vmem>>, vector<16xi32>,
        %swap3A_1249 = vector.shape_cast %swap3A_1248 : vector<16xi32> to vector<16xi32>
        %swap3A_1250 = vector.shape_cast %select_n3A_1246 : vector<16xi32> to vector<16xi32>
        tpu.vector_store %arg8[%swap3A_1247], %swap3A_1250 {strides = array<i32>} : memref<1024xi32, #tpu.memory_space<vmem>>, vector<16xi32>,
        %get3A_1251 = arith.constant 560 : index
        %get3A_1252 = tpu.vector_load %arg7[%get3A_1251] {strides = array<i32>} : memref<1024xi32, #tpu.memory_space<vmem>>, vector<16xi32>,
        %get3A_1253 = vector.shape_cast %get3A_1252 : vector<16xi32> to vector<16xi32>
        %get3A_1254 = arith.constant 560 : index
        %get3A_1255 = tpu.vector_load %arg6[%get3A_1254] {strides = array<i32>} : memref<1024xi32, #tpu.memory_space<vmem>>, vector<16xi32>,
        %get3A_1256 = vector.shape_cast %get3A_1255 : vector<16xi32> to vector<16xi32>
        %lt3A_1257 = arith.cmpi slt, %get3A_1253, %get3A_1256 : vector<16xi32>
        %get3A_1258 = arith.constant 560 : index
        %get3A_1259 = tpu.vector_load %arg5[%get3A_1258] {strides = array<i32>} : memref<1024xi32, #tpu.memory_space<vmem>>, vector<16xi32>,
        %get3A_1260 = vector.shape_cast %get3A_1259 : vector<16xi32> to vector<16xi32>
        %get3A_1261 = arith.constant 560 : index
        %get3A_1262 = tpu.vector_load %arg6[%get3A_1261] {strides = array<i32>} : memref<1024xi32, #tpu.memory_space<vmem>>, vector<16xi32>,
        %get3A_1263 = vector.shape_cast %get3A_1262 : vector<16xi32> to vector<16xi32>
        %add3A_1264 = arith.constant 1000000 : i32
        %add3A_1265 = vector.broadcast %add3A_1264 : i32 to vector<16xi32>
        %add3A_1266 = arith.addi %get3A_1263, %add3A_1265 : vector<16xi32>
        %select_n3A_1267 = arith.select %lt3A_1257, %get3A_1260, %add3A_1266 : vector<16xi1>, vector<16xi32>
        %swap3A_1268 = arith.constant 560 : index
        %swap3A_1269 = tpu.vector_load %arg8[%swap3A_1268] {strides = array<i32>} : memref<1024xi32, #tpu.memory_space<vmem>>, vector<16xi32>,
        %swap3A_1270 = vector.shape_cast %swap3A_1269 : vector<16xi32> to vector<16xi32>
        %swap3A_1271 = vector.shape_cast %select_n3A_1267 : vector<16xi32> to vector<16xi32>
        tpu.vector_store %arg8[%swap3A_1268], %swap3A_1271 {strides = array<i32>} : memref<1024xi32, #tpu.memory_space<vmem>>, vector<16xi32>,
        %get3A_1272 = arith.constant 576 : index
        %get3A_1273 = tpu.vector_load %arg7[%get3A_1272] {strides = array<i32>} : memref<1024xi32, #tpu.memory_space<vmem>>, vector<16xi32>,
        %get3A_1274 = vector.shape_cast %get3A_1273 : vector<16xi32> to vector<16xi32>
        %get3A_1275 = arith.constant 576 : index
        %get3A_1276 = tpu.vector_load %arg6[%get3A_1275] {strides = array<i32>} : memref<1024xi32, #tpu.memory_space<vmem>>, vector<16xi32>,
        %get3A_1277 = vector.shape_cast %get3A_1276 : vector<16xi32> to vector<16xi32>
        %lt3A_1278 = arith.cmpi slt, %get3A_1274, %get3A_1277 : vector<16xi32>
        %get3A_1279 = arith.constant 576 : index
        %get3A_1280 = tpu.vector_load %arg5[%get3A_1279] {strides = array<i32>} : memref<1024xi32, #tpu.memory_space<vmem>>, vector<16xi32>,
        %get3A_1281 = vector.shape_cast %get3A_1280 : vector<16xi32> to vector<16xi32>
        %get3A_1282 = arith.constant 576 : index
        %get3A_1283 = tpu.vector_load %arg6[%get3A_1282] {strides = array<i32>} : memref<1024xi32, #tpu.memory_space<vmem>>, vector<16xi32>,
        %get3A_1284 = vector.shape_cast %get3A_1283 : vector<16xi32> to vector<16xi32>
        %add3A_1285 = arith.constant 1000000 : i32
        %add3A_1286 = vector.broadcast %add3A_1285 : i32 to vector<16xi32>
        %add3A_1287 = arith.addi %get3A_1284, %add3A_1286 : vector<16xi32>
        %select_n3A_1288 = arith.select %lt3A_1278, %get3A_1281, %add3A_1287 : vector<16xi1>, vector<16xi32>
        %swap3A_1289 = arith.constant 576 : index
        %swap3A_1290 = tpu.vector_load %arg8[%swap3A_1289] {strides = array<i32>} : memref<1024xi32, #tpu.memory_space<vmem>>, vector<16xi32>,
        %swap3A_1291 = vector.shape_cast %swap3A_1290 : vector<16xi32> to vector<16xi32>
        %swap3A_1292 = vector.shape_cast %select_n3A_1288 : vector<16xi32> to vector<16xi32>
        tpu.vector_store %arg8[%swap3A_1289], %swap3A_1292 {strides = array<i32>} : memref<1024xi32, #tpu.memory_space<vmem>>, vector<16xi32>,
        %get3A_1293 = arith.constant 592 : index
        %get3A_1294 = tpu.vector_load %arg7[%get3A_1293] {strides = array<i32>} : memref<1024xi32, #tpu.memory_space<vmem>>, vector<16xi32>,
        %get3A_1295 = vector.shape_cast %get3A_1294 : vector<16xi32> to vector<16xi32>
        %get3A_1296 = arith.constant 592 : index
        %get3A_1297 = tpu.vector_load %arg6[%get3A_1296] {strides = array<i32>} : memref<1024xi32, #tpu.memory_space<vmem>>, vector<16xi32>,
        %get3A_1298 = vector.shape_cast %get3A_1297 : vector<16xi32> to vector<16xi32>
        %lt3A_1299 = arith.cmpi slt, %get3A_1295, %get3A_1298 : vector<16xi32>
        %get3A_1300 = arith.constant 592 : index
        %get3A_1301 = tpu.vector_load %arg5[%get3A_1300] {strides = array<i32>} : memref<1024xi32, #tpu.memory_space<vmem>>, vector<16xi32>,
        %get3A_1302 = vector.shape_cast %get3A_1301 : vector<16xi32> to vector<16xi32>
        %get3A_1303 = arith.constant 592 : index
        %get3A_1304 = tpu.vector_load %arg6[%get3A_1303] {strides = array<i32>} : memref<1024xi32, #tpu.memory_space<vmem>>, vector<16xi32>,
        %get3A_1305 = vector.shape_cast %get3A_1304 : vector<16xi32> to vector<16xi32>
        %add3A_1306 = arith.constant 1000000 : i32
        %add3A_1307 = vector.broadcast %add3A_1306 : i32 to vector<16xi32>
        %add3A_1308 = arith.addi %get3A_1305, %add3A_1307 : vector<16xi32>
        %select_n3A_1309 = arith.select %lt3A_1299, %get3A_1302, %add3A_1308 : vector<16xi1>, vector<16xi32>
        %swap3A_1310 = arith.constant 592 : index
        %swap3A_1311 = tpu.vector_load %arg8[%swap3A_1310] {strides = array<i32>} : memref<1024xi32, #tpu.memory_space<vmem>>, vector<16xi32>,
        %swap3A_1312 = vector.shape_cast %swap3A_1311 : vector<16xi32> to vector<16xi32>
        %swap3A_1313 = vector.shape_cast %select_n3A_1309 : vector<16xi32> to vector<16xi32>
        tpu.vector_store %arg8[%swap3A_1310], %swap3A_1313 {strides = array<i32>} : memref<1024xi32, #tpu.memory_space<vmem>>, vector<16xi32>,
        %get3A_1314 = arith.constant 608 : index
        %get3A_1315 = tpu.vector_load %arg7[%get3A_1314] {strides = array<i32>} : memref<1024xi32, #tpu.memory_space<vmem>>, vector<16xi32>,
        %get3A_1316 = vector.shape_cast %get3A_1315 : vector<16xi32> to vector<16xi32>
        %get3A_1317 = arith.constant 608 : index
        %get3A_1318 = tpu.vector_load %arg6[%get3A_1317] {strides = array<i32>} : memref<1024xi32, #tpu.memory_space<vmem>>, vector<16xi32>,
        %get3A_1319 = vector.shape_cast %get3A_1318 : vector<16xi32> to vector<16xi32>
        %lt3A_1320 = arith.cmpi slt, %get3A_1316, %get3A_1319 : vector<16xi32>
        %get3A_1321 = arith.constant 608 : index
        %get3A_1322 = tpu.vector_load %arg5[%get3A_1321] {strides = array<i32>} : memref<1024xi32, #tpu.memory_space<vmem>>, vector<16xi32>,
        %get3A_1323 = vector.shape_cast %get3A_1322 : vector<16xi32> to vector<16xi32>
        %get3A_1324 = arith.constant 608 : index
        %get3A_1325 = tpu.vector_load %arg6[%get3A_1324] {strides = array<i32>} : memref<1024xi32, #tpu.memory_space<vmem>>, vector<16xi32>,
        %get3A_1326 = vector.shape_cast %get3A_1325 : vector<16xi32> to vector<16xi32>
        %add3A_1327 = arith.constant 1000000 : i32
        %add3A_1328 = vector.broadcast %add3A_1327 : i32 to vector<16xi32>
        %add3A_1329 = arith.addi %get3A_1326, %add3A_1328 : vector<16xi32>
        %select_n3A_1330 = arith.select %lt3A_1320, %get3A_1323, %add3A_1329 : vector<16xi1>, vector<16xi32>
        %swap3A_1331 = arith.constant 608 : index
        %swap3A_1332 = tpu.vector_load %arg8[%swap3A_1331] {strides = array<i32>} : memref<1024xi32, #tpu.memory_space<vmem>>, vector<16xi32>,
        %swap3A_1333 = vector.shape_cast %swap3A_1332 : vector<16xi32> to vector<16xi32>
        %swap3A_1334 = vector.shape_cast %select_n3A_1330 : vector<16xi32> to vector<16xi32>
        tpu.vector_store %arg8[%swap3A_1331], %swap3A_1334 {strides = array<i32>} : memref<1024xi32, #tpu.memory_space<vmem>>, vector<16xi32>,
        %get3A_1335 = arith.constant 624 : index
        %get3A_1336 = tpu.vector_load %arg7[%get3A_1335] {strides = array<i32>} : memref<1024xi32, #tpu.memory_space<vmem>>, vector<16xi32>,
        %get3A_1337 = vector.shape_cast %get3A_1336 : vector<16xi32> to vector<16xi32>
        %get3A_1338 = arith.constant 624 : index
        %get3A_1339 = tpu.vector_load %arg6[%get3A_1338] {strides = array<i32>} : memref<1024xi32, #tpu.memory_space<vmem>>, vector<16xi32>,
        %get3A_1340 = vector.shape_cast %get3A_1339 : vector<16xi32> to vector<16xi32>
        %lt3A_1341 = arith.cmpi slt, %get3A_1337, %get3A_1340 : vector<16xi32>
        %get3A_1342 = arith.constant 624 : index
        %get3A_1343 = tpu.vector_load %arg5[%get3A_1342] {strides = array<i32>} : memref<1024xi32, #tpu.memory_space<vmem>>, vector<16xi32>,
        %get3A_1344 = vector.shape_cast %get3A_1343 : vector<16xi32> to vector<16xi32>
        %get3A_1345 = arith.constant 624 : index
        %get3A_1346 = tpu.vector_load %arg6[%get3A_1345] {strides = array<i32>} : memref<1024xi32, #tpu.memory_space<vmem>>, vector<16xi32>,
        %get3A_1347 = vector.shape_cast %get3A_1346 : vector<16xi32> to vector<16xi32>
        %add3A_1348 = arith.constant 1000000 : i32
        %add3A_1349 = vector.broadcast %add3A_1348 : i32 to vector<16xi32>
        %add3A_1350 = arith.addi %get3A_1347, %add3A_1349 : vector<16xi32>
        %select_n3A_1351 = arith.select %lt3A_1341, %get3A_1344, %add3A_1350 : vector<16xi1>, vector<16xi32>
        %swap3A_1352 = arith.constant 624 : index
        %swap3A_1353 = tpu.vector_load %arg8[%swap3A_1352] {strides = array<i32>} : memref<1024xi32, #tpu.memory_space<vmem>>, vector<16xi32>,
        %swap3A_1354 = vector.shape_cast %swap3A_1353 : vector<16xi32> to vector<16xi32>
        %swap3A_1355 = vector.shape_cast %select_n3A_1351 : vector<16xi32> to vector<16xi32>
        tpu.vector_store %arg8[%swap3A_1352], %swap3A_1355 {strides = array<i32>} : memref<1024xi32, #tpu.memory_space<vmem>>, vector<16xi32>,
        %get3A_1356 = arith.constant 640 : index
        %get3A_1357 = tpu.vector_load %arg7[%get3A_1356] {strides = array<i32>} : memref<1024xi32, #tpu.memory_space<vmem>>, vector<16xi32>,
        %get3A_1358 = vector.shape_cast %get3A_1357 : vector<16xi32> to vector<16xi32>
        %get3A_1359 = arith.constant 640 : index
        %get3A_1360 = tpu.vector_load %arg6[%get3A_1359] {strides = array<i32>} : memref<1024xi32, #tpu.memory_space<vmem>>, vector<16xi32>,
        %get3A_1361 = vector.shape_cast %get3A_1360 : vector<16xi32> to vector<16xi32>
        %lt3A_1362 = arith.cmpi slt, %get3A_1358, %get3A_1361 : vector<16xi32>
        %get3A_1363 = arith.constant 640 : index
        %get3A_1364 = tpu.vector_load %arg5[%get3A_1363] {strides = array<i32>} : memref<1024xi32, #tpu.memory_space<vmem>>, vector<16xi32>,
        %get3A_1365 = vector.shape_cast %get3A_1364 : vector<16xi32> to vector<16xi32>
        %get3A_1366 = arith.constant 640 : index
        %get3A_1367 = tpu.vector_load %arg6[%get3A_1366] {strides = array<i32>} : memref<1024xi32, #tpu.memory_space<vmem>>, vector<16xi32>,
        %get3A_1368 = vector.shape_cast %get3A_1367 : vector<16xi32> to vector<16xi32>
        %add3A_1369 = arith.constant 1000000 : i32
        %add3A_1370 = vector.broadcast %add3A_1369 : i32 to vector<16xi32>
        %add3A_1371 = arith.addi %get3A_1368, %add3A_1370 : vector<16xi32>
        %select_n3A_1372 = arith.select %lt3A_1362, %get3A_1365, %add3A_1371 : vector<16xi1>, vector<16xi32>
        %swap3A_1373 = arith.constant 640 : index
        %swap3A_1374 = tpu.vector_load %arg8[%swap3A_1373] {strides = array<i32>} : memref<1024xi32, #tpu.memory_space<vmem>>, vector<16xi32>,
        %swap3A_1375 = vector.shape_cast %swap3A_1374 : vector<16xi32> to vector<16xi32>
        %swap3A_1376 = vector.shape_cast %select_n3A_1372 : vector<16xi32> to vector<16xi32>
        tpu.vector_store %arg8[%swap3A_1373], %swap3A_1376 {strides = array<i32>} : memref<1024xi32, #tpu.memory_space<vmem>>, vector<16xi32>,
        %get3A_1377 = arith.constant 656 : index
        %get3A_1378 = tpu.vector_load %arg7[%get3A_1377] {strides = array<i32>} : memref<1024xi32, #tpu.memory_space<vmem>>, vector<16xi32>,
        %get3A_1379 = vector.shape_cast %get3A_1378 : vector<16xi32> to vector<16xi32>
        %get3A_1380 = arith.constant 656 : index
        %get3A_1381 = tpu.vector_load %arg6[%get3A_1380] {strides = array<i32>} : memref<1024xi32, #tpu.memory_space<vmem>>, vector<16xi32>,
        %get3A_1382 = vector.shape_cast %get3A_1381 : vector<16xi32> to vector<16xi32>
        %lt3A_1383 = arith.cmpi slt, %get3A_1379, %get3A_1382 : vector<16xi32>
        %get3A_1384 = arith.constant 656 : index
        %get3A_1385 = tpu.vector_load %arg5[%get3A_1384] {strides = array<i32>} : memref<1024xi32, #tpu.memory_space<vmem>>, vector<16xi32>,
        %get3A_1386 = vector.shape_cast %get3A_1385 : vector<16xi32> to vector<16xi32>
        %get3A_1387 = arith.constant 656 : index
        %get3A_1388 = tpu.vector_load %arg6[%get3A_1387] {strides = array<i32>} : memref<1024xi32, #tpu.memory_space<vmem>>, vector<16xi32>,
        %get3A_1389 = vector.shape_cast %get3A_1388 : vector<16xi32> to vector<16xi32>
        %add3A_1390 = arith.constant 1000000 : i32
        %add3A_1391 = vector.broadcast %add3A_1390 : i32 to vector<16xi32>
        %add3A_1392 = arith.addi %get3A_1389, %add3A_1391 : vector<16xi32>
        %select_n3A_1393 = arith.select %lt3A_1383, %get3A_1386, %add3A_1392 : vector<16xi1>, vector<16xi32>
        %swap3A_1394 = arith.constant 656 : index
        %swap3A_1395 = tpu.vector_load %arg8[%swap3A_1394] {strides = array<i32>} : memref<1024xi32, #tpu.memory_space<vmem>>, vector<16xi32>,
        %swap3A_1396 = vector.shape_cast %swap3A_1395 : vector<16xi32> to vector<16xi32>
        %swap3A_1397 = vector.shape_cast %select_n3A_1393 : vector<16xi32> to vector<16xi32>
        tpu.vector_store %arg8[%swap3A_1394], %swap3A_1397 {strides = array<i32>} : memref<1024xi32, #tpu.memory_space<vmem>>, vector<16xi32>,
        %get3A_1398 = arith.constant 672 : index
        %get3A_1399 = tpu.vector_load %arg7[%get3A_1398] {strides = array<i32>} : memref<1024xi32, #tpu.memory_space<vmem>>, vector<16xi32>,
        %get3A_1400 = vector.shape_cast %get3A_1399 : vector<16xi32> to vector<16xi32>
        %get3A_1401 = arith.constant 672 : index
        %get3A_1402 = tpu.vector_load %arg6[%get3A_1401] {strides = array<i32>} : memref<1024xi32, #tpu.memory_space<vmem>>, vector<16xi32>,
        %get3A_1403 = vector.shape_cast %get3A_1402 : vector<16xi32> to vector<16xi32>
        %lt3A_1404 = arith.cmpi slt, %get3A_1400, %get3A_1403 : vector<16xi32>
        %get3A_1405 = arith.constant 672 : index
        %get3A_1406 = tpu.vector_load %arg5[%get3A_1405] {strides = array<i32>} : memref<1024xi32, #tpu.memory_space<vmem>>, vector<16xi32>,
        %get3A_1407 = vector.shape_cast %get3A_1406 : vector<16xi32> to vector<16xi32>
        %get3A_1408 = arith.constant 672 : index
        %get3A_1409 = tpu.vector_load %arg6[%get3A_1408] {strides = array<i32>} : memref<1024xi32, #tpu.memory_space<vmem>>, vector<16xi32>,
        %get3A_1410 = vector.shape_cast %get3A_1409 : vector<16xi32> to vector<16xi32>
        %add3A_1411 = arith.constant 1000000 : i32
        %add3A_1412 = vector.broadcast %add3A_1411 : i32 to vector<16xi32>
        %add3A_1413 = arith.addi %get3A_1410, %add3A_1412 : vector<16xi32>
        %select_n3A_1414 = arith.select %lt3A_1404, %get3A_1407, %add3A_1413 : vector<16xi1>, vector<16xi32>
        %swap3A_1415 = arith.constant 672 : index
        %swap3A_1416 = tpu.vector_load %arg8[%swap3A_1415] {strides = array<i32>} : memref<1024xi32, #tpu.memory_space<vmem>>, vector<16xi32>,
        %swap3A_1417 = vector.shape_cast %swap3A_1416 : vector<16xi32> to vector<16xi32>
        %swap3A_1418 = vector.shape_cast %select_n3A_1414 : vector<16xi32> to vector<16xi32>
        tpu.vector_store %arg8[%swap3A_1415], %swap3A_1418 {strides = array<i32>} : memref<1024xi32, #tpu.memory_space<vmem>>, vector<16xi32>,
        %get3A_1419 = arith.constant 688 : index
        %get3A_1420 = tpu.vector_load %arg7[%get3A_1419] {strides = array<i32>} : memref<1024xi32, #tpu.memory_space<vmem>>, vector<16xi32>,
        %get3A_1421 = vector.shape_cast %get3A_1420 : vector<16xi32> to vector<16xi32>
        %get3A_1422 = arith.constant 688 : index
        %get3A_1423 = tpu.vector_load %arg6[%get3A_1422] {strides = array<i32>} : memref<1024xi32, #tpu.memory_space<vmem>>, vector<16xi32>,
        %get3A_1424 = vector.shape_cast %get3A_1423 : vector<16xi32> to vector<16xi32>
        %lt3A_1425 = arith.cmpi slt, %get3A_1421, %get3A_1424 : vector<16xi32>
        %get3A_1426 = arith.constant 688 : index
        %get3A_1427 = tpu.vector_load %arg5[%get3A_1426] {strides = array<i32>} : memref<1024xi32, #tpu.memory_space<vmem>>, vector<16xi32>,
        %get3A_1428 = vector.shape_cast %get3A_1427 : vector<16xi32> to vector<16xi32>
        %get3A_1429 = arith.constant 688 : index
        %get3A_1430 = tpu.vector_load %arg6[%get3A_1429] {strides = array<i32>} : memref<1024xi32, #tpu.memory_space<vmem>>, vector<16xi32>,
        %get3A_1431 = vector.shape_cast %get3A_1430 : vector<16xi32> to vector<16xi32>
        %add3A_1432 = arith.constant 1000000 : i32
        %add3A_1433 = vector.broadcast %add3A_1432 : i32 to vector<16xi32>
        %add3A_1434 = arith.addi %get3A_1431, %add3A_1433 : vector<16xi32>
        %select_n3A_1435 = arith.select %lt3A_1425, %get3A_1428, %add3A_1434 : vector<16xi1>, vector<16xi32>
        %swap3A_1436 = arith.constant 688 : index
        %swap3A_1437 = tpu.vector_load %arg8[%swap3A_1436] {strides = array<i32>} : memref<1024xi32, #tpu.memory_space<vmem>>, vector<16xi32>,
        %swap3A_1438 = vector.shape_cast %swap3A_1437 : vector<16xi32> to vector<16xi32>
        %swap3A_1439 = vector.shape_cast %select_n3A_1435 : vector<16xi32> to vector<16xi32>
        tpu.vector_store %arg8[%swap3A_1436], %swap3A_1439 {strides = array<i32>} : memref<1024xi32, #tpu.memory_space<vmem>>, vector<16xi32>,
        %get3A_1440 = arith.constant 704 : index
        %get3A_1441 = tpu.vector_load %arg7[%get3A_1440] {strides = array<i32>} : memref<1024xi32, #tpu.memory_space<vmem>>, vector<16xi32>,
        %get3A_1442 = vector.shape_cast %get3A_1441 : vector<16xi32> to vector<16xi32>
        %get3A_1443 = arith.constant 704 : index
        %get3A_1444 = tpu.vector_load %arg6[%get3A_1443] {strides = array<i32>} : memref<1024xi32, #tpu.memory_space<vmem>>, vector<16xi32>,
        %get3A_1445 = vector.shape_cast %get3A_1444 : vector<16xi32> to vector<16xi32>
        %lt3A_1446 = arith.cmpi slt, %get3A_1442, %get3A_1445 : vector<16xi32>
        %get3A_1447 = arith.constant 704 : index
        %get3A_1448 = tpu.vector_load %arg5[%get3A_1447] {strides = array<i32>} : memref<1024xi32, #tpu.memory_space<vmem>>, vector<16xi32>,
        %get3A_1449 = vector.shape_cast %get3A_1448 : vector<16xi32> to vector<16xi32>
        %get3A_1450 = arith.constant 704 : index
        %get3A_1451 = tpu.vector_load %arg6[%get3A_1450] {strides = array<i32>} : memref<1024xi32, #tpu.memory_space<vmem>>, vector<16xi32>,
        %get3A_1452 = vector.shape_cast %get3A_1451 : vector<16xi32> to vector<16xi32>
        %add3A_1453 = arith.constant 1000000 : i32
        %add3A_1454 = vector.broadcast %add3A_1453 : i32 to vector<16xi32>
        %add3A_1455 = arith.addi %get3A_1452, %add3A_1454 : vector<16xi32>
        %select_n3A_1456 = arith.select %lt3A_1446, %get3A_1449, %add3A_1455 : vector<16xi1>, vector<16xi32>
        %swap3A_1457 = arith.constant 704 : index
        %swap3A_1458 = tpu.vector_load %arg8[%swap3A_1457] {strides = array<i32>} : memref<1024xi32, #tpu.memory_space<vmem>>, vector<16xi32>,
        %swap3A_1459 = vector.shape_cast %swap3A_1458 : vector<16xi32> to vector<16xi32>
        %swap3A_1460 = vector.shape_cast %select_n3A_1456 : vector<16xi32> to vector<16xi32>
        tpu.vector_store %arg8[%swap3A_1457], %swap3A_1460 {strides = array<i32>} : memref<1024xi32, #tpu.memory_space<vmem>>, vector<16xi32>,
        %get3A_1461 = arith.constant 720 : index
        %get3A_1462 = tpu.vector_load %arg7[%get3A_1461] {strides = array<i32>} : memref<1024xi32, #tpu.memory_space<vmem>>, vector<16xi32>,
        %get3A_1463 = vector.shape_cast %get3A_1462 : vector<16xi32> to vector<16xi32>
        %get3A_1464 = arith.constant 720 : index
        %get3A_1465 = tpu.vector_load %arg6[%get3A_1464] {strides = array<i32>} : memref<1024xi32, #tpu.memory_space<vmem>>, vector<16xi32>,
        %get3A_1466 = vector.shape_cast %get3A_1465 : vector<16xi32> to vector<16xi32>
        %lt3A_1467 = arith.cmpi slt, %get3A_1463, %get3A_1466 : vector<16xi32>
        %get3A_1468 = arith.constant 720 : index
        %get3A_1469 = tpu.vector_load %arg5[%get3A_1468] {strides = array<i32>} : memref<1024xi32, #tpu.memory_space<vmem>>, vector<16xi32>,
        %get3A_1470 = vector.shape_cast %get3A_1469 : vector<16xi32> to vector<16xi32>
        %get3A_1471 = arith.constant 720 : index
        %get3A_1472 = tpu.vector_load %arg6[%get3A_1471] {strides = array<i32>} : memref<1024xi32, #tpu.memory_space<vmem>>, vector<16xi32>,
        %get3A_1473 = vector.shape_cast %get3A_1472 : vector<16xi32> to vector<16xi32>
        %add3A_1474 = arith.constant 1000000 : i32
        %add3A_1475 = vector.broadcast %add3A_1474 : i32 to vector<16xi32>
        %add3A_1476 = arith.addi %get3A_1473, %add3A_1475 : vector<16xi32>
        %select_n3A_1477 = arith.select %lt3A_1467, %get3A_1470, %add3A_1476 : vector<16xi1>, vector<16xi32>
        %swap3A_1478 = arith.constant 720 : index
        %swap3A_1479 = tpu.vector_load %arg8[%swap3A_1478] {strides = array<i32>} : memref<1024xi32, #tpu.memory_space<vmem>>, vector<16xi32>,
        %swap3A_1480 = vector.shape_cast %swap3A_1479 : vector<16xi32> to vector<16xi32>
        %swap3A_1481 = vector.shape_cast %select_n3A_1477 : vector<16xi32> to vector<16xi32>
        tpu.vector_store %arg8[%swap3A_1478], %swap3A_1481 {strides = array<i32>} : memref<1024xi32, #tpu.memory_space<vmem>>, vector<16xi32>,
        %get3A_1482 = arith.constant 736 : index
        %get3A_1483 = tpu.vector_load %arg7[%get3A_1482] {strides = array<i32>} : memref<1024xi32, #tpu.memory_space<vmem>>, vector<16xi32>,
        %get3A_1484 = vector.shape_cast %get3A_1483 : vector<16xi32> to vector<16xi32>
        %get3A_1485 = arith.constant 736 : index
        %get3A_1486 = tpu.vector_load %arg6[%get3A_1485] {strides = array<i32>} : memref<1024xi32, #tpu.memory_space<vmem>>, vector<16xi32>,
        %get3A_1487 = vector.shape_cast %get3A_1486 : vector<16xi32> to vector<16xi32>
        %lt3A_1488 = arith.cmpi slt, %get3A_1484, %get3A_1487 : vector<16xi32>
        %get3A_1489 = arith.constant 736 : index
        %get3A_1490 = tpu.vector_load %arg5[%get3A_1489] {strides = array<i32>} : memref<1024xi32, #tpu.memory_space<vmem>>, vector<16xi32>,
        %get3A_1491 = vector.shape_cast %get3A_1490 : vector<16xi32> to vector<16xi32>
        %get3A_1492 = arith.constant 736 : index
        %get3A_1493 = tpu.vector_load %arg6[%get3A_1492] {strides = array<i32>} : memref<1024xi32, #tpu.memory_space<vmem>>, vector<16xi32>,
        %get3A_1494 = vector.shape_cast %get3A_1493 : vector<16xi32> to vector<16xi32>
        %add3A_1495 = arith.constant 1000000 : i32
        %add3A_1496 = vector.broadcast %add3A_1495 : i32 to vector<16xi32>
        %add3A_1497 = arith.addi %get3A_1494, %add3A_1496 : vector<16xi32>
        %select_n3A_1498 = arith.select %lt3A_1488, %get3A_1491, %add3A_1497 : vector<16xi1>, vector<16xi32>
        %swap3A_1499 = arith.constant 736 : index
        %swap3A_1500 = tpu.vector_load %arg8[%swap3A_1499] {strides = array<i32>} : memref<1024xi32, #tpu.memory_space<vmem>>, vector<16xi32>,
        %swap3A_1501 = vector.shape_cast %swap3A_1500 : vector<16xi32> to vector<16xi32>
        %swap3A_1502 = vector.shape_cast %select_n3A_1498 : vector<16xi32> to vector<16xi32>
        tpu.vector_store %arg8[%swap3A_1499], %swap3A_1502 {strides = array<i32>} : memref<1024xi32, #tpu.memory_space<vmem>>, vector<16xi32>,
        %get3A_1503 = arith.constant 752 : index
        %get3A_1504 = tpu.vector_load %arg7[%get3A_1503] {strides = array<i32>} : memref<1024xi32, #tpu.memory_space<vmem>>, vector<16xi32>,
        %get3A_1505 = vector.shape_cast %get3A_1504 : vector<16xi32> to vector<16xi32>
        %get3A_1506 = arith.constant 752 : index
        %get3A_1507 = tpu.vector_load %arg6[%get3A_1506] {strides = array<i32>} : memref<1024xi32, #tpu.memory_space<vmem>>, vector<16xi32>,
        %get3A_1508 = vector.shape_cast %get3A_1507 : vector<16xi32> to vector<16xi32>
        %lt3A_1509 = arith.cmpi slt, %get3A_1505, %get3A_1508 : vector<16xi32>
        %get3A_1510 = arith.constant 752 : index
        %get3A_1511 = tpu.vector_load %arg5[%get3A_1510] {strides = array<i32>} : memref<1024xi32, #tpu.memory_space<vmem>>, vector<16xi32>,
        %get3A_1512 = vector.shape_cast %get3A_1511 : vector<16xi32> to vector<16xi32>
        %get3A_1513 = arith.constant 752 : index
        %get3A_1514 = tpu.vector_load %arg6[%get3A_1513] {strides = array<i32>} : memref<1024xi32, #tpu.memory_space<vmem>>, vector<16xi32>,
        %get3A_1515 = vector.shape_cast %get3A_1514 : vector<16xi32> to vector<16xi32>
        %add3A_1516 = arith.constant 1000000 : i32
        %add3A_1517 = vector.broadcast %add3A_1516 : i32 to vector<16xi32>
        %add3A_1518 = arith.addi %get3A_1515, %add3A_1517 : vector<16xi32>
        %select_n3A_1519 = arith.select %lt3A_1509, %get3A_1512, %add3A_1518 : vector<16xi1>, vector<16xi32>
        %swap3A_1520 = arith.constant 752 : index
        %swap3A_1521 = tpu.vector_load %arg8[%swap3A_1520] {strides = array<i32>} : memref<1024xi32, #tpu.memory_space<vmem>>, vector<16xi32>,
        %swap3A_1522 = vector.shape_cast %swap3A_1521 : vector<16xi32> to vector<16xi32>
        %swap3A_1523 = vector.shape_cast %select_n3A_1519 : vector<16xi32> to vector<16xi32>
        tpu.vector_store %arg8[%swap3A_1520], %swap3A_1523 {strides = array<i32>} : memref<1024xi32, #tpu.memory_space<vmem>>, vector<16xi32>,
        %get3A_1524 = arith.constant 768 : index
        %get3A_1525 = tpu.vector_load %arg7[%get3A_1524] {strides = array<i32>} : memref<1024xi32, #tpu.memory_space<vmem>>, vector<16xi32>,
        %get3A_1526 = vector.shape_cast %get3A_1525 : vector<16xi32> to vector<16xi32>
        %get3A_1527 = arith.constant 768 : index
        %get3A_1528 = tpu.vector_load %arg6[%get3A_1527] {strides = array<i32>} : memref<1024xi32, #tpu.memory_space<vmem>>, vector<16xi32>,
        %get3A_1529 = vector.shape_cast %get3A_1528 : vector<16xi32> to vector<16xi32>
        %lt3A_1530 = arith.cmpi slt, %get3A_1526, %get3A_1529 : vector<16xi32>
        %get3A_1531 = arith.constant 768 : index
        %get3A_1532 = tpu.vector_load %arg5[%get3A_1531] {strides = array<i32>} : memref<1024xi32, #tpu.memory_space<vmem>>, vector<16xi32>,
        %get3A_1533 = vector.shape_cast %get3A_1532 : vector<16xi32> to vector<16xi32>
        %get3A_1534 = arith.constant 768 : index
        %get3A_1535 = tpu.vector_load %arg6[%get3A_1534] {strides = array<i32>} : memref<1024xi32, #tpu.memory_space<vmem>>, vector<16xi32>,
        %get3A_1536 = vector.shape_cast %get3A_1535 : vector<16xi32> to vector<16xi32>
        %add3A_1537 = arith.constant 1000000 : i32
        %add3A_1538 = vector.broadcast %add3A_1537 : i32 to vector<16xi32>
        %add3A_1539 = arith.addi %get3A_1536, %add3A_1538 : vector<16xi32>
        %select_n3A_1540 = arith.select %lt3A_1530, %get3A_1533, %add3A_1539 : vector<16xi1>, vector<16xi32>
        %swap3A_1541 = arith.constant 768 : index
        %swap3A_1542 = tpu.vector_load %arg8[%swap3A_1541] {strides = array<i32>} : memref<1024xi32, #tpu.memory_space<vmem>>, vector<16xi32>,
        %swap3A_1543 = vector.shape_cast %swap3A_1542 : vector<16xi32> to vector<16xi32>
        %swap3A_1544 = vector.shape_cast %select_n3A_1540 : vector<16xi32> to vector<16xi32>
        tpu.vector_store %arg8[%swap3A_1541], %swap3A_1544 {strides = array<i32>} : memref<1024xi32, #tpu.memory_space<vmem>>, vector<16xi32>,
        %get3A_1545 = arith.constant 784 : index
        %get3A_1546 = tpu.vector_load %arg7[%get3A_1545] {strides = array<i32>} : memref<1024xi32, #tpu.memory_space<vmem>>, vector<16xi32>,
        %get3A_1547 = vector.shape_cast %get3A_1546 : vector<16xi32> to vector<16xi32>
        %get3A_1548 = arith.constant 784 : index
        %get3A_1549 = tpu.vector_load %arg6[%get3A_1548] {strides = array<i32>} : memref<1024xi32, #tpu.memory_space<vmem>>, vector<16xi32>,
        %get3A_1550 = vector.shape_cast %get3A_1549 : vector<16xi32> to vector<16xi32>
        %lt3A_1551 = arith.cmpi slt, %get3A_1547, %get3A_1550 : vector<16xi32>
        %get3A_1552 = arith.constant 784 : index
        %get3A_1553 = tpu.vector_load %arg5[%get3A_1552] {strides = array<i32>} : memref<1024xi32, #tpu.memory_space<vmem>>, vector<16xi32>,
        %get3A_1554 = vector.shape_cast %get3A_1553 : vector<16xi32> to vector<16xi32>
        %get3A_1555 = arith.constant 784 : index
        %get3A_1556 = tpu.vector_load %arg6[%get3A_1555] {strides = array<i32>} : memref<1024xi32, #tpu.memory_space<vmem>>, vector<16xi32>,
        %get3A_1557 = vector.shape_cast %get3A_1556 : vector<16xi32> to vector<16xi32>
        %add3A_1558 = arith.constant 1000000 : i32
        %add3A_1559 = vector.broadcast %add3A_1558 : i32 to vector<16xi32>
        %add3A_1560 = arith.addi %get3A_1557, %add3A_1559 : vector<16xi32>
        %select_n3A_1561 = arith.select %lt3A_1551, %get3A_1554, %add3A_1560 : vector<16xi1>, vector<16xi32>
        %swap3A_1562 = arith.constant 784 : index
        %swap3A_1563 = tpu.vector_load %arg8[%swap3A_1562] {strides = array<i32>} : memref<1024xi32, #tpu.memory_space<vmem>>, vector<16xi32>,
        %swap3A_1564 = vector.shape_cast %swap3A_1563 : vector<16xi32> to vector<16xi32>
        %swap3A_1565 = vector.shape_cast %select_n3A_1561 : vector<16xi32> to vector<16xi32>
        tpu.vector_store %arg8[%swap3A_1562], %swap3A_1565 {strides = array<i32>} : memref<1024xi32, #tpu.memory_space<vmem>>, vector<16xi32>,
        %get3A_1566 = arith.constant 800 : index
        %get3A_1567 = tpu.vector_load %arg7[%get3A_1566] {strides = array<i32>} : memref<1024xi32, #tpu.memory_space<vmem>>, vector<16xi32>,
        %get3A_1568 = vector.shape_cast %get3A_1567 : vector<16xi32> to vector<16xi32>
        %get3A_1569 = arith.constant 800 : index
        %get3A_1570 = tpu.vector_load %arg6[%get3A_1569] {strides = array<i32>} : memref<1024xi32, #tpu.memory_space<vmem>>, vector<16xi32>,
        %get3A_1571 = vector.shape_cast %get3A_1570 : vector<16xi32> to vector<16xi32>
        %lt3A_1572 = arith.cmpi slt, %get3A_1568, %get3A_1571 : vector<16xi32>
        %get3A_1573 = arith.constant 800 : index
        %get3A_1574 = tpu.vector_load %arg5[%get3A_1573] {strides = array<i32>} : memref<1024xi32, #tpu.memory_space<vmem>>, vector<16xi32>,
        %get3A_1575 = vector.shape_cast %get3A_1574 : vector<16xi32> to vector<16xi32>
        %get3A_1576 = arith.constant 800 : index
        %get3A_1577 = tpu.vector_load %arg6[%get3A_1576] {strides = array<i32>} : memref<1024xi32, #tpu.memory_space<vmem>>, vector<16xi32>,
        %get3A_1578 = vector.shape_cast %get3A_1577 : vector<16xi32> to vector<16xi32>
        %add3A_1579 = arith.constant 1000000 : i32
        %add3A_1580 = vector.broadcast %add3A_1579 : i32 to vector<16xi32>
        %add3A_1581 = arith.addi %get3A_1578, %add3A_1580 : vector<16xi32>
        %select_n3A_1582 = arith.select %lt3A_1572, %get3A_1575, %add3A_1581 : vector<16xi1>, vector<16xi32>
        %swap3A_1583 = arith.constant 800 : index
        %swap3A_1584 = tpu.vector_load %arg8[%swap3A_1583] {strides = array<i32>} : memref<1024xi32, #tpu.memory_space<vmem>>, vector<16xi32>,
        %swap3A_1585 = vector.shape_cast %swap3A_1584 : vector<16xi32> to vector<16xi32>
        %swap3A_1586 = vector.shape_cast %select_n3A_1582 : vector<16xi32> to vector<16xi32>
        tpu.vector_store %arg8[%swap3A_1583], %swap3A_1586 {strides = array<i32>} : memref<1024xi32, #tpu.memory_space<vmem>>, vector<16xi32>,
        %get3A_1587 = arith.constant 816 : index
        %get3A_1588 = tpu.vector_load %arg7[%get3A_1587] {strides = array<i32>} : memref<1024xi32, #tpu.memory_space<vmem>>, vector<16xi32>,
        %get3A_1589 = vector.shape_cast %get3A_1588 : vector<16xi32> to vector<16xi32>
        %get3A_1590 = arith.constant 816 : index
        %get3A_1591 = tpu.vector_load %arg6[%get3A_1590] {strides = array<i32>} : memref<1024xi32, #tpu.memory_space<vmem>>, vector<16xi32>,
        %get3A_1592 = vector.shape_cast %get3A_1591 : vector<16xi32> to vector<16xi32>
        %lt3A_1593 = arith.cmpi slt, %get3A_1589, %get3A_1592 : vector<16xi32>
        %get3A_1594 = arith.constant 816 : index
        %get3A_1595 = tpu.vector_load %arg5[%get3A_1594] {strides = array<i32>} : memref<1024xi32, #tpu.memory_space<vmem>>, vector<16xi32>,
        %get3A_1596 = vector.shape_cast %get3A_1595 : vector<16xi32> to vector<16xi32>
        %get3A_1597 = arith.constant 816 : index
        %get3A_1598 = tpu.vector_load %arg6[%get3A_1597] {strides = array<i32>} : memref<1024xi32, #tpu.memory_space<vmem>>, vector<16xi32>,
        %get3A_1599 = vector.shape_cast %get3A_1598 : vector<16xi32> to vector<16xi32>
        %add3A_1600 = arith.constant 1000000 : i32
        %add3A_1601 = vector.broadcast %add3A_1600 : i32 to vector<16xi32>
        %add3A_1602 = arith.addi %get3A_1599, %add3A_1601 : vector<16xi32>
        %select_n3A_1603 = arith.select %lt3A_1593, %get3A_1596, %add3A_1602 : vector<16xi1>, vector<16xi32>
        %swap3A_1604 = arith.constant 816 : index
        %swap3A_1605 = tpu.vector_load %arg8[%swap3A_1604] {strides = array<i32>} : memref<1024xi32, #tpu.memory_space<vmem>>, vector<16xi32>,
        %swap3A_1606 = vector.shape_cast %swap3A_1605 : vector<16xi32> to vector<16xi32>
        %swap3A_1607 = vector.shape_cast %select_n3A_1603 : vector<16xi32> to vector<16xi32>
        tpu.vector_store %arg8[%swap3A_1604], %swap3A_1607 {strides = array<i32>} : memref<1024xi32, #tpu.memory_space<vmem>>, vector<16xi32>,
        %get3A_1608 = arith.constant 832 : index
        %get3A_1609 = tpu.vector_load %arg7[%get3A_1608] {strides = array<i32>} : memref<1024xi32, #tpu.memory_space<vmem>>, vector<16xi32>,
        %get3A_1610 = vector.shape_cast %get3A_1609 : vector<16xi32> to vector<16xi32>
        %get3A_1611 = arith.constant 832 : index
        %get3A_1612 = tpu.vector_load %arg6[%get3A_1611] {strides = array<i32>} : memref<1024xi32, #tpu.memory_space<vmem>>, vector<16xi32>,
        %get3A_1613 = vector.shape_cast %get3A_1612 : vector<16xi32> to vector<16xi32>
        %lt3A_1614 = arith.cmpi slt, %get3A_1610, %get3A_1613 : vector<16xi32>
        %get3A_1615 = arith.constant 832 : index
        %get3A_1616 = tpu.vector_load %arg5[%get3A_1615] {strides = array<i32>} : memref<1024xi32, #tpu.memory_space<vmem>>, vector<16xi32>,
        %get3A_1617 = vector.shape_cast %get3A_1616 : vector<16xi32> to vector<16xi32>
        %get3A_1618 = arith.constant 832 : index
        %get3A_1619 = tpu.vector_load %arg6[%get3A_1618] {strides = array<i32>} : memref<1024xi32, #tpu.memory_space<vmem>>, vector<16xi32>,
        %get3A_1620 = vector.shape_cast %get3A_1619 : vector<16xi32> to vector<16xi32>
        %add3A_1621 = arith.constant 1000000 : i32
        %add3A_1622 = vector.broadcast %add3A_1621 : i32 to vector<16xi32>
        %add3A_1623 = arith.addi %get3A_1620, %add3A_1622 : vector<16xi32>
        %select_n3A_1624 = arith.select %lt3A_1614, %get3A_1617, %add3A_1623 : vector<16xi1>, vector<16xi32>
        %swap3A_1625 = arith.constant 832 : index
        %swap3A_1626 = tpu.vector_load %arg8[%swap3A_1625] {strides = array<i32>} : memref<1024xi32, #tpu.memory_space<vmem>>, vector<16xi32>,
        %swap3A_1627 = vector.shape_cast %swap3A_1626 : vector<16xi32> to vector<16xi32>
        %swap3A_1628 = vector.shape_cast %select_n3A_1624 : vector<16xi32> to vector<16xi32>
        tpu.vector_store %arg8[%swap3A_1625], %swap3A_1628 {strides = array<i32>} : memref<1024xi32, #tpu.memory_space<vmem>>, vector<16xi32>,
        %get3A_1629 = arith.constant 848 : index
        %get3A_1630 = tpu.vector_load %arg7[%get3A_1629] {strides = array<i32>} : memref<1024xi32, #tpu.memory_space<vmem>>, vector<16xi32>,
        %get3A_1631 = vector.shape_cast %get3A_1630 : vector<16xi32> to vector<16xi32>
        %get3A_1632 = arith.constant 848 : index
        %get3A_1633 = tpu.vector_load %arg6[%get3A_1632] {strides = array<i32>} : memref<1024xi32, #tpu.memory_space<vmem>>, vector<16xi32>,
        %get3A_1634 = vector.shape_cast %get3A_1633 : vector<16xi32> to vector<16xi32>
        %lt3A_1635 = arith.cmpi slt, %get3A_1631, %get3A_1634 : vector<16xi32>
        %get3A_1636 = arith.constant 848 : index
        %get3A_1637 = tpu.vector_load %arg5[%get3A_1636] {strides = array<i32>} : memref<1024xi32, #tpu.memory_space<vmem>>, vector<16xi32>,
        %get3A_1638 = vector.shape_cast %get3A_1637 : vector<16xi32> to vector<16xi32>
        %get3A_1639 = arith.constant 848 : index
        %get3A_1640 = tpu.vector_load %arg6[%get3A_1639] {strides = array<i32>} : memref<1024xi32, #tpu.memory_space<vmem>>, vector<16xi32>,
        %get3A_1641 = vector.shape_cast %get3A_1640 : vector<16xi32> to vector<16xi32>
        %add3A_1642 = arith.constant 1000000 : i32
        %add3A_1643 = vector.broadcast %add3A_1642 : i32 to vector<16xi32>
        %add3A_1644 = arith.addi %get3A_1641, %add3A_1643 : vector<16xi32>
        %select_n3A_1645 = arith.select %lt3A_1635, %get3A_1638, %add3A_1644 : vector<16xi1>, vector<16xi32>
        %swap3A_1646 = arith.constant 848 : index
        %swap3A_1647 = tpu.vector_load %arg8[%swap3A_1646] {strides = array<i32>} : memref<1024xi32, #tpu.memory_space<vmem>>, vector<16xi32>,
        %swap3A_1648 = vector.shape_cast %swap3A_1647 : vector<16xi32> to vector<16xi32>
        %swap3A_1649 = vector.shape_cast %select_n3A_1645 : vector<16xi32> to vector<16xi32>
        tpu.vector_store %arg8[%swap3A_1646], %swap3A_1649 {strides = array<i32>} : memref<1024xi32, #tpu.memory_space<vmem>>, vector<16xi32>,
        %get3A_1650 = arith.constant 864 : index
        %get3A_1651 = tpu.vector_load %arg7[%get3A_1650] {strides = array<i32>} : memref<1024xi32, #tpu.memory_space<vmem>>, vector<16xi32>,
        %get3A_1652 = vector.shape_cast %get3A_1651 : vector<16xi32> to vector<16xi32>
        %get3A_1653 = arith.constant 864 : index
        %get3A_1654 = tpu.vector_load %arg6[%get3A_1653] {strides = array<i32>} : memref<1024xi32, #tpu.memory_space<vmem>>, vector<16xi32>,
        %get3A_1655 = vector.shape_cast %get3A_1654 : vector<16xi32> to vector<16xi32>
        %lt3A_1656 = arith.cmpi slt, %get3A_1652, %get3A_1655 : vector<16xi32>
        %get3A_1657 = arith.constant 864 : index
        %get3A_1658 = tpu.vector_load %arg5[%get3A_1657] {strides = array<i32>} : memref<1024xi32, #tpu.memory_space<vmem>>, vector<16xi32>,
        %get3A_1659 = vector.shape_cast %get3A_1658 : vector<16xi32> to vector<16xi32>
        %get3A_1660 = arith.constant 864 : index
        %get3A_1661 = tpu.vector_load %arg6[%get3A_1660] {strides = array<i32>} : memref<1024xi32, #tpu.memory_space<vmem>>, vector<16xi32>,
        %get3A_1662 = vector.shape_cast %get3A_1661 : vector<16xi32> to vector<16xi32>
        %add3A_1663 = arith.constant 1000000 : i32
        %add3A_1664 = vector.broadcast %add3A_1663 : i32 to vector<16xi32>
        %add3A_1665 = arith.addi %get3A_1662, %add3A_1664 : vector<16xi32>
        %select_n3A_1666 = arith.select %lt3A_1656, %get3A_1659, %add3A_1665 : vector<16xi1>, vector<16xi32>
        %swap3A_1667 = arith.constant 864 : index
        %swap3A_1668 = tpu.vector_load %arg8[%swap3A_1667] {strides = array<i32>} : memref<1024xi32, #tpu.memory_space<vmem>>, vector<16xi32>,
        %swap3A_1669 = vector.shape_cast %swap3A_1668 : vector<16xi32> to vector<16xi32>
        %swap3A_1670 = vector.shape_cast %select_n3A_1666 : vector<16xi32> to vector<16xi32>
        tpu.vector_store %arg8[%swap3A_1667], %swap3A_1670 {strides = array<i32>} : memref<1024xi32, #tpu.memory_space<vmem>>, vector<16xi32>,
        %get3A_1671 = arith.constant 880 : index
        %get3A_1672 = tpu.vector_load %arg7[%get3A_1671] {strides = array<i32>} : memref<1024xi32, #tpu.memory_space<vmem>>, vector<16xi32>,
        %get3A_1673 = vector.shape_cast %get3A_1672 : vector<16xi32> to vector<16xi32>
        %get3A_1674 = arith.constant 880 : index
        %get3A_1675 = tpu.vector_load %arg6[%get3A_1674] {strides = array<i32>} : memref<1024xi32, #tpu.memory_space<vmem>>, vector<16xi32>,
        %get3A_1676 = vector.shape_cast %get3A_1675 : vector<16xi32> to vector<16xi32>
        %lt3A_1677 = arith.cmpi slt, %get3A_1673, %get3A_1676 : vector<16xi32>
        %get3A_1678 = arith.constant 880 : index
        %get3A_1679 = tpu.vector_load %arg5[%get3A_1678] {strides = array<i32>} : memref<1024xi32, #tpu.memory_space<vmem>>, vector<16xi32>,
        %get3A_1680 = vector.shape_cast %get3A_1679 : vector<16xi32> to vector<16xi32>
        %get3A_1681 = arith.constant 880 : index
        %get3A_1682 = tpu.vector_load %arg6[%get3A_1681] {strides = array<i32>} : memref<1024xi32, #tpu.memory_space<vmem>>, vector<16xi32>,
        %get3A_1683 = vector.shape_cast %get3A_1682 : vector<16xi32> to vector<16xi32>
        %add3A_1684 = arith.constant 1000000 : i32
        %add3A_1685 = vector.broadcast %add3A_1684 : i32 to vector<16xi32>
        %add3A_1686 = arith.addi %get3A_1683, %add3A_1685 : vector<16xi32>
        %select_n3A_1687 = arith.select %lt3A_1677, %get3A_1680, %add3A_1686 : vector<16xi1>, vector<16xi32>
        %swap3A_1688 = arith.constant 880 : index
        %swap3A_1689 = tpu.vector_load %arg8[%swap3A_1688] {strides = array<i32>} : memref<1024xi32, #tpu.memory_space<vmem>>, vector<16xi32>,
        %swap3A_1690 = vector.shape_cast %swap3A_1689 : vector<16xi32> to vector<16xi32>
        %swap3A_1691 = vector.shape_cast %select_n3A_1687 : vector<16xi32> to vector<16xi32>
        tpu.vector_store %arg8[%swap3A_1688], %swap3A_1691 {strides = array<i32>} : memref<1024xi32, #tpu.memory_space<vmem>>, vector<16xi32>,
        %get3A_1692 = arith.constant 896 : index
        %get3A_1693 = tpu.vector_load %arg7[%get3A_1692] {strides = array<i32>} : memref<1024xi32, #tpu.memory_space<vmem>>, vector<16xi32>,
        %get3A_1694 = vector.shape_cast %get3A_1693 : vector<16xi32> to vector<16xi32>
        %get3A_1695 = arith.constant 896 : index
        %get3A_1696 = tpu.vector_load %arg6[%get3A_1695] {strides = array<i32>} : memref<1024xi32, #tpu.memory_space<vmem>>, vector<16xi32>,
        %get3A_1697 = vector.shape_cast %get3A_1696 : vector<16xi32> to vector<16xi32>
        %lt3A_1698 = arith.cmpi slt, %get3A_1694, %get3A_1697 : vector<16xi32>
        %get3A_1699 = arith.constant 896 : index
        %get3A_1700 = tpu.vector_load %arg5[%get3A_1699] {strides = array<i32>} : memref<1024xi32, #tpu.memory_space<vmem>>, vector<16xi32>,
        %get3A_1701 = vector.shape_cast %get3A_1700 : vector<16xi32> to vector<16xi32>
        %get3A_1702 = arith.constant 896 : index
        %get3A_1703 = tpu.vector_load %arg6[%get3A_1702] {strides = array<i32>} : memref<1024xi32, #tpu.memory_space<vmem>>, vector<16xi32>,
        %get3A_1704 = vector.shape_cast %get3A_1703 : vector<16xi32> to vector<16xi32>
        %add3A_1705 = arith.constant 1000000 : i32
        %add3A_1706 = vector.broadcast %add3A_1705 : i32 to vector<16xi32>
        %add3A_1707 = arith.addi %get3A_1704, %add3A_1706 : vector<16xi32>
        %select_n3A_1708 = arith.select %lt3A_1698, %get3A_1701, %add3A_1707 : vector<16xi1>, vector<16xi32>
        %swap3A_1709 = arith.constant 896 : index
        %swap3A_1710 = tpu.vector_load %arg8[%swap3A_1709] {strides = array<i32>} : memref<1024xi32, #tpu.memory_space<vmem>>, vector<16xi32>,
        %swap3A_1711 = vector.shape_cast %swap3A_1710 : vector<16xi32> to vector<16xi32>
        %swap3A_1712 = vector.shape_cast %select_n3A_1708 : vector<16xi32> to vector<16xi32>
        tpu.vector_store %arg8[%swap3A_1709], %swap3A_1712 {strides = array<i32>} : memref<1024xi32, #tpu.memory_space<vmem>>, vector<16xi32>,
        %get3A_1713 = arith.constant 912 : index
        %get3A_1714 = tpu.vector_load %arg7[%get3A_1713] {strides = array<i32>} : memref<1024xi32, #tpu.memory_space<vmem>>, vector<16xi32>,
        %get3A_1715 = vector.shape_cast %get3A_1714 : vector<16xi32> to vector<16xi32>
        %get3A_1716 = arith.constant 912 : index
        %get3A_1717 = tpu.vector_load %arg6[%get3A_1716] {strides = array<i32>} : memref<1024xi32, #tpu.memory_space<vmem>>, vector<16xi32>,
        %get3A_1718 = vector.shape_cast %get3A_1717 : vector<16xi32> to vector<16xi32>
        %lt3A_1719 = arith.cmpi slt, %get3A_1715, %get3A_1718 : vector<16xi32>
        %get3A_1720 = arith.constant 912 : index
        %get3A_1721 = tpu.vector_load %arg5[%get3A_1720] {strides = array<i32>} : memref<1024xi32, #tpu.memory_space<vmem>>, vector<16xi32>,
        %get3A_1722 = vector.shape_cast %get3A_1721 : vector<16xi32> to vector<16xi32>
        %get3A_1723 = arith.constant 912 : index
        %get3A_1724 = tpu.vector_load %arg6[%get3A_1723] {strides = array<i32>} : memref<1024xi32, #tpu.memory_space<vmem>>, vector<16xi32>,
        %get3A_1725 = vector.shape_cast %get3A_1724 : vector<16xi32> to vector<16xi32>
        %add3A_1726 = arith.constant 1000000 : i32
        %add3A_1727 = vector.broadcast %add3A_1726 : i32 to vector<16xi32>
        %add3A_1728 = arith.addi %get3A_1725, %add3A_1727 : vector<16xi32>
        %select_n3A_1729 = arith.select %lt3A_1719, %get3A_1722, %add3A_1728 : vector<16xi1>, vector<16xi32>
        %swap3A_1730 = arith.constant 912 : index
        %swap3A_1731 = tpu.vector_load %arg8[%swap3A_1730] {strides = array<i32>} : memref<1024xi32, #tpu.memory_space<vmem>>, vector<16xi32>,
        %swap3A_1732 = vector.shape_cast %swap3A_1731 : vector<16xi32> to vector<16xi32>
        %swap3A_1733 = vector.shape_cast %select_n3A_1729 : vector<16xi32> to vector<16xi32>
        tpu.vector_store %arg8[%swap3A_1730], %swap3A_1733 {strides = array<i32>} : memref<1024xi32, #tpu.memory_space<vmem>>, vector<16xi32>,
        %get3A_1734 = arith.constant 928 : index
        %get3A_1735 = tpu.vector_load %arg7[%get3A_1734] {strides = array<i32>} : memref<1024xi32, #tpu.memory_space<vmem>>, vector<16xi32>,
        %get3A_1736 = vector.shape_cast %get3A_1735 : vector<16xi32> to vector<16xi32>
        %get3A_1737 = arith.constant 928 : index
        %get3A_1738 = tpu.vector_load %arg6[%get3A_1737] {strides = array<i32>} : memref<1024xi32, #tpu.memory_space<vmem>>, vector<16xi32>,
        %get3A_1739 = vector.shape_cast %get3A_1738 : vector<16xi32> to vector<16xi32>
        %lt3A_1740 = arith.cmpi slt, %get3A_1736, %get3A_1739 : vector<16xi32>
        %get3A_1741 = arith.constant 928 : index
        %get3A_1742 = tpu.vector_load %arg5[%get3A_1741] {strides = array<i32>} : memref<1024xi32, #tpu.memory_space<vmem>>, vector<16xi32>,
        %get3A_1743 = vector.shape_cast %get3A_1742 : vector<16xi32> to vector<16xi32>
        %get3A_1744 = arith.constant 928 : index
        %get3A_1745 = tpu.vector_load %arg6[%get3A_1744] {strides = array<i32>} : memref<1024xi32, #tpu.memory_space<vmem>>, vector<16xi32>,
        %get3A_1746 = vector.shape_cast %get3A_1745 : vector<16xi32> to vector<16xi32>
        %add3A_1747 = arith.constant 1000000 : i32
        %add3A_1748 = vector.broadcast %add3A_1747 : i32 to vector<16xi32>
        %add3A_1749 = arith.addi %get3A_1746, %add3A_1748 : vector<16xi32>
        %select_n3A_1750 = arith.select %lt3A_1740, %get3A_1743, %add3A_1749 : vector<16xi1>, vector<16xi32>
        %swap3A_1751 = arith.constant 928 : index
        %swap3A_1752 = tpu.vector_load %arg8[%swap3A_1751] {strides = array<i32>} : memref<1024xi32, #tpu.memory_space<vmem>>, vector<16xi32>,
        %swap3A_1753 = vector.shape_cast %swap3A_1752 : vector<16xi32> to vector<16xi32>
        %swap3A_1754 = vector.shape_cast %select_n3A_1750 : vector<16xi32> to vector<16xi32>
        tpu.vector_store %arg8[%swap3A_1751], %swap3A_1754 {strides = array<i32>} : memref<1024xi32, #tpu.memory_space<vmem>>, vector<16xi32>,
        %get3A_1755 = arith.constant 944 : index
        %get3A_1756 = tpu.vector_load %arg7[%get3A_1755] {strides = array<i32>} : memref<1024xi32, #tpu.memory_space<vmem>>, vector<16xi32>,
        %get3A_1757 = vector.shape_cast %get3A_1756 : vector<16xi32> to vector<16xi32>
        %get3A_1758 = arith.constant 944 : index
        %get3A_1759 = tpu.vector_load %arg6[%get3A_1758] {strides = array<i32>} : memref<1024xi32, #tpu.memory_space<vmem>>, vector<16xi32>,
        %get3A_1760 = vector.shape_cast %get3A_1759 : vector<16xi32> to vector<16xi32>
        %lt3A_1761 = arith.cmpi slt, %get3A_1757, %get3A_1760 : vector<16xi32>
        %get3A_1762 = arith.constant 944 : index
        %get3A_1763 = tpu.vector_load %arg5[%get3A_1762] {strides = array<i32>} : memref<1024xi32, #tpu.memory_space<vmem>>, vector<16xi32>,
        %get3A_1764 = vector.shape_cast %get3A_1763 : vector<16xi32> to vector<16xi32>
        %get3A_1765 = arith.constant 944 : index
        %get3A_1766 = tpu.vector_load %arg6[%get3A_1765] {strides = array<i32>} : memref<1024xi32, #tpu.memory_space<vmem>>, vector<16xi32>,
        %get3A_1767 = vector.shape_cast %get3A_1766 : vector<16xi32> to vector<16xi32>
        %add3A_1768 = arith.constant 1000000 : i32
        %add3A_1769 = vector.broadcast %add3A_1768 : i32 to vector<16xi32>
        %add3A_1770 = arith.addi %get3A_1767, %add3A_1769 : vector<16xi32>
        %select_n3A_1771 = arith.select %lt3A_1761, %get3A_1764, %add3A_1770 : vector<16xi1>, vector<16xi32>
        %swap3A_1772 = arith.constant 944 : index
        %swap3A_1773 = tpu.vector_load %arg8[%swap3A_1772] {strides = array<i32>} : memref<1024xi32, #tpu.memory_space<vmem>>, vector<16xi32>,
        %swap3A_1774 = vector.shape_cast %swap3A_1773 : vector<16xi32> to vector<16xi32>
        %swap3A_1775 = vector.shape_cast %select_n3A_1771 : vector<16xi32> to vector<16xi32>
        tpu.vector_store %arg8[%swap3A_1772], %swap3A_1775 {strides = array<i32>} : memref<1024xi32, #tpu.memory_space<vmem>>, vector<16xi32>,
        %get3A_1776 = arith.constant 960 : index
        %get3A_1777 = tpu.vector_load %arg7[%get3A_1776] {strides = array<i32>} : memref<1024xi32, #tpu.memory_space<vmem>>, vector<16xi32>,
        %get3A_1778 = vector.shape_cast %get3A_1777 : vector<16xi32> to vector<16xi32>
        %get3A_1779 = arith.constant 960 : index
        %get3A_1780 = tpu.vector_load %arg6[%get3A_1779] {strides = array<i32>} : memref<1024xi32, #tpu.memory_space<vmem>>, vector<16xi32>,
        %get3A_1781 = vector.shape_cast %get3A_1780 : vector<16xi32> to vector<16xi32>
        %lt3A_1782 = arith.cmpi slt, %get3A_1778, %get3A_1781 : vector<16xi32>
        %get3A_1783 = arith.constant 960 : index
        %get3A_1784 = tpu.vector_load %arg5[%get3A_1783] {strides = array<i32>} : memref<1024xi32, #tpu.memory_space<vmem>>, vector<16xi32>,
        %get3A_1785 = vector.shape_cast %get3A_1784 : vector<16xi32> to vector<16xi32>
        %get3A_1786 = arith.constant 960 : index
        %get3A_1787 = tpu.vector_load %arg6[%get3A_1786] {strides = array<i32>} : memref<1024xi32, #tpu.memory_space<vmem>>, vector<16xi32>,
        %get3A_1788 = vector.shape_cast %get3A_1787 : vector<16xi32> to vector<16xi32>
        %add3A_1789 = arith.constant 1000000 : i32
        %add3A_1790 = vector.broadcast %add3A_1789 : i32 to vector<16xi32>
        %add3A_1791 = arith.addi %get3A_1788, %add3A_1790 : vector<16xi32>
        %select_n3A_1792 = arith.select %lt3A_1782, %get3A_1785, %add3A_1791 : vector<16xi1>, vector<16xi32>
        %swap3A_1793 = arith.constant 960 : index
        %swap3A_1794 = tpu.vector_load %arg8[%swap3A_1793] {strides = array<i32>} : memref<1024xi32, #tpu.memory_space<vmem>>, vector<16xi32>,
        %swap3A_1795 = vector.shape_cast %swap3A_1794 : vector<16xi32> to vector<16xi32>
        %swap3A_1796 = vector.shape_cast %select_n3A_1792 : vector<16xi32> to vector<16xi32>
        tpu.vector_store %arg8[%swap3A_1793], %swap3A_1796 {strides = array<i32>} : memref<1024xi32, #tpu.memory_space<vmem>>, vector<16xi32>,
        %get3A_1797 = arith.constant 976 : index
        %get3A_1798 = tpu.vector_load %arg7[%get3A_1797] {strides = array<i32>} : memref<1024xi32, #tpu.memory_space<vmem>>, vector<16xi32>,
        %get3A_1799 = vector.shape_cast %get3A_1798 : vector<16xi32> to vector<16xi32>
        %get3A_1800 = arith.constant 976 : index
        %get3A_1801 = tpu.vector_load %arg6[%get3A_1800] {strides = array<i32>} : memref<1024xi32, #tpu.memory_space<vmem>>, vector<16xi32>,
        %get3A_1802 = vector.shape_cast %get3A_1801 : vector<16xi32> to vector<16xi32>
        %lt3A_1803 = arith.cmpi slt, %get3A_1799, %get3A_1802 : vector<16xi32>
        %get3A_1804 = arith.constant 976 : index
        %get3A_1805 = tpu.vector_load %arg5[%get3A_1804] {strides = array<i32>} : memref<1024xi32, #tpu.memory_space<vmem>>, vector<16xi32>,
        %get3A_1806 = vector.shape_cast %get3A_1805 : vector<16xi32> to vector<16xi32>
        %get3A_1807 = arith.constant 976 : index
        %get3A_1808 = tpu.vector_load %arg6[%get3A_1807] {strides = array<i32>} : memref<1024xi32, #tpu.memory_space<vmem>>, vector<16xi32>,
        %get3A_1809 = vector.shape_cast %get3A_1808 : vector<16xi32> to vector<16xi32>
        %add3A_1810 = arith.constant 1000000 : i32
        %add3A_1811 = vector.broadcast %add3A_1810 : i32 to vector<16xi32>
        %add3A_1812 = arith.addi %get3A_1809, %add3A_1811 : vector<16xi32>
        %select_n3A_1813 = arith.select %lt3A_1803, %get3A_1806, %add3A_1812 : vector<16xi1>, vector<16xi32>
        %swap3A_1814 = arith.constant 976 : index
        %swap3A_1815 = tpu.vector_load %arg8[%swap3A_1814] {strides = array<i32>} : memref<1024xi32, #tpu.memory_space<vmem>>, vector<16xi32>,
        %swap3A_1816 = vector.shape_cast %swap3A_1815 : vector<16xi32> to vector<16xi32>
        %swap3A_1817 = vector.shape_cast %select_n3A_1813 : vector<16xi32> to vector<16xi32>
        tpu.vector_store %arg8[%swap3A_1814], %swap3A_1817 {strides = array<i32>} : memref<1024xi32, #tpu.memory_space<vmem>>, vector<16xi32>,
        %get3A_1818 = arith.constant 992 : index
        %get3A_1819 = tpu.vector_load %arg7[%get3A_1818] {strides = array<i32>} : memref<1024xi32, #tpu.memory_space<vmem>>, vector<16xi32>,
        %get3A_1820 = vector.shape_cast %get3A_1819 : vector<16xi32> to vector<16xi32>
        %get3A_1821 = arith.constant 992 : index
        %get3A_1822 = tpu.vector_load %arg6[%get3A_1821] {strides = array<i32>} : memref<1024xi32, #tpu.memory_space<vmem>>, vector<16xi32>,
        %get3A_1823 = vector.shape_cast %get3A_1822 : vector<16xi32> to vector<16xi32>
        %lt3A_1824 = arith.cmpi slt, %get3A_1820, %get3A_1823 : vector<16xi32>
        %get3A_1825 = arith.constant 992 : index
        %get3A_1826 = tpu.vector_load %arg5[%get3A_1825] {strides = array<i32>} : memref<1024xi32, #tpu.memory_space<vmem>>, vector<16xi32>,
        %get3A_1827 = vector.shape_cast %get3A_1826 : vector<16xi32> to vector<16xi32>
        %get3A_1828 = arith.constant 992 : index
        %get3A_1829 = tpu.vector_load %arg6[%get3A_1828] {strides = array<i32>} : memref<1024xi32, #tpu.memory_space<vmem>>, vector<16xi32>,
        %get3A_1830 = vector.shape_cast %get3A_1829 : vector<16xi32> to vector<16xi32>
        %add3A_1831 = arith.constant 1000000 : i32
        %add3A_1832 = vector.broadcast %add3A_1831 : i32 to vector<16xi32>
        %add3A_1833 = arith.addi %get3A_1830, %add3A_1832 : vector<16xi32>
        %select_n3A_1834 = arith.select %lt3A_1824, %get3A_1827, %add3A_1833 : vector<16xi1>, vector<16xi32>
        %swap3A_1835 = arith.constant 992 : index
        %swap3A_1836 = tpu.vector_load %arg8[%swap3A_1835] {strides = array<i32>} : memref<1024xi32, #tpu.memory_space<vmem>>, vector<16xi32>,
        %swap3A_1837 = vector.shape_cast %swap3A_1836 : vector<16xi32> to vector<16xi32>
        %swap3A_1838 = vector.shape_cast %select_n3A_1834 : vector<16xi32> to vector<16xi32>
        tpu.vector_store %arg8[%swap3A_1835], %swap3A_1838 {strides = array<i32>} : memref<1024xi32, #tpu.memory_space<vmem>>, vector<16xi32>,
        %get3A_1839 = arith.constant 1008 : index
        %get3A_1840 = tpu.vector_load %arg7[%get3A_1839] {strides = array<i32>} : memref<1024xi32, #tpu.memory_space<vmem>>, vector<16xi32>,
        %get3A_1841 = vector.shape_cast %get3A_1840 : vector<16xi32> to vector<16xi32>
        %get3A_1842 = arith.constant 1008 : index
        %get3A_1843 = tpu.vector_load %arg6[%get3A_1842] {strides = array<i32>} : memref<1024xi32, #tpu.memory_space<vmem>>, vector<16xi32>,
        %get3A_1844 = vector.shape_cast %get3A_1843 : vector<16xi32> to vector<16xi32>
        %lt3A_1845 = arith.cmpi slt, %get3A_1841, %get3A_1844 : vector<16xi32>
        %get3A_1846 = arith.constant 1008 : index
        %get3A_1847 = tpu.vector_load %arg5[%get3A_1846] {strides = array<i32>} : memref<1024xi32, #tpu.memory_space<vmem>>, vector<16xi32>,
        %get3A_1848 = vector.shape_cast %get3A_1847 : vector<16xi32> to vector<16xi32>
        %get3A_1849 = arith.constant 1008 : index
        %get3A_1850 = tpu.vector_load %arg6[%get3A_1849] {strides = array<i32>} : memref<1024xi32, #tpu.memory_space<vmem>>, vector<16xi32>,
        %get3A_1851 = vector.shape_cast %get3A_1850 : vector<16xi32> to vector<16xi32>
        %add3A_1852 = arith.constant 1000000 : i32
        %add3A_1853 = vector.broadcast %add3A_1852 : i32 to vector<16xi32>
        %add3A_1854 = arith.addi %get3A_1851, %add3A_1853 : vector<16xi32>
        %select_n3A_1855 = arith.select %lt3A_1845, %get3A_1848, %add3A_1854 : vector<16xi1>, vector<16xi32>
        %swap3A_1856 = arith.constant 1008 : index
        %swap3A_1857 = tpu.vector_load %arg8[%swap3A_1856] {strides = array<i32>} : memref<1024xi32, #tpu.memory_space<vmem>>, vector<16xi32>,
        %swap3A_1858 = vector.shape_cast %swap3A_1857 : vector<16xi32> to vector<16xi32>
        %swap3A_1859 = vector.shape_cast %select_n3A_1855 : vector<16xi32> to vector<16xi32>
        tpu.vector_store %arg8[%swap3A_1856], %swap3A_1859 {strides = array<i32>} : memref<1024xi32, #tpu.memory_space<vmem>>, vector<16xi32>,
        "tpu.region"() ({
          %run_scoped3A = tpu.sem_alloc : memref<!tpu.dma_semaphore, #tpu.memory_space<semaphore_mem>>
          %dma_start3A = arith.constant 0 : i32
          %dma_start3A_1861 = tpu.memref_slice %arg4[%dma_start3A] : memref<1016384xi32, #tpu.memory_space<vmem_shared>> -> memref<1016384xi32, #tpu.memory_space<vmem_shared>>
          tpu.enqueue_indirect_dma source(%arg6 : memref<1024xi32, #tpu.memory_space<vmem>>) target(%dma_start3A_1861 : memref<1016384xi32, #tpu.memory_space<vmem_shared>>) offsets(%arg8 : memref<1024xi32, #tpu.memory_space<vmem>>) semaphore(%run_scoped3A : memref<!tpu.dma_semaphore, #tpu.memory_space<semaphore_mem>>)
          %dma_wait3A = arith.constant 0 : i32
          %dma_wait3A_1862 = tpu.memref_slice %arg4[%dma_wait3A] : memref<1016384xi32, #tpu.memory_space<vmem_shared>> -> memref<1016384xi32, #tpu.memory_space<vmem_shared>>
          tpu.wait_indirect_dma semaphore(%run_scoped3A : memref<!tpu.dma_semaphore, #tpu.memory_space<semaphore_mem>>) src(%arg6 : memref<1024xi32, #tpu.memory_space<vmem>>) dst(%dma_wait3A_1862 : memref<1016384xi32, #tpu.memory_space<vmem_shared>>)
          tpu.yield
        }) : () -> ()
        %barrier3A_1860 = arith.constant 0 : index
        tpu.barrier barrier_id(%barrier3A_1860)
      }
      %scan3A_517 = arith.constant 4 : i32
      "tpu.region"() ({
        %run_scoped3A = tpu.sem_alloc : memref<!tpu.dma_semaphore, #tpu.memory_space<semaphore_mem>>
        %dma_start3A = arith.constant 0 : i32
        %dma_start3A_518 = tpu.memref_slice %arg4[%dma_start3A] : memref<1016384xi32, #tpu.memory_space<vmem_shared>> -> memref<1016384xi32, #tpu.memory_space<vmem_shared>>
        tpu.enqueue_indirect_dma source(%dma_start3A_518 : memref<1016384xi32, #tpu.memory_space<vmem_shared>>) target(%arg7 : memref<1024xi32, #tpu.memory_space<vmem>>) offsets(%arg5 : memref<1024xi32, #tpu.memory_space<vmem>>) semaphore(%run_scoped3A : memref<!tpu.dma_semaphore, #tpu.memory_space<semaphore_mem>>)
        %dma_wait3A = arith.constant 0 : i32
        %dma_wait3A_519 = tpu.memref_slice %arg4[%dma_wait3A] : memref<1016384xi32, #tpu.memory_space<vmem_shared>> -> memref<1016384xi32, #tpu.memory_space<vmem_shared>>
        tpu.wait_indirect_dma semaphore(%run_scoped3A : memref<!tpu.dma_semaphore, #tpu.memory_space<semaphore_mem>>) src(%dma_wait3A_519 : memref<1016384xi32, #tpu.memory_space<vmem_shared>>) dst(%arg7 : memref<1024xi32, #tpu.memory_space<vmem>>)
        tpu.yield
      }) : () -> ()
      "tpu.region"() ({
        %run_scoped3A = tpu.sem_alloc : memref<!tpu.dma_semaphore, #tpu.memory_space<semaphore_mem>>
        %dma_start3A = tpu.memref_slice %arg3[%mul3A_2] : memref<16384xi32, #tpu.memory_space<hbm>> -> memref<1024xi32, #tpu.memory_space<hbm>>
        %dma_start3A_518 = tpu.memref_slice %arg3[%mul3A_2] : memref<16384xi32, #tpu.memory_space<hbm>> -> memref<1024xi32, #tpu.memory_space<hbm>>
        tpu.enqueue_dma source(%arg7 : memref<1024xi32, #tpu.memory_space<vmem>>) target(%dma_start3A_518 : memref<1024xi32, #tpu.memory_space<hbm>>) target_semaphore(%run_scoped3A : memref<!tpu.dma_semaphore, #tpu.memory_space<semaphore_mem>>)
        %dma_wait3A = tpu.memref_slice %arg3[%mul3A_2] : memref<16384xi32, #tpu.memory_space<hbm>> -> memref<1024xi32, #tpu.memory_space<hbm>>
        %dma_wait3A_519 = tpu.memref_slice %arg3[%mul3A_2] : memref<16384xi32, #tpu.memory_space<hbm>> -> memref<1024xi32, #tpu.memory_space<hbm>>
        tpu.wait_dma2 semaphore(%run_scoped3A : memref<!tpu.dma_semaphore, #tpu.memory_space<semaphore_mem>>) src(%arg7 : memref<1024xi32, #tpu.memory_space<vmem>>) dst(%dma_wait3A_519 : memref<1024xi32, #tpu.memory_space<hbm>>)
        tpu.yield
      }) : () -> ()
    } else {
    }
    return
  }
}

module attributes {stable_mosaic.version = 14 : i64} {
  func.func @_ln_body(%arg0: i32, %arg1: memref<8192x128xf32, #tpu.memory_space<vmem>>, %arg2: memref<1x128xf32, #tpu.memory_space<vmem>>, %arg3: memref<1x128xf32, #tpu.memory_space<vmem>>, %arg4: memref<8192x128xf32, #tpu.memory_space<vmem>>) attributes {dimension_semantics = [#tpu.dimension_semantics<arbitrary>], iteration_bounds = array<i64: 2>, scalar_prefetch = 0 : i64, scratch_operands = 0 : i64, tpu.core_type = #tpu.core_type<tc>, window_params = [{transform_indices = @transform_0, window_bounds = array<i64: 8192, 128>}, {pipeline_mode = #tpu.pipeline_mode<synchronous>, transform_indices = @transform_1, window_bounds = array<i64: 1, 128>}, {pipeline_mode = #tpu.pipeline_mode<synchronous>, transform_indices = @transform_2, window_bounds = array<i64: 1, 128>}, {transform_indices = @transform_3, window_bounds = array<i64: 8192, 128>}]} {
    %get3A = arith.constant 0 : index
    %get3A_0 = arith.constant 0 : index
    %get3A_1 = vector.load %arg1[%get3A, %get3A_0] : memref<8192x128xf32, #tpu.memory_space<vmem>>, vector<8192x128xf32>
    %reduce_sum3A = arith.constant dense<0.000000e+00> : vector<8192xf32>
    %reduce_sum3A_2 = vector.multi_reduction <add>, %get3A_1, %reduce_sum3A [1] : vector<8192x128xf32> to vector<8192xf32>
    %broadcast_in_dim3A = vector.shape_cast %reduce_sum3A_2 : vector<8192xf32> to vector<8192x1xf32>
    %div3A = arith.constant 1.280000e+02 : f32
    %div3A_3 = vector.broadcast %div3A : f32 to vector<8192x1xf32>
    %div3A_4 = arith.divf %broadcast_in_dim3A, %div3A_3 : vector<8192x1xf32>
    %sub3A = vector.broadcast %div3A_4 : vector<8192x1xf32> to vector<8192x128xf32>
    %sub3A_5 = arith.subf %get3A_1, %sub3A : vector<8192x128xf32>
    %mul3A = arith.mulf %sub3A_5, %sub3A_5 : vector<8192x128xf32>
    %reduce_sum3A_6 = arith.constant dense<0.000000e+00> : vector<8192xf32>
    %reduce_sum3A_7 = vector.multi_reduction <add>, %mul3A, %reduce_sum3A_6 [1] : vector<8192x128xf32> to vector<8192xf32>
    %broadcast_in_dim3A_8 = vector.shape_cast %reduce_sum3A_7 : vector<8192xf32> to vector<8192x1xf32>
    %div3A_9 = arith.constant 1.280000e+02 : f32
    %div3A_10 = vector.broadcast %div3A_9 : f32 to vector<8192x1xf32>
    %div3A_11 = arith.divf %broadcast_in_dim3A_8, %div3A_10 : vector<8192x1xf32>
    %add3A = arith.constant 9.99999974E-6 : f32
    %add3A_12 = vector.broadcast %add3A : f32 to vector<8192x1xf32>
    %add3A_13 = arith.addf %div3A_11, %add3A_12 : vector<8192x1xf32>
    %rsqrt3A = math.rsqrt %add3A_13 : vector<8192x1xf32>
    %mul3A_14 = vector.broadcast %rsqrt3A : vector<8192x1xf32> to vector<8192x128xf32>
    %mul3A_15 = arith.mulf %sub3A_5, %mul3A_14 : vector<8192x128xf32>
    %get3A_16 = arith.constant 0 : index
    %get3A_17 = arith.constant 0 : index
    %get3A_18 = vector.load %arg2[%get3A_16, %get3A_17] : memref<1x128xf32, #tpu.memory_space<vmem>>, vector<1x128xf32>
    %mul3A_19 = vector.broadcast %get3A_18 : vector<1x128xf32> to vector<8192x128xf32>
    %mul3A_20 = arith.mulf %mul3A_15, %mul3A_19 : vector<8192x128xf32>
    %get3A_21 = arith.constant 0 : index
    %get3A_22 = arith.constant 0 : index
    %get3A_23 = vector.load %arg3[%get3A_21, %get3A_22] : memref<1x128xf32, #tpu.memory_space<vmem>>, vector<1x128xf32>
    %add3A_24 = vector.broadcast %get3A_23 : vector<1x128xf32> to vector<8192x128xf32>
    %add3A_25 = arith.addf %mul3A_20, %add3A_24 : vector<8192x128xf32>
    %swap3A = arith.constant 0 : index
    %swap3A_26 = arith.constant 0 : index
    %swap3A_27 = vector.load %arg4[%swap3A, %swap3A_26] : memref<8192x128xf32, #tpu.memory_space<vmem>>, vector<8192x128xf32>
    tpu.vector_store %arg4[%swap3A, %swap3A_26], %add3A_25 {strides = array<i32>} : memref<8192x128xf32, #tpu.memory_space<vmem>>, vector<8192x128xf32>,
    return
  }
  func.func @transform_0(%arg0: i32) -> (i32, i32) {
    %c0_i32 = arith.constant 0 : i32
    %c0_i32_0 = arith.constant 0 : i32
    return %arg0, %c0_i32 : i32, i32
  }
  func.func @transform_1(%arg0: i32) -> (i32, i32) {
    %c0_i32 = arith.constant 0 : i32
    %c0_i32_0 = arith.constant 0 : i32
    %c0_i32_1 = arith.constant 0 : i32
    return %c0_i32, %c0_i32_0 : i32, i32
  }
  func.func @transform_2(%arg0: i32) -> (i32, i32) {
    %c0_i32 = arith.constant 0 : i32
    %c0_i32_0 = arith.constant 0 : i32
    %c0_i32_1 = arith.constant 0 : i32
    return %c0_i32, %c0_i32_0 : i32, i32
  }
  func.func @transform_3(%arg0: i32) -> (i32, i32) {
    %c0_i32 = arith.constant 0 : i32
    %c0_i32_0 = arith.constant 0 : i32
    return %arg0, %c0_i32 : i32, i32
  }
}

</mosaic_0001>

<sc_bundles>
// kernel: kernel.5.cloned.1.call-start
scs
__scs_entry_jumppad:
0x0: {  	(pc) =	sbr.rel $0x88, $3  }
0x1: {  	(tag) =	ssettag $0x0;
	lr =	simm.s32 $0x1  }
0x2: {  	[smem:$0x3F9D] =	sst lr;
	_ =	strace $0xD0000000  }
0x3: {  	_ = 	snop  }
0x4: {  	_ = 	snop  }
0x5: {  	_ = 	snop  }
0x6: {  	_ = 	snop  }
0x7: {  	_ = 	snop  }
__scs_overlays_trampoline_lowered:
0x8: {  	[smem:$0x3FAC] =	sst s0  }
0x9: {  	[smem:$0x3FAD] =	sst s1  }
0xa: {  	[smem:$0x3FAE] =	sst s2  }
0xb: {  	[smem:$0x3FAF] =	sst s3  }
0xc: {  	[smem:$0x3FB0] =	sst s4  }
0xd: {  	[smem:$0x3FB1] =	sst s5  }
0xe: {  	[smem:$0x3FB2] =	sst s6  }
0xf: {  	[smem:$0x3FB3] =	sst s7  }
0x10: {  	[smem:$0x3FB4] =	sst s8  }
0x11: {  	[smem:$0x3FB5] =	sst s9;
	s0 =	simm.s32 @!p0 $0x0  }
0x12: {  	s1 =	sld [smem:$0x3F9B];
	s0 =	simm.s32 @p0 $0x1  }
0x13: {  	[smem:$0x3FB6] =	sst s0;
	s0 =	simm.s32 @!p1 $0x0  }
0x14: {  	s2 =	sld [smem:$0x3F9A];
	s0 =	simm.s32 @p1 $0x1  }
0x15: {  	[smem:$0x3FB7] =	sst s0;
	s0 =	simm.s32 @!p2 $0x0  }
0x16: {  	s3 =	sld [smem:$0x3FDB];
	s0 =	simm.s32 @p2 $0x1  }
0x17: {  	s4 =	simm.s32 $0x1BF5;
	[smem:$0x3FB9] =	sst s0  }
0x18: {  	s0 =	sld [smem:$0x3F9C];
	_ =	swait.ge [sflag:s4], $0x0  }
0x19: {  	s7 =	sld [smem:$0x3F9D]  }
0x1a: {  	s8 =	sadd.s32 $0xFFFFE003, lr  }
0x1b: {  	s9 =	sadd.s32 $0xFFFFFEF7, lr;
	s5 =	simm.s32 $0xFFFFFFFF;
	p2 =	slt.u32 s8, $0xFFFFF086  }
0x1c: {  	p1 =	slt.u32 s9, $0xF7A;
	s5 =	simm.s32 @!p2 $0x0  }
0x1d: {  	s5 =	simm.s32 @p1 $0x1;
	p0 =	seq.s32 s7, s2  }
0x1e: {  	s7 =	smul.u32 @!p0 $0xF7A, s2;
	p2 =	seq.s32 @!p0 s5, $0x0  }
0x1f: {  	s9 =	smul.u32 $0xF7A, s1;
	s8 =	simm.s32 @!p0 $0x1BF5;
	p2 =	por !p2, p0  }
0x20: {  	[sflag:s8] =	ssyncset.s32 @!p0 $0xFFFFF086;
	s6 =	sadd.s32 @!p0 s3, s7;
	s7 =	simm.s32 @!p0 $0x108  }
0x21: {  	s3 =	sadd.s32 s3, s9;
	s6 =	sadd.s32 @!p0 $0x88, s6;
	s7 =	simm.s32 @p2 $0x1082  }
0x22: {  	[simem:s7], [sflag:s8] =	dma.local @!p0 [hbm:s6], $0xF7A  }
0x23: {  	s9 =	sor.u32 $0xD0000000, s2;
	s6 =	simm.s32 $0x108;
	_ =	swait.ge @!p0 [sflag:s8], $0x0  }
0x24: {  	s3 =	sadd.s32 $0x88, s3;
	s6 =	simm.s32 @!p1 $0x1082;
	[sflag:s4] =	ssyncset.s32 $0xFFFFF086  }
0x25: {  	[simem:s6], [sflag:s4] =	dma.local [hbm:s3], $0xF7A  }
0x26: {  	[smem:$0x3F9D] =	sst s1;
	(tag) =	ssettag s2;
	_ =	strace s9  }
0x27: {  	s1 =	sld [smem:$0x3FAD]  }
0x28: {  	s2 =	sld [smem:$0x3FAE]  }
0x29: {  	s4 =	sld [smem:$0x3FB0]  }
0x2a: {  	p0 =	seq.s32 s5, $0x0;
	s5 =	sld [smem:$0x3FB1]  }
0x2b: {  	s6 =	sld [smem:$0x3FB2]  }
0x2c: {  	s7 =	sld [smem:$0x3FB3]  }
0x2d: {  	s3 =	simm.s32 $0x108;
	s8 =	sld [smem:$0x3FB4]  }
0x2e: {  	s3 =	simm.s32 @!p0 $0x1082;
	s9 =	sld [smem:$0x3FB5]  }
0x2f: {  	lr =	sadd.s32 s0, s3;
	s0 =	sld [smem:$0x3FAC]  }
0x30: {  	s3 =	sld [smem:$0x3FAF]  }
0x31: {  	[smem:$0x3FB8] =	sst s10  }
0x32: {  	s10 =	sld [smem:$0x3FB6];
	_ =	sdelay $0x3  }
0x33: {  	p0 =	seq.s32 s10, $0x1;
	s10 =	sld [smem:$0x3FB8];
	_ =	sdelay $0x3  }
0x34: {  	[smem:$0x3FB8] =	sst s10  }
0x35: {  	s10 =	sld [smem:$0x3FB7];
	_ =	sdelay $0x3  }
0x36: {  	p1 =	seq.s32 s10, $0x1;
	s10 =	sld [smem:$0x3FB8];
	_ =	sdelay $0x3  }
0x37: {  	[smem:$0x3FB8] =	sst s10  }
0x38: {  	s10 =	sld [smem:$0x3FB9]  }
0x39: {  	_ = 	snop;
	(pc) =	sbr.ind lr, $3  }
0x3a: {  	_ = 	snop  }
0x3b: {  	_ = 	snop  }
0x3c: {  	p2 =	seq.s32 s10, $0x1;
	s10 =	sld [smem:$0x3FB8]  }
0x3d: {  	_ =	shalt  }
0x3e: {  	_ =	shalt  }
0x3f: {  	_ =	shalt  }
0x40: {  	_ =	shalt  }
0x41: {  	_ =	shalt  }
0x42: {  	_ =	shalt  }
0x43: {  	_ =	shalt  }
0x44: {  	_ =	shalt  }
0x45: {  	_ =	shalt  }
0x46: {  	_ =	shalt  }
0x47: {  	_ =	shalt  }
0x48: {  	_ =	shalt  }
0x49: {  	_ =	shalt  }
0x4a: {  	_ =	shalt  }
0x4b: {  	_ =	shalt  }
0x4c: {  	_ =	shalt  }
0x4d: {  	_ =	shalt  }
0x4e: {  	_ =	shalt  }
0x4f: {  	_ =	shalt  }
0x50: {  	_ =	shalt  }
0x51: {  	_ =	shalt  }
0x52: {  	_ =	shalt  }
0x53: {  	_ =	shalt  }
0x54: {  	_ =	shalt  }
0x55: {  	_ =	shalt  }
0x56: {  	_ =	shalt  }
0x57: {  	_ =	shalt  }
0x58: {  	_ =	shalt  }
0x59: {  	_ =	shalt  }
0x5a: {  	_ =	shalt  }
0x5b: {  	_ =	shalt  }
0x5c: {  	_ =	shalt  }
0x5d: {  	_ =	shalt  }
0x5e: {  	_ =	shalt  }
0x5f: {  	_ =	shalt  }
0x60: {  	_ =	shalt  }
0x61: {  	_ =	shalt  }
0x62: {  	_ =	shalt  }
0x63: {  	_ =	shalt  }
0x64: {  	_ =	shalt  }
0x65: {  	_ =	shalt  }
0x66: {  	_ =	shalt  }
0x67: {  	_ =	shalt  }
0x68: {  	_ =	shalt  }
0x69: {  	_ =	shalt  }
0x6a: {  	_ =	shalt  }
0x6b: {  	_ =	shalt  }
0x6c: {  	_ =	shalt  }
0x6d: {  	_ =	shalt  }
0x6e: {  	_ =	shalt  }
0x6f: {  	_ =	shalt  }
0x70: {  	_ =	shalt  }
0x71: {  	_ =	shalt  }
0x72: {  	_ =	shalt  }
0x73: {  	_ =	shalt  }
0x74: {  	_ =	shalt  }
0x75: {  	_ =	shalt  }
0x76: {  	_ =	shalt  }
0x77: {  	_ =	shalt  }
0x78: {  	_ =	shalt  }
0x79: {  	_ =	shalt  }
0x7a: {  	_ =	shalt  }
0x7b: {  	_ =	shalt  }
0x7c: {  	_ =	shalt  }
0x7d: {  	_ =	shalt  }
0x7e: {  	_ =	shalt  }
0x7f: {  	_ =	shalt  }
0x80: {  	_ =	shalt  }
0x81: {  	_ =	shalt  }
0x82: {  	_ =	shalt  }
0x83: {  	_ =	shalt  }
0x84: {  	_ =	shalt  }
0x85: {  	_ =	shalt  }
0x86: {  	_ =	shalt  }
0x87: {  	_ =	shalt  }
.Lfunc_end0:
.L_simem_size_0:
called_computation_lowered:
.L_overlay_start_0:
0x88: {  	s2 =	sld [smem:$0x3FD9]  }
0x89: {  	s3 =	sld [smem:$0x3FFE];
	_ =	sdelay $0x1  }
0x8a: {  	s1 =	srdreg.scid  }
0x8b: {  	s0 =	sand.u32 $0x1, s1  }
0x8c: {  	s17 =	sshll.u32 s0, $0xA;
	s2 =	sadd.s32 s3, s2  }
0x8d: {  	s2 =	sadd.s32 s2, s17  }
0x8e: {  	[smem:$0x3FC4] =	sst s2  }
0x8f: {  	_ = 	snop  }
0x90: {  	s2 =	sld [smem:$0x3FC9];
	(tm) =	ssettm $0x1  }
0x91: {  	s18 =	sld [smem:$0x3FFB];
	_ =	sdelay $0x3  }
0x92: {  	_ =	strace s18  }
0x93: {  	s3 =	sld [smem:$0x3FFC];
	_ =	sdelay $0x3  }
0x94: {  	_ =	strace s3  }
0x95: {  	s3 =	sld [smem:$0x3FFD];
	_ =	sdelay $0x3  }
0x96: {  	_ =	strace s3  }
0x97: {  	_ =	strace $0x8FFFFFFF  }
0x98: {  	s19 =	sld [smem:$0x3FDB];
	_ =	sdelay $0x1  }
0x99: {  	s4 =	simm.s32 $_scs_section_size  }
0x9a: {  	s5 =	simm.s32 $_size__tile_overlayer_lowered;
	s6 =	simm.s32 $_tile_overlayer_lowered  }
0x9b: {  	s22 =	simm.s32 $0x1BFF;
	s21 =	sshll.u32 s6, $0x1;
	s3 =	sadd.s32 s4, s19  }
0x9c: {  	s7 =	simm.s32 $0x0;
	s20 =	sshll.u32 s5, $0x1;
	s5 =	sadd.s32 s21, s3  }
0x9d: {  	[timem:s7], [sflag:s22] =	dma.local [hbm:s5], s20  }
0x9e: {  	_ =	swait.ge [sflag:s22], s20  }
0x9f: {  	s4 =	ssub.s32 $0x0, s20;
	[sflag:s22] =	ssyncset.done $0x0  }
0xa0: {  	[sflag:s22] =	ssyncadd.s32 s4;
	_ =	sdelay $0x1  }
0xa1: {  	s23 =	simm.s32 $0x1B8B  }
0xa2: {  	_ =	swait.ge [sflag:s23], $0x1  }
0xa3: {  	[sflag:s23] =	ssyncset.done $0x0  }
0xa4: {  	s25 =	simm.s32 $0x1B8E;
	s24 =	sld [smem:$0x3FFE];
	[sflag:s23] =	ssyncadd.s32 $0xFFFFFFFF  }
0xa5: {  	s26 =	simm.s32 $execute0_lowered;
	[smem:$0x3FD2] =	sst s25  }
0xa6: {  	s5 =	sshll.u32 s26, $0x1;
	_ =	strace $0x80000046;
	[dreg:$0x1] =	wrdreg $0xFFFFFFFF  }
0xa7: {  	s28 =	simm.s32 $_size_execute0_lowered;
	s3 =	sadd.s32 s3, s5;
	[dreg:$0x0] =	wrdreg $0x0  }
0xa8: {  	s5 =	sshll.u32 s28, $0x1;
	[dreg:$0x2] =	wrdreg s3  }
0xa9: {  	[dreg:$0x3] =	wrdreg s5  }
0xaa: {  	[dreg:$0x4] =	wrdreg $0xC0  }
0xab: {  	_ =	task [dreg:s7], $0x5FFFF  }
0xac: {  	[dreg:$0x1] =	wrdreg $0xFFFFFFFF  }
0xad: {  	[dreg:$0x0] =	wrdreg $0x60  }
0xae: {  	[dreg:$0x2] =	wrdreg s2  }
0xaf: {  	[dreg:$0x3] =	wrdreg s24  }
0xb0: {  	[dreg:$0x4] =	wrdreg $0x0  }
0xb1: {  	[dreg:$0x5] =	wrdreg $0x9  }
0xb2: {  	_ =	task.clear_ibuf [dreg:s7], $0x6FFFF;
	_ =	strace $0x90000046  }
0xb3: {  	s29 =	simm.s32 $0x9;
	_ =	strace $0x80000048  }
0xb4: {  	_ =	swait.ge [sflag:s29], $0x1  }
0xb5: {  	[sflag:s29] =	ssyncadd.s32 $0xFFFFFFFF  }
0xb6: {  	_ =	strace $0x90000048  }
0xb7: {  	_ =	sfence  }
0xb8: {  	s30 =	sld [smem:$0x0];
	_ =	sdelay $0x2  }
0xb9: {  	s31 =	sshll.u32 s1, $0xD;
	s1 =	sshrl.u32 s1, $0x2  }
0xba: {  	s3 =	sand.u32 $0x4000, s31;
	s1 =	sadd.s32 s1, s30  }
0xbb: {  	s0 =	sor.u32 s3, s0;
	s1 =	sshll.u32 s1, $0x11  }
0xbc: {  	s0 =	sor.u32 s1, s0  }
0xbd: {  	s0 =	sadd.s32 $0x8F2B, s0  }
0xbe: {  	[sflag:s0] =	ssyncadd.remote.s32 $0x1  }
0xbf: {  	_ =	sfence.sel $0xFFFF  }
0xc0: {  	[dreg:$0x0] =	wrdreg $0xFFFFFFFF;
	(pc) =	sbr.abs _section_cstart, $3  }
0xc1: {  	[dreg:$0x1] =	wrdreg $0xFFFFFFFF  }
0xc2: {  	_ =	task.clear_ibuf [dreg:s7], $0x2FFFF;
	_ =	strace $0x9FFFFFFF  }
0xc3: {  	(tm) =	ssettm $0x7FFFFFFF  }
tec
execute0_lowered:
.L_overlay_start_1:
0x0: {  	(tag) =	ssettag $0x1  }
0x1: {  	s1 =	srdreg.scid  }
0x2: {  	s1 =	sand.u32 $0x1, s1  }
0x3: {  	p0 =	seq.s32 s1, $0x1  }
.Ltmp0:
0x4: {  	s3 =	rddreg [dreg:$0x0];
	(pc) =	sbr.rel @p0 .LBB2_4-.Ltmp0, $4  }
0x5: {  	s5 =	rddreg [dreg:$0x1]  }
0x6: {  	s2 =	rddreg [dreg:$0x2];
	s4 =	simm.s32 $0x0  }
0x7: {  	[smem:$0x7FF] =	sst s4  }
0x8: {  	s0 =	rddreg [dreg:$0x3];
	_ =	strace $0x80000047;
	s1 =	stileid.u32  }
0x9: {  	s8 =	sshll.u32 s1, $0x7  }
0xa: {  	s6 =	sadd.s32 s3, s8;
	s3 =	simm.s32 $0xF828  }
0xb: {  	[tilespmem:s3], [sflag:$0x1] =	stream.linear.gather [hbm4b:s6+s4], $0x400, $0x38;
	[tilespmem:$0x10828] =	vst v63  }
0xc: {  	s4 =	simm.s32 $0x1  }
0xd: {  	_ =	swait.ge [sflag:s4], $0x400  }
0xe: {  	v0 =	vlaneseq.u32;
	s6 =	sshll.u32 s1, $0xA;
	[sflag:s4] =	ssyncset.done $0x0  }
0xf: {  	s7 =	sor.u32 $0x10, s6;
	v1 =	vor.u32 s6, v0;
	[sflag:s4] =	ssyncadd.s32 $0xFFFFFC00  }
0x10: {  	s9 =	sor.u32 $0x20, s6;
	v2 =	vor.u32 s7, v0;
	[tilespmem:$0xFC28] =	vst v1  }
0x11: {  	s13 =	sor.u32 $0x30, s6;
	v63 =	vor.u32 s9, v0;
	[tilespmem:$0xFC38] =	vst v2  }
0x12: {  	s14 =	sor.u32 $0x40, s6;
	v4 =	vor.u32 s13, v0;
	[tilespmem:$0xFC48] =	vst v63  }
0x13: {  	s15 =	sor.u32 $0x50, s6;
	v5 =	vor.u32 s14, v0;
	[tilespmem:$0xFC58] =	vst v4  }
0x14: {  	s16 =	sor.u32 $0x60, s6;
	v6 =	vor.u32 s15, v0;
	[tilespmem:$0xFC68] =	vst v5  }
0x15: {  	s17 =	sor.u32 $0x70, s6;
	v7 =	vor.u32 s16, v0;
	[tilespmem:$0xFC78] =	vst v6  }
0x16: {  	s18 =	sor.u32 $0x80, s6;
	v8 =	vor.u32 s17, v0;
	[tilespmem:$0xFC88] =	vst v7  }
0x17: {  	s19 =	sor.u32 $0x90, s6;
	v9 =	vor.u32 s18, v0;
	[tilespmem:$0xFC98] =	vst v8  }
0x18: {  	s20 =	sor.u32 $0xA0, s6;
	v10 =	vor.u32 s19, v0;
	[tilespmem:$0xFCA8] =	vst v9  }
0x19: {  	s21 =	sor.u32 $0xB0, s6;
	v11 =	vor.u32 s20, v0;
	[tilespmem:$0xFCB8] =	vst v10  }
0x1a: {  	s22 =	sor.u32 $0xC0, s6;
	v12 =	vor.u32 s21, v0;
	[tilespmem:$0xFCC8] =	vst v11  }
0x1b: {  	s23 =	sor.u32 $0xD0, s6;
	v13 =	vor.u32 s22, v0;
	[tilespmem:$0xFCD8] =	vst v12  }
0x1c: {  	s24 =	sor.u32 $0xE0, s6;
	v14 =	vor.u32 s23, v0;
	[tilespmem:$0xFCE8] =	vst v13  }
0x1d: {  	s25 =	sor.u32 $0xF0, s6;
	v15 =	vor.u32 s24, v0;
	[tilespmem:$0xFCF8] =	vst v14  }
0x1e: {  	s26 =	sor.u32 $0x100, s6;
	v16 =	vor.u32 s25, v0;
	[tilespmem:$0xFD08] =	vst v15  }
0x1f: {  	s28 =	sor.u32 $0x110, s6;
	v17 =	vor.u32 s26, v0;
	[tilespmem:$0xFD18] =	vst v16  }
0x20: {  	s29 =	sor.u32 $0x120, s6;
	v18 =	vor.u32 s28, v0;
	[tilespmem:$0xFD28] =	vst v17  }
0x21: {  	s30 =	sor.u32 $0x130, s6;
	v19 =	vor.u32 s29, v0;
	[tilespmem:$0xFD38] =	vst v18  }
0x22: {  	s31 =	sor.u32 $0x140, s6;
	v20 =	vor.u32 s30, v0;
	[tilespmem:$0xFD48] =	vst v19  }
0x23: {  	s10 =	sor.u32 $0x150, s6;
	v21 =	vor.u32 s31, v0;
	[tilespmem:$0xFD58] =	vst v20  }
0x24: {  	s11 =	sor.u32 $0x160, s6;
	v22 =	vor.u32 s10, v0;
	[tilespmem:$0xFD68] =	vst v21  }
0x25: {  	s12 =	sor.u32 $0x170, s6;
	v23 =	vor.u32 s11, v0;
	[tilespmem:$0xFD78] =	vst v22  }
0x26: {  	s13 =	sor.u32 $0x180, s6;
	v24 =	vor.u32 s12, v0;
	[tilespmem:$0xFD88] =	vst v23  }
0x27: {  	s14 =	sor.u32 $0x190, s6;
	v25 =	vor.u32 s13, v0;
	[tilespmem:$0xFD98] =	vst v24  }
0x28: {  	s15 =	sor.u32 $0x1A0, s6;
	v26 =	vor.u32 s14, v0;
	[tilespmem:$0xFDA8] =	vst v25  }
0x29: {  	s16 =	sor.u32 $0x1B0, s6;
	v27 =	vor.u32 s15, v0;
	[tilespmem:$0xFDB8] =	vst v26  }
0x2a: {  	s17 =	sor.u32 $0x1C0, s6;
	v28 =	vor.u32 s16, v0;
	[tilespmem:$0xFDC8] =	vst v27  }
0x2b: {  	s18 =	sor.u32 $0x1D0, s6;
	v29 =	vor.u32 s17, v0;
	[tilespmem:$0xFDD8] =	vst v28  }
0x2c: {  	s19 =	sor.u32 $0x1E0, s6;
	v30 =	vor.u32 s18, v0;
	[tilespmem:$0xFDE8] =	vst v29  }
0x2d: {  	s20 =	sor.u32 $0x1F0, s6;
	v31 =	vor.u32 s19, v0;
	[tilespmem:$0xFDF8] =	vst v30  }
0x2e: {  	s21 =	sor.u32 $0x200, s6;
	v32 =	vor.u32 s20, v0;
	[tilespmem:$0xFE08] =	vst v31  }
0x2f: {  	s22 =	sor.u32 $0x210, s6;
	v33 =	vor.u32 s21, v0;
	[tilespmem:$0xFE18] =	vst v32  }
0x30: {  	s23 =	sor.u32 $0x220, s6;
	v34 =	vor.u32 s22, v0;
	[tilespmem:$0xFE28] =	vst v33  }
0x31: {  	s24 =	sor.u32 $0x230, s6;
	v35 =	vor.u32 s23, v0;
	[tilespmem:$0xFE38] =	vst v34  }
0x32: {  	s25 =	sor.u32 $0x240, s6;
	v36 =	vor.u32 s24, v0;
	[tilespmem:$0xFE48] =	vst v35  }
0x33: {  	s26 =	sor.u32 $0x250, s6;
	v37 =	vor.u32 s25, v0;
	[tilespmem:$0xFE58] =	vst v36  }
0x34: {  	s28 =	sor.u32 $0x260, s6;
	v38 =	vor.u32 s26, v0;
	[tilespmem:$0xFE68] =	vst v37  }
0x35: {  	s29 =	sor.u32 $0x270, s6;
	v39 =	vor.u32 s28, v0;
	[tilespmem:$0xFE78] =	vst v38  }
0x36: {  	s30 =	sor.u32 $0x280, s6;
	v40 =	vor.u32 s29, v0;
	[tilespmem:$0xFE88] =	vst v39  }
0x37: {  	s31 =	sor.u32 $0x290, s6;
	v41 =	vor.u32 s30, v0;
	[tilespmem:$0xFE98] =	vst v40  }
0x38: {  	s10 =	sor.u32 $0x2A0, s6;
	v42 =	vor.u32 s31, v0;
	[tilespmem:$0xFEA8] =	vst v41  }
0x39: {  	s11 =	sor.u32 $0x2B0, s6;
	v43 =	vor.u32 s10, v0;
	[tilespmem:$0xFEB8] =	vst v42  }
0x3a: {  	s12 =	sor.u32 $0x2C0, s6;
	v44 =	vor.u32 s11, v0;
	[tilespmem:$0xFEC8] =	vst v43  }
0x3b: {  	s13 =	sor.u32 $0x2D0, s6;
	v45 =	vor.u32 s12, v0;
	[tilespmem:$0xFED8] =	vst v44  }
0x3c: {  	s14 =	sor.u32 $0x2E0, s6;
	v46 =	vor.u32 s13, v0;
	[tilespmem:$0xFEE8] =	vst v45  }
0x3d: {  	s15 =	sor.u32 $0x2F0, s6;
	v47 =	vor.u32 s14, v0;
	[tilespmem:$0xFEF8] =	vst v46  }
0x3e: {  	s16 =	sor.u32 $0x300, s6;
	v48 =	vor.u32 s15, v0;
	[tilespmem:$0xFF08] =	vst v47  }
0x3f: {  	s17 =	sor.u32 $0x310, s6;
	v49 =	vor.u32 s16, v0;
	[tilespmem:$0xFF18] =	vst v48  }
0x40: {  	s18 =	sor.u32 $0x320, s6;
	v50 =	vor.u32 s17, v0;
	[tilespmem:$0xFF28] =	vst v49  }
0x41: {  	s19 =	sor.u32 $0x330, s6;
	v51 =	vor.u32 s18, v0;
	[tilespmem:$0xFF38] =	vst v50  }
0x42: {  	s20 =	sor.u32 $0x340, s6;
	v52 =	vor.u32 s19, v0;
	[tilespmem:$0xFF48] =	vst v51  }
0x43: {  	s21 =	sor.u32 $0x350, s6;
	v53 =	vor.u32 s20, v0;
	[tilespmem:$0xFF58] =	vst v52  }
0x44: {  	s22 =	sor.u32 $0x360, s6;
	v54 =	vor.u32 s21, v0;
	[tilespmem:$0xFF68] =	vst v53  }
0x45: {  	s23 =	sor.u32 $0x370, s6;
	v55 =	vor.u32 s22, v0;
	[tilespmem:$0xFF78] =	vst v54  }
0x46: {  	s24 =	sor.u32 $0x380, s6;
	v56 =	vor.u32 s23, v0;
	[tilespmem:$0xFF88] =	vst v55  }
0x47: {  	s25 =	sor.u32 $0x390, s6;
	v57 =	vor.u32 s24, v0;
	[tilespmem:$0xFF98] =	vst v56  }
0x48: {  	s26 =	sor.u32 $0x3A0, s6;
	v58 =	vor.u32 s25, v0;
	[tilespmem:$0xFFA8] =	vst v57  }
0x49: {  	s28 =	sor.u32 $0x3B0, s6;
	v59 =	vor.u32 s26, v0;
	[tilespmem:$0xFFB8] =	vst v58  }
0x4a: {  	s29 =	sor.u32 $0x3C0, s6;
	v60 =	vor.u32 s28, v0;
	[tilespmem:$0xFFC8] =	vst v59  }
0x4b: {  	s30 =	sor.u32 $0x3D0, s6;
	v61 =	vor.u32 s29, v0;
	[tilespmem:$0xFFD8] =	vst v60  }
0x4c: {  	s31 =	sor.u32 $0x3E0, s6;
	v62 =	vor.u32 s30, v0;
	[tilespmem:$0xFFE8] =	vst v61  }
0x4d: {  	s6 =	sor.u32 $0x3F0, s6;
	v63 =	vor.u32 s31, v0;
	[tilespmem:$0xFFF8] =	vst v62  }
0x4e: {  	v0 =	vor.u32 s6, v0;
	[tilespmem:$0x10008] =	vst v63  }
0x4f: {  	s7 =	simm.s32 $0xFC28;
	s6 =	simm.s32 $0x400;
	[tilespmem:$0x10018] =	vst v0  }
0x50: {  	[spmem:s2] =	stream.indirect.scatter [tilespmem:s7], [sflag:$0x1], $0x1, s3, s6, $0xb8;
	[tilespmem:$0x10828] =	vst v63  }
0x51: {  	_ =	swait.ge [sflag:s4], $0x400  }
0x52: {  	s5 =	sadd.s32 s8, s5;
	[sflag:s4] =	ssyncset.done $0x0  }
0x53: {  	s8 =	simm.s32 $0x4;
	s5 =	sadd.s32 $0x1000, s5;
	[sflag:s4] =	ssyncadd.s32 $0xFFFFFC00  }
0x54: {  	s9 =	simm.s32 $0x10028;
	s10 =	simm.s32 $0x10428;
	[bflag:$0x0] =	sbarrier.arrive $0xFFFF  }
.LBB2_2:
0x55: {  	[tilespmem:s9], [sflag:$0x1] =	stream.indirect.gather [spmem:s2], $0x1, s3, s6, $0xb8;
	[tilespmem:$0x10828] =	vst v63  }
0x56: {  	_ =	swait.ge [sflag:s4], $0x400  }
0x57: {  	[sflag:s4] =	ssyncset.done $0x0  }
0x58: {  	[sflag:s4] =	ssyncadd.s32 $0xFFFFFC00  }
0x59: {  	v31 =	vld [tilespmem:$0x10028]  }
0x5a: {  	v0 =	vld [tilespmem:$0xFC28]  }
0x5b: {  	v35 =	vld [tilespmem:$0xF828]  }
0x5c: {  	v32 =	vld [tilespmem:$0x10038]  }
0x5d: {  	v1 =	vld [tilespmem:$0xFC38]  }
0x5e: {  	v41 =	vld [tilespmem:$0xF838]  }
0x5f: {  	v38 =	vld [tilespmem:$0x10048]  }
0x60: {  	v2 =	vld [tilespmem:$0xFC48]  }
0x61: {  	v45 =	vld [tilespmem:$0xF848]  }
0x62: {  	v44 =	vld [tilespmem:$0x10058]  }
0x63: {  	v3 =	vld [tilespmem:$0xFC58]  }
0x64: {  	v48 =	vld [tilespmem:$0xF858]  }
0x65: {  	v46 =	vld [tilespmem:$0x10068]  }
0x66: {  	v4 =	vld [tilespmem:$0xFC68]  }
0x67: {  	v49 =	vld [tilespmem:$0xF868]  }
0x68: {  	v50 =	vld [tilespmem:$0x10078]  }
0x69: {  	v5 =	vld [tilespmem:$0xFC78]  }
0x6a: {  	v53 =	vld [tilespmem:$0xF878]  }
0x6b: {  	v52 =	vld [tilespmem:$0x10088]  }
0x6c: {  	v6 =	vld [tilespmem:$0xFC88]  }
0x6d: {  	v55 =	vld [tilespmem:$0xF888]  }
0x6e: {  	v56 =	vld [tilespmem:$0x10098]  }
0x6f: {  	v7 =	vld [tilespmem:$0xFC98]  }
0x70: {  	v57 =	vld [tilespmem:$0xF898]  }
0x71: {  	v59 =	vld [tilespmem:$0x100A8]  }
0x72: {  	v8 =	vld [tilespmem:$0xFCA8]  }
0x73: {  	v62 =	vld [tilespmem:$0xF8A8]  }
0x74: {  	v60 =	vld [tilespmem:$0x100B8]  }
0x75: {  	v9 =	vld [tilespmem:$0xFCB8]  }
0x76: {  	v10 =	vld [tilespmem:$0xF8B8]  }
0x77: {  	v27 =	vld [tilespmem:$0x100C8]  }
0x78: {  	v11 =	vld [tilespmem:$0xF8C8]  }
0x79: {  	v28 =	vld [tilespmem:$0x100D8]  }
0x7a: {  	v12 =	vld [tilespmem:$0xF8D8]  }
0x7b: {  	v29 =	vld [tilespmem:$0x100E8]  }
0x7c: {  	v13 =	vld [tilespmem:$0xF8E8]  }
0x7d: {  	v30 =	vld [tilespmem:$0x100F8]  }
0x7e: {  	v14 =	vld [tilespmem:$0xF8F8]  }
0x7f: {  	v33 =	vld [tilespmem:$0x10108]  }
0x80: {  	v15 =	vld [tilespmem:$0xF908]  }
0x81: {  	v34 =	vld [tilespmem:$0x10118]  }
0x82: {  	v16 =	vld [tilespmem:$0xF918]  }
0x83: {  	v36 =	vld [tilespmem:$0x10128]  }
0x84: {  	v17 =	vld [tilespmem:$0xF928]  }
0x85: {  	v37 =	vld [tilespmem:$0x10138]  }
0x86: {  	v18 =	vld [tilespmem:$0xF938]  }
0x87: {  	v39 =	vld [tilespmem:$0x10148]  }
0x88: {  	v19 =	vld [tilespmem:$0xF948]  }
0x89: {  	v40 =	vld [tilespmem:$0x10158]  }
0x8a: {  	v20 =	vld [tilespmem:$0xF958]  }
0x8b: {  	v42 =	vld [tilespmem:$0x10168]  }
0x8c: {  	v21 =	vld [tilespmem:$0xF968]  }
0x8d: {  	v43 =	vld [tilespmem:$0x10178]  }
0x8e: {  	v22 =	vld [tilespmem:$0xF978]  }
0x8f: {  	v47 =	vld [tilespmem:$0x10188]  }
0x90: {  	v23 =	vld [tilespmem:$0xF988]  }
0x91: {  	v51 =	vld [tilespmem:$0x10198]  }
0x92: {  	v24 =	vld [tilespmem:$0xF998]  }
0x93: {  	v54 =	vld [tilespmem:$0x101A8]  }
0x94: {  	v25 =	vld [tilespmem:$0xF9A8]  }
0x95: {  	v58 =	vld [tilespmem:$0x101B8]  }
0x96: {  	v26 =	vld [tilespmem:$0xF9B8]  }
0x97: {  	v61 =	vld [tilespmem:$0x101C8]  }
0x98: {  	v63 =	vld [tilespmem:$0x101D8]  }
0x99: {  	[tilespmem:$0x1FBB0] =	vst v10;
	v10 =	vld [tilespmem:$0xFCC8]  }
0x9a: {  	[tilespmem:$0x1FBD0] =	vst v11;
	v11 =	vld [tilespmem:$0xFCD8]  }
0x9b: {  	[tilespmem:$0x1FBF0] =	vst v12;
	v12 =	vld [tilespmem:$0xFCE8]  }
0x9c: {  	[tilespmem:$0x1FC10] =	vst v13;
	v13 =	vld [tilespmem:$0xFCF8]  }
0x9d: {  	[tilespmem:$0x1FC30] =	vst v14;
	v14 =	vld [tilespmem:$0xFD08]  }
0x9e: {  	[tilespmem:$0x1FC50] =	vst v15;
	v15 =	vld [tilespmem:$0xFD18]  }
0x9f: {  	[tilespmem:$0x1FC70] =	vst v16;
	v16 =	vld [tilespmem:$0xFD28]  }
0xa0: {  	[tilespmem:$0x1FC90] =	vst v17;
	v17 =	vld [tilespmem:$0xFD38]  }
0xa1: {  	[tilespmem:$0x1FCB0] =	vst v18;
	v18 =	vld [tilespmem:$0xFD48]  }
0xa2: {  	[tilespmem:$0x1FCD0] =	vst v19;
	v19 =	vld [tilespmem:$0xFD58]  }
0xa3: {  	[tilespmem:$0x1FCF0] =	vst v20;
	v20 =	vld [tilespmem:$0xFD68]  }
0xa4: {  	[tilespmem:$0x1FD10] =	vst v21;
	v21 =	vld [tilespmem:$0xFD78]  }
0xa5: {  	[tilespmem:$0x1FD30] =	vst v22;
	v22 =	vld [tilespmem:$0xFD88]  }
0xa6: {  	[tilespmem:$0x1FD50] =	vst v23;
	v23 =	vld [tilespmem:$0xFD98]  }
0xa7: {  	[tilespmem:$0x1FD70] =	vst v24;
	v24 =	vld [tilespmem:$0xFDA8]  }
0xa8: {  	[tilespmem:$0x1FD90] =	vst v25;
	v25 =	vld [tilespmem:$0xFDB8]  }
0xa9: {  	[tilespmem:$0x1FDB0] =	vst v26;
	v26 =	vld [tilespmem:$0xFDC8]  }
0xaa: {  	[tilespmem:$0x1FBC0] =	vst v27;
	v27 =	vld [tilespmem:$0xF9C8]  }
0xab: {  	[tilespmem:$0x1FDC0] =	vst v61;
	v61 =	vld [tilespmem:$0xFDD8]  }
0xac: {  	[tilespmem:$0x1FC20] =	vst v30;
	v30 =	vld [tilespmem:$0xF9D8]  }
0xad: {  	[tilespmem:$0x1FC40] =	vst v33;
	v33 =	vld [tilespmem:$0x101E8]  }
0xae: {  	[tilespmem:$0x1FDA0] =	vst v58;
	v58 =	vld [tilespmem:$0xFDE8]  }
0xaf: {  	[tilespmem:$0x1FC60] =	vst v34;
	v34 =	vld [tilespmem:$0xF9E8]  }
0xb0: {  	[tilespmem:$0x1FC80] =	vst v36;
	v36 =	vld [tilespmem:$0x101F8]  }
0xb1: {  	[tilespmem:$0x1FD80] =	vst v54;
	v54 =	vld [tilespmem:$0xFDF8]  }
0xb2: {  	[tilespmem:$0x1FCA0] =	vst v37;
	v37 =	vld [tilespmem:$0xF9F8]  }
0xb3: {  	[tilespmem:$0x1FCC0] =	vst v39;
	v39 =	vld [tilespmem:$0x10208]  }
0xb4: {  	[tilespmem:$0x1FD60] =	vst v51;
	v51 =	vld [tilespmem:$0xFE08]  }
0xb5: {  	[tilespmem:$0x1FCE0] =	vst v40;
	v40 =	vld [tilespmem:$0xFA08]  }
0xb6: {  	[tilespmem:$0x1FD00] =	vst v42;
	v42 =	vld [tilespmem:$0x10218]  }
0xb7: {  	[tilespmem:$0x1FD40] =	vst v47;
	v47 =	vld [tilespmem:$0xFE18]  }
0xb8: {  	[tilespmem:$0x1FD20] =	vst v43;
	v43 =	vld [tilespmem:$0xFA18]  }
0xb9: {  	[tilespmem:$0x1FDE0] =	vst v63;
	v63 =	vld [tilespmem:$0x10228]  }
0xba: {  	[tilespmem:$0x1FC00] =	vst v29;
	v29 =	vld [tilespmem:$0xFE68]  }
0xbb: {  	[tilespmem:$0x1FBE0] =	vst v28;
	v28 =	vld [tilespmem:$0xFA78]  }
0xbc: {  	vm0 =	vlt.s32 v31, v0;
	v31 =	vld [tilespmem:$0xFEE8]  }
0xbd: {  	v0 =	vadd.s32 $0xF4240, v0;
	vm14 =	vlt.s32 v38, v2;
	v38 =	vld [tilespmem:$0x102F8]  }
0xbe: {  	vm13 =	vlt.s32 v32, v1;
	v0 =	vsel vm0, v35, v0;
	v35 =	vld [tilespmem:$0xFAE8]  }
0xbf: {  	v1 =	vadd.s32 $0xF4240, v1;
	vm5 =	vlt.s32 v50, v5;
	vm9 =	vlt.s32 v60, v9;
	v60 =	vld [tilespmem:$0x1FBB0]  }
0xc0: {  	vm6 =	vlt.s32 v52, v6;
	v50 =	vadd.s32 $0xF4240, v6;
	vm7 =	vlt.s32 v56, v7;
	v6 =	vld [tilespmem:$0x1FBE0]  }
0xc1: {  	vm8 =	vlt.s32 v59, v8;
	v56 =	vadd.s32 $0xF4240, v8;
	v59 =	vadd.s32 $0xF4240, v9;
	v8 =	vld [tilespmem:$0x1FBF0]  }
0xc2: {  	v52 =	vsel vm6, v55, v50;
	v9 =	vld [tilespmem:$0x1FC00];
	[tilespmem:$0x10428] =	vst v0;
	v0 =	vsel vm13, v41, v1;
	v41 =	vadd.s32 $0xF4240, v2  }
0xc3: {  	[tilespmem:$0x10488] =	vst v52;
	v52 =	vld [tilespmem:$0x1FC30];
	v32 =	vsel vm14, v45, v41  }
0xc4: {  	vm15 =	vlt.s32 v44, v3;
	v41 =	vadd.s32 $0xF4240, v3;
	[tilespmem:$0x10448] =	vst v32;
	v32 =	vld [tilespmem:$0xFEF8]  }
0xc5: {  	vm4 =	vlt.s32 v46, v4;
	v45 =	vadd.s32 $0xF4240, v4;
	v44 =	vsel vm15, v48, v41;
	v41 =	vld [tilespmem:$0xFAF8]  }
0xc6: {  	v46 =	vsel vm4, v49, v45;
	v45 =	vld [tilespmem:$0x10308]  }
0xc7: {  	v48 =	vadd.s32 $0xF4240, v5;
	v5 =	vld [tilespmem:$0x1FBD0]  }
0xc8: {  	[tilespmem:$0x1FE70] =	vst v43;
	v43 =	vld [tilespmem:$0xFE28]  }
0xc9: {  	[tilespmem:$0x1FDF0] =	vst v30;
	v30 =	vld [tilespmem:$0xFA28]  }
0xca: {  	[tilespmem:$0x1FE00] =	vst v33;
	v33 =	vld [tilespmem:$0x10238]  }
0xcb: {  	[tilespmem:$0x1FE50] =	vst v40;
	v40 =	vld [tilespmem:$0xFE38]  }
0xcc: {  	[tilespmem:$0x1FE10] =	vst v34;
	v34 =	vld [tilespmem:$0xFA38]  }
0xcd: {  	[tilespmem:$0x1FE20] =	vst v36;
	v36 =	vld [tilespmem:$0x10248]  }
0xce: {  	[tilespmem:$0x1FE30] =	vst v37;
	v37 =	vld [tilespmem:$0xFA48]  }
0xcf: {  	[tilespmem:$0x1FE40] =	vst v39;
	v39 =	vld [tilespmem:$0x10258]  }
0xd0: {  	[tilespmem:$0x1FE60] =	vst v42;
	v42 =	vld [tilespmem:$0xFA58]  }
0xd1: {  	[tilespmem:$0x1FE80] =	vst v63;
	v63 =	vld [tilespmem:$0x10268]  }
0xd2: {  	[tilespmem:$0x1FDD0] =	vst v27;
	v27 =	vld [tilespmem:$0xFE78]  }
0xd3: {  	[tilespmem:$0x1FF30] =	vst v28;
	v28 =	vld [tilespmem:$0xFE88]  }
0xd4: {  	[tilespmem:$0x10458] =	vst v44;
	v44 =	vld [tilespmem:$0xFF08]  }
0xd5: {  	[tilespmem:$0x10468] =	vst v46;
	v46 =	vld [tilespmem:$0xFB08]  }
0xd6: {  	v49 =	vsel vm5, v53, v48;
	v53 =	vadd.s32 $0xF4240, v7;
	v48 =	vld [tilespmem:$0x10318]  }
0xd7: {  	v55 =	vsel vm7, v57, v53;
	v57 =	vsel vm8, v62, v56;
	v62 =	vld [tilespmem:$0x1FBC0]  }
0xd8: {  	[tilespmem:$0x10478] =	vst v49;
	v49 =	vld [tilespmem:$0xFB18]  }
0xd9: {  	v53 =	vld [tilespmem:$0x10328]  }
0xda: {  	v7 =	vadd.s32 $0xF4240, v11;
	vm11 =	vlt.s32 v6, v11;
	v11 =	vld [tilespmem:$0x1FC10]  }
0xdb: {  	[tilespmem:$0x10438] =	vst v0;
	v0 =	vsel vm9, v60, v59;
	v59 =	vld [tilespmem:$0x1FC60]  }
0xdc: {  	v6 =	vld [tilespmem:$0x1FC70]  }
0xdd: {  	vm12 =	vlt.s32 v9, v12;
	v9 =	vld [tilespmem:$0x1FC90]  }
0xde: {  	[tilespmem:$0x10498] =	vst v55;
	v55 =	vld [tilespmem:$0x1FC40]  }
0xdf: {  	[tilespmem:$0x104A8] =	vst v57;
	v57 =	vld [tilespmem:$0x1FC50]  }
0xe0: {  	[tilespmem:$0x1FEC0] =	vst v36;
	v36 =	vld [tilespmem:$0xFE48]  }
0xe1: {  	[tilespmem:$0x1FEA0] =	vst v33;
	v33 =	vld [tilespmem:$0xFE58]  }
0xe2: {  	[tilespmem:$0x1FE90] =	vst v30;
	v30 =	vld [tilespmem:$0xFA68]  }
0xe3: {  	[tilespmem:$0x1FEB0] =	vst v34;
	v34 =	vld [tilespmem:$0x10278]  }
0xe4: {  	[tilespmem:$0x1FED0] =	vst v37;
	v37 =	vld [tilespmem:$0x10288]  }
0xe5: {  	[tilespmem:$0x1FEE0] =	vst v39;
	v39 =	vld [tilespmem:$0x10298]  }
0xe6: {  	[tilespmem:$0x1FEF0] =	vst v42;
	v42 =	vld [tilespmem:$0x102A8]  }
0xe7: {  	[tilespmem:$0x1FF00] =	vst v63;
	v63 =	vld [tilespmem:$0x102B8]  }
0xe8: {  	vm10 =	vlt.s32 v62, v10;
	v62 =	vld [tilespmem:$0xFF18]  }
0xe9: {  	v4 =	vadd.s32 $0xF4240, v10;
	v10 =	vadd.s32 $0xF4240, v12;
	v12 =	vld [tilespmem:$0x1FC20]  }
0xea: {  	v60 =	vadd.s32 $0xF4240, v15;
	vm15 =	vlt.s32 v59, v15;
	v15 =	vld [tilespmem:$0x1FCC0]  }
0xeb: {  	v59 =	vld [tilespmem:$0x1FD20]  }
0xec: {  	[tilespmem:$0x104B8] =	vst v0;
	v0 =	vsel vm10, v5, v4;
	v5 =	vld [tilespmem:$0x10338]  }
0xed: {  	v56 =	vadd.s32 $0xF4240, v14;
	vm14 =	vlt.s32 v55, v14;
	v14 =	vld [tilespmem:$0x1FCB0]  }
0xee: {  	v55 =	vld [tilespmem:$0x1FD00]  }
0xef: {  	v1 =	vsel vm15, v6, v60;
	[tilespmem:$0x104C8] =	vst v0;
	v0 =	vsel vm11, v8, v7;
	v7 =	vld [tilespmem:$0x1FC80]  }
0xf0: {  	[tilespmem:$0x10518] =	vst v1;
	v1 =	vld [tilespmem:$0xFB38]  }
0xf1: {  	[tilespmem:$0x104D8] =	vst v0;
	v0 =	vsel vm12, v11, v10;
	v10 =	vld [tilespmem:$0xFB28]  }
0xf2: {  	v11 =	vld [tilespmem:$0x1FCA0]  }
0xf3: {  	[tilespmem:$0x1FF10] =	vst v30;
	v30 =	vld [tilespmem:$0xFA88]  }
0xf4: {  	[tilespmem:$0x1FF20] =	vst v34;
	v34 =	vld [tilespmem:$0xFA98]  }
0xf5: {  	[tilespmem:$0x1FF40] =	vst v37;
	v37 =	vld [tilespmem:$0xFAA8]  }
0xf6: {  	[tilespmem:$0x1FF60] =	vst v39;
	v39 =	vld [tilespmem:$0xFAB8]  }
0xf7: {  	[tilespmem:$0x1FF80] =	vst v42;
	v42 =	vld [tilespmem:$0x102C8]  }
0xf8: {  	[tilespmem:$0x1FFA0] =	vst v63;
	v63 =	vld [tilespmem:$0x102D8]  }
0xf9: {  	vm13 =	vlt.s32 v12, v13;
	v12 =	vld [tilespmem:$0xFF28]  }
0xfa: {  	vm6 =	vlt.s32 v15, v18;
	v15 =	vld [tilespmem:$0x1FD50]  }
0xfb: {  	v60 =	vadd.s32 $0xF4240, v21;
	vm9 =	vlt.s32 v59, v21;
	v21 =	vld [tilespmem:$0x1FD90]  }
0xfc: {  	v50 =	vadd.s32 $0xF4240, v13;
	v59 =	vld [tilespmem:$0x1FE10]  }
0xfd: {  	[tilespmem:$0x104E8] =	vst v0;
	v0 =	vsel vm13, v52, v50;
	v52 =	vld [tilespmem:$0x1FCF0]  }
0xfe: {  	v8 =	vadd.s32 $0xF4240, v16;
	vm4 =	vlt.s32 v7, v16;
	v16 =	vadd.s32 $0xF4240, v18;
	v18 =	vld [tilespmem:$0x1FCE0]  }
0xff: {  	[tilespmem:$0x104F8] =	vst v0;
	v0 =	vsel vm14, v57, v56;
	v57 =	vld [tilespmem:$0x1FD10]  }
0x100: {  	[tilespmem:$0x10508] =	vst v0;
	v0 =	vld [tilespmem:$0xFF38]  }
0x101: {  	v13 =	vadd.s32 $0xF4240, v17;
	vm5 =	vlt.s32 v11, v17;
	v17 =	vld [tilespmem:$0x1FCD0]  }
0x102: {  	v11 =	vld [tilespmem:$0x1FD30]  }
0x103: {  	[tilespmem:$0x1FF50] =	vst v30;
	v30 =	vld [tilespmem:$0xFE98]  }
0x104: {  	[tilespmem:$0x1FF70] =	vst v34;
	v34 =	vld [tilespmem:$0xFEA8]  }
0x105: {  	[tilespmem:$0x1FF90] =	vst v37;
	v37 =	vld [tilespmem:$0xFEB8]  }
0x106: {  	[tilespmem:$0x1FFB0] =	vst v39;
	v39 =	vld [tilespmem:$0xFEC8]  }
0x107: {  	[tilespmem:$0x1FFC0] =	vst v42;
	v42 =	vld [tilespmem:$0xFAC8]  }
0x108: {  	v2 =	vsel vm4, v9, v8;
	[tilespmem:$0x1FFE0] =	vst v63;
	v63 =	vld [tilespmem:$0xFAD8]  }
0x109: {  	[tilespmem:$0x10528] =	vst v2;
	v2 =	vld [tilespmem:$0x10348]  }
0x10a: {  	v3 =	vsel vm5, v14, v13;
	v13 =	vld [tilespmem:$0x1FD40]  }
0x10b: {  	[tilespmem:$0x10538] =	vst v3;
	v3 =	vld [tilespmem:$0xFF48]  }
0x10c: {  	vm7 =	vlt.s32 v18, v19;
	v18 =	vld [tilespmem:$0x1FD70]  }
0x10d: {  	v50 =	vadd.s32 $0xF4240, v19;
	vm8 =	vlt.s32 v55, v20;
	v56 =	vadd.s32 $0xF4240, v20;
	v19 =	vld [tilespmem:$0x1FD80]  }
0x10e: {  	v7 =	vsel vm8, v57, v56;
	v56 =	vld [tilespmem:$0x1FDF0]  }
0x10f: {  	v57 =	vld [tilespmem:$0x1FE00]  }
0x110: {  	[tilespmem:$0x10568] =	vst v7;
	v7 =	vld [tilespmem:$0xFF58]  }
0x111: {  	v4 =	vsel vm6, v17, v16;
	v16 =	vld [tilespmem:$0x1FD60]  }
0x112: {  	v6 =	vsel vm7, v52, v50;
	v50 =	vld [tilespmem:$0x1FDD0]  }
0x113: {  	v52 =	vld [tilespmem:$0x1FDE0]  }
0x114: {  	v8 =	vsel vm9, v11, v60;
	v60 =	vld [tilespmem:$0x1FE20]  }
0x115: {  	[tilespmem:$0x1FFD0] =	vst v42;
	v42 =	vld [tilespmem:$0xFED8]  }
0x116: {  	[tilespmem:$0x1FFF0] =	vst v63;
	v63 =	vld [tilespmem:$0x102E8]  }
0x117: {  	[tilespmem:$0x10548] =	vst v4;
	v4 =	vld [tilespmem:$0xFB48]  }
0x118: {  	[tilespmem:$0x10558] =	vst v6;
	v6 =	vld [tilespmem:$0x10358]  }
0x119: {  	[tilespmem:$0x10578] =	vst v8;
	v8 =	vld [tilespmem:$0xFB58]  }
0x11a: {  	v14 =	vadd.s32 $0xF4240, v22;
	vm10 =	vlt.s32 v13, v22;
	v22 =	vld [tilespmem:$0x1FDA0]  }
0x11b: {  	v9 =	vsel vm10, v15, v14;
	v15 =	vld [tilespmem:$0x103E8]  }
0x11c: {  	[tilespmem:$0x10588] =	vst v9;
	v9 =	vld [tilespmem:$0x10368]  }
0x11d: {  	v20 =	vadd.s32 $0xF4240, v24;
	vm12 =	vlt.s32 v19, v24;
	v24 =	vld [tilespmem:$0x1FDB0]  }
0x11e: {  	v19 =	vld [tilespmem:$0x1FE30]  }
0x11f: {  	vm4 =	vlt.s32 v57, v58;
	v57 =	vld [tilespmem:$0x1FEE0]  }
0x120: {  	vm11 =	vlt.s32 v16, v23;
	v16 =	vld [tilespmem:$0x10378]  }
0x121: {  	v13 =	vsel vm12, v21, v20;
	v20 =	vld [tilespmem:$0x1FE40]  }
0x122: {  	vm15 =	vlt.s32 v52, v61;
	v52 =	vld [tilespmem:$0x1FEB0]  }
0x123: {  	v55 =	vadd.s32 $0xF4240, v61;
	vm5 =	vlt.s32 v60, v54;
	v61 =	vadd.s32 $0xF4240, v54;
	v54 =	vld [tilespmem:$0x1FEC0]  }
0x124: {  	v60 =	vld [tilespmem:$0x1FF00]  }
0x125: {  	v17 =	vadd.s32 $0xF4240, v23;
	v23 =	vadd.s32 $0xF4240, v25;
	vm13 =	vlt.s32 v22, v25;
	v25 =	vld [tilespmem:$0x1FDC0]  }
0x126: {  	[tilespmem:$0x105A8] =	vst v13;
	v13 =	vld [tilespmem:$0xFB68]  }
0x127: {  	v11 =	vsel vm11, v18, v17;
	v17 =	vld [tilespmem:$0xFF78]  }
0x128: {  	v18 =	vld [tilespmem:$0xFB78]  }
0x129: {  	v22 =	vld [tilespmem:$0x1FE50]  }
0x12a: {  	[tilespmem:$0x10598] =	vst v11;
	v11 =	vld [tilespmem:$0xFF68]  }
0x12b: {  	v14 =	vsel vm13, v24, v23;
	v23 =	vld [tilespmem:$0x1FE60]  }
0x12c: {  	vm11 =	vlt.s32 v57, v33;
	v57 =	vld [tilespmem:$0x1FFA0]  }
0x12d: {  	vm6 =	vlt.s32 v20, v51;
	v20 =	vld [tilespmem:$0xFF88]  }
0x12e: {  	vm10 =	vlt.s32 v54, v36;
	v54 =	vld [tilespmem:$0x1FF80]  }
0x12f: {  	vm12 =	vlt.s32 v60, v29;
	v60 =	vld [tilespmem:$0x1FFC0]  }
0x130: {  	vm14 =	vlt.s32 v25, v26;
	v26 =	vadd.s32 $0xF4240, v26;
	v25 =	vld [tilespmem:$0x1FE70]  }
0x131: {  	[tilespmem:$0x105B8] =	vst v14;
	v14 =	vsel vm14, v50, v26;
	v26 =	vld [tilespmem:$0x1FE80]  }
0x132: {  	v50 =	vld [tilespmem:$0x1FEA0]  }
0x133: {  	[tilespmem:$0x105C8] =	vst v14;
	v14 =	vsel vm15, v56, v55;
	v56 =	vld [tilespmem:$0x1FED0]  }
0x134: {  	v55 =	vadd.s32 $0xF4240, v36;
	v36 =	vld [tilespmem:$0x1FF30]  }
0x135: {  	v24 =	vadd.s32 $0xF4240, v47;
	vm7 =	vlt.s32 v23, v47;
	v47 =	vld [tilespmem:$0x1FE90]  }
0x136: {  	v58 =	vadd.s32 $0xF4240, v58;
	v23 =	vld [tilespmem:$0xFF98]  }
0x137: {  	[tilespmem:$0x105D8] =	vst v14;
	v14 =	vsel vm4, v59, v58;
	v59 =	vld [tilespmem:$0x1FEF0]  }
0x138: {  	[tilespmem:$0x105E8] =	vst v14;
	v14 =	vsel vm5, v19, v61;
	v19 =	vld [tilespmem:$0x10388]  }
0x139: {  	v61 =	vadd.s32 $0xF4240, v29;
	v29 =	vld [tilespmem:$0x1FF20]  }
0x13a: {  	v21 =	vadd.s32 $0xF4240, v51;
	vm5 =	vlt.s32 v57, v37;
	v57 =	vld [tilespmem:$0xFBE8]  }
0x13b: {  	[tilespmem:$0x105F8] =	vst v14;
	v14 =	vsel vm6, v22, v21;
	v21 =	vld [tilespmem:$0xFB88]  }
0x13c: {  	v22 =	vld [tilespmem:$0x10398]  }
0x13d: {  	vm6 =	vlt.s32 v60, v39;
	v60 =	vld [tilespmem:$0x103F8]  }
0x13e: {  	[tilespmem:$0x10608] =	vst v14;
	v14 =	vsel vm7, v25, v24;
	v24 =	vld [tilespmem:$0xFB98]  }
0x13f: {  	v25 =	vld [tilespmem:$0x103A8]  }
0x140: {  	vm8 =	vlt.s32 v26, v43;
	v26 =	vld [tilespmem:$0x1FF10]  }
0x141: {  	v51 =	vadd.s32 $0xF4240, v40;
	vm9 =	vlt.s32 v50, v40;
	v40 =	vld [tilespmem:$0x1FF40]  }
0x142: {  	v43 =	vadd.s32 $0xF4240, v43;
	v50 =	vld [tilespmem:$0x1FF60]  }
0x143: {  	[tilespmem:$0x10618] =	vst v14;
	v14 =	vsel vm8, v47, v43;
	v47 =	vld [tilespmem:$0x1FF50]  }
0x144: {  	v58 =	vadd.s32 $0xF4240, v33;
	vm8 =	vlt.s32 v63, v31;
	v63 =	vld [tilespmem:$0xFFF8];
	[tilespmem:$0x10628] =	vst v14;
	v14 =	vsel vm9, v52, v51  }
0x145: {  	v33 =	vadd.s32 $0xF4240, v27;
	vm13 =	vlt.s32 v29, v27;
	v27 =	vld [tilespmem:$0xFBA8];
	[tilespmem:$0x10638] =	vst v14;
	v14 =	vsel vm10, v56, v55  }
0x146: {  	vm4 =	vlt.s32 v54, v34;
	v52 =	vld [tilespmem:$0x1FF70];
	[tilespmem:$0x10648] =	vst v14;
	v14 =	vsel vm11, v59, v58  }
0x147: {  	v43 =	vadd.s32 $0xF4240, v28;
	v51 =	vadd.s32 $0xF4240, v30;
	v29 =	vld [tilespmem:$0xFFB8];
	[tilespmem:$0x10658] =	vst v14;
	v14 =	vsel vm12, v26, v61  }
0x148: {  	v56 =	vld [tilespmem:$0x1FF90];
	vm12 =	vlt.s32 v53, v12;
	v12 =	vadd.s32 $0xF4240, v12;
	[tilespmem:$0x10668] =	vst v14;
	v14 =	vsel vm13, v36, v33  }
0x149: {  	v55 =	vadd.s32 $0xF4240, v34;
	v34 =	vld [tilespmem:$0xFFC8];
	vm14 =	vlt.s32 v40, v28;
	v10 =	vsel vm12, v10, v12;
	[tilespmem:$0x10678] =	vst v14  }
0x14a: {  	v28 =	vld [tilespmem:$0x103B8];
	vm13 =	vlt.s32 v5, v0;
	v0 =	vadd.s32 $0xF4240, v0;
	v14 =	vsel vm14, v47, v43;
	[tilespmem:$0x10728] =	vst v10  }
0x14b: {  	vm9 =	vlt.s32 v38, v32;
	vm15 =	vlt.s32 v50, v30;
	v59 =	vld [tilespmem:$0x1FFB0];
	v0 =	vsel vm13, v1, v0;
	[tilespmem:$0x10688] =	vst v14  }
0x14c: {  	v58 =	vadd.s32 $0xF4240, v37;
	v37 =	vld [tilespmem:$0x1FFE0];
	v47 =	vadd.s32 $0xF4240, v32;
	v14 =	vsel vm15, v52, v51;
	[tilespmem:$0x10738] =	vst v0  }
0x14d: {  	v30 =	vld [tilespmem:$0xFBB8];
	v50 =	vsel vm9, v41, v47;
	[tilespmem:$0x10698] =	vst v14  }
0x14e: {  	vm10 =	vlt.s32 v45, v44;
	v40 =	vld [tilespmem:$0x1FFF0];
	v51 =	vadd.s32 $0xF4240, v44;
	v14 =	vsel vm4, v56, v55;
	[tilespmem:$0x106F8] =	vst v50  }
0x14f: {  	v54 =	vadd.s32 $0xF4240, v62;
	vm11 =	vlt.s32 v48, v62;
	v48 =	vld [tilespmem:$0x10418];
	v52 =	vsel vm10, v46, v51;
	[tilespmem:$0x106A8] =	vst v14  }
0x150: {  	v61 =	vadd.s32 $0xF4240, v39;
	v39 =	vadd.s32 $0xF4240, v42;
	v36 =	vld [tilespmem:$0x1FFD0];
	v55 =	vsel vm11, v49, v54;
	[tilespmem:$0x10708] =	vst v52  }
0x151: {  	v26 =	vld [tilespmem:$0xFFA8];
	vm7 =	vlt.s32 v37, v42;
	v42 =	vadd.s32 $0xF4240, v31;
	v14 =	vsel vm5, v59, v58;
	[tilespmem:$0x10718] =	vst v55  }
0x152: {  	v33 =	vld [tilespmem:$0x103C8];
	vm14 =	vlt.s32 v2, v3;
	v56 =	vadd.s32 $0xF4240, v3;
	v43 =	vsel vm8, v35, v42;
	[tilespmem:$0x106B8] =	vst v14  }
0x153: {  	v5 =	vld [tilespmem:$0xFFE8];
	v47 =	vadd.s32 $0xF4240, v29;
	vm9 =	vlt.s32 v28, v29;
	v58 =	vsel vm14, v4, v56;
	[tilespmem:$0x106E8] =	vst v43  }
0x154: {  	v32 =	vld [tilespmem:$0x103D8];
	v49 =	vsel vm9, v30, v47;
	[tilespmem:$0x10748] =	vst v58  }
0x155: {  	vm15 =	vlt.s32 v6, v7;
	v31 =	vld [tilespmem:$0xFBC8];
	v59 =	vadd.s32 $0xF4240, v7;
	v14 =	vsel vm6, v36, v61;
	[tilespmem:$0x107B8] =	vst v49  }
0x156: {  	v51 =	vld [tilespmem:$0x10018];
	vm5 =	vlt.s32 v16, v17;
	v16 =	vadd.s32 $0xF4240, v17;
	v61 =	vsel vm15, v8, v59;
	[tilespmem:$0x106C8] =	vst v14  }
0x157: {  	v54 =	vld [tilespmem:$0xFC18];
	vm8 =	vlt.s32 v25, v26;
	v44 =	vadd.s32 $0xF4240, v26;
	v37 =	vsel vm5, v18, v16;
	[tilespmem:$0x10758] =	vst v61  }
0x158: {  	v35 =	vld [tilespmem:$0xFFD8];
	v46 =	vsel vm8, v27, v44;
	[tilespmem:$0x10778] =	vst v37  }
0x159: {  	v38 =	vadd.s32 $0xF4240, v20;
	v17 =	vld [tilespmem:$0xFBF8];
	vm6 =	vlt.s32 v19, v20;
	v14 =	vsel vm7, v40, v39;
	[tilespmem:$0x107A8] =	vst v46  }
0x15a: {  	v42 =	vld [tilespmem:$0x10008];
	vm12 =	vlt.s32 v15, v5;
	v56 =	vadd.s32 $0xF4240, v5;
	v40 =	vsel vm6, v21, v38;
	[tilespmem:$0x106D8] =	vst v14  }
0x15b: {  	v62 =	vadd.s32 $0xF4240, v11;
	vm4 =	vlt.s32 v9, v11;
	v36 =	vld [tilespmem:$0xFBD8];
	v57 =	vsel vm12, v57, v56;
	[tilespmem:$0x10788] =	vst v40  }
0x15c: {  	v41 =	vadd.s32 $0xF4240, v23;
	v39 =	vld [tilespmem:$0x10408];
	vm7 =	vlt.s32 v22, v23;
	v14 =	vsel vm4, v13, v62;
	[tilespmem:$0x107E8] =	vst v57  }
0x15d: {  	v45 =	vld [tilespmem:$0xFC08];
	v50 =	vadd.s32 $0xF4240, v34;
	vm10 =	vlt.s32 v33, v34;
	v43 =	vsel vm7, v24, v41;
	[tilespmem:$0x10768] =	vst v14  }
0x15e: {  	vm13 =	vlt.s32 v60, v63;
	v58 =	vadd.s32 $0xF4240, v63;
	[tilespmem:$0x10798] =	vst v43;
	v52 =	vsel vm10, v31, v50  }
0x15f: {  	vm15 =	vlt.s32 v48, v51;
	v62 =	vadd.s32 $0xF4240, v51;
	[tilespmem:$0x107C8] =	vst v52;
	v59 =	vsel vm13, v17, v58  }
0x160: {  	vm11 =	vlt.s32 v32, v35;
	v53 =	vadd.s32 $0xF4240, v35;
	v63 =	vsel vm15, v54, v62;
	[tilespmem:$0x107F8] =	vst v59  }
0x161: {  	v60 =	vadd.s32 $0xF4240, v42;
	v55 =	vsel vm11, v36, v53;
	[tilespmem:$0x10818] =	vst v63;
	vm14 =	vlt.s32 v39, v42  }
0x162: {  	[tilespmem:$0x107D8] =	vst v55;
	v61 =	vsel vm14, v45, v60  }
0x163: {  	p0 =	sne.s32 s8, $0x1;
	[tilespmem:$0x10808] =	vst v61  }
0x164: {  	[spmem:s2] =	stream.indirect.scatter [tilespmem:s7], [sflag:$0x1], $0x1, s10, s6, $0xb8;
	[tilespmem:$0x10828] =	vst v63  }
.Ltmp1:
0x165: {  	_ =	swait.ge [sflag:s4], $0x400;
	(pc) =	sbr.rel @p0 .LBB2_2-.Ltmp1, $4  }
0x166: {  	[sflag:s4] =	ssyncset.done $0x0  }
0x167: {  	[sflag:s4] =	ssyncadd.s32 $0xFFFFFC00  }
0x168: {  	[bflag:$0x0] =	sbarrier.arrive $0xFFFF  }
0x169: {  	s8 =	sadd.s32 $0xFFFFFFFF, s8  }
0x16a: {  	s3 =	simm.s32 $0x400  }
0x16b: {  	s4 =	simm.s32 $0xF828;
	s6 =	simm.s32 $0x10028;
	s30 =	simm.s32 $0x1  }
0x16c: {  	[tilespmem:s6], [sflag:$0x1] =	stream.indirect.gather [spmem:s2], $0x1, s4, s3, $0xb8;
	[tilespmem:$0x10828] =	vst v63  }
0x16d: {  	_ =	swait.ge [sflag:s30], $0x400  }
0x16e: {  	[sflag:s30] =	ssyncset.done $0x0  }
0x16f: {  	s31 =	simm.s32 $0x0;
	[sflag:s30] =	ssyncadd.s32 $0xFFFFFC00  }
0x170: {  	[hbm4b:s5+s31] =	stream.linear.scatter [tilespmem:s6], [sflag:$0x1], $0x400, $0x38;
	[tilespmem:$0x10828] =	vst v63  }
0x171: {  	_ =	swait.ge [sflag:s30], $0x400  }
0x172: {  	[sflag:s30] =	ssyncset.done $0x0  }
0x173: {  	[sflag:s30] =	ssyncadd.s32 $0xFFFFFC00  }
.LBB2_4:
0x174: {  	_ =	sfence.sel $0x180000  }
0x175: {  	[bflag:$0x0] =	sbarrier.arrive $0xFFFF  }
0x176: {  	p0 =	sne.s32 s1, $0x0;
	_ =	strace $0x90000047  }
0x177: {  	s0 =	sadd.s32 @!p0 $0x100000, s0;
	[bflag:$0x2] =	sbarrier.arrive $0xFFFF  }
0x178: {  	[sflag:s0] =	ssyncadd.tile.s32 @!p0 $0x1;
	_ =	shalt  }
.Lfunc_end2:
_tile_overlayer_lowered:
.L_overlay_start_2:
0x179: {  	(tag) =	ssettag $0x2  }
0x17a: {  	s0 =	rddreg [dreg:$0x0];
	s2 =	stileid.u32  }
0x17b: {  	s1 =	rddreg [dreg:$0x1];
	p0 =	sne.s32 s2, $0x0  }
0x17c: {  	s3 =	rddreg [dreg:$0x2];
	[bflag:$0x3] =	sbarrier.arrive $0xFFFF;
	s2 =	simm.s32 @!p0 $0x1C01  }
0x17d: {  	[timem:s3], [sflag:s2] =	dma.local @!p0 [hbm:s0], s1  }
0x17e: {  	s0 =	simm.s32 @!p0 $0x1  }
0x17f: {  	_ =	swait.ge @!p0 [sflag:s0], s1  }
0x180: {  	s1 =	ssub.s32 @!p0 $0x0, s1;
	[sflag:s0] =	ssyncset.done @!p0 $0x0  }
0x181: {  	[sflag:s0] =	ssyncadd.s32 @!p0 s1  }
0x182: {  	[bflag:$0x3] =	sbarrier.arrive $0xFFFF  }
0x183: {  	_ =	shalt  }

// kernel: kernel.8.cloned.1.call-start
scs
__scs_entry_jumppad:
0x0: {  	(pc) =	sbr.rel $0x88, $3  }
0x1: {  	(tag) =	ssettag $0x0;
	lr =	simm.s32 $0x1  }
0x2: {  	[smem:$0x3F9D] =	sst lr;
	_ =	strace $0xD0000000  }
0x3: {  	_ = 	snop  }
0x4: {  	_ = 	snop  }
0x5: {  	_ = 	snop  }
0x6: {  	_ = 	snop  }
0x7: {  	_ = 	snop  }
__scs_overlays_trampoline_lowered:
0x8: {  	[smem:$0x3FAC] =	sst s0  }
0x9: {  	[smem:$0x3FAD] =	sst s1  }
0xa: {  	[smem:$0x3FAE] =	sst s2  }
0xb: {  	[smem:$0x3FAF] =	sst s3  }
0xc: {  	[smem:$0x3FB0] =	sst s4  }
0xd: {  	[smem:$0x3FB1] =	sst s5  }
0xe: {  	[smem:$0x3FB2] =	sst s6  }
0xf: {  	[smem:$0x3FB3] =	sst s7  }
0x10: {  	[smem:$0x3FB4] =	sst s8  }
0x11: {  	[smem:$0x3FB5] =	sst s9;
	s0 =	simm.s32 @!p0 $0x0  }
0x12: {  	s1 =	sld [smem:$0x3F9B];
	s0 =	simm.s32 @p0 $0x1  }
0x13: {  	[smem:$0x3FB6] =	sst s0;
	s0 =	simm.s32 @!p1 $0x0  }
0x14: {  	s2 =	sld [smem:$0x3F9A];
	s0 =	simm.s32 @p1 $0x1  }
0x15: {  	[smem:$0x3FB7] =	sst s0;
	s0 =	simm.s32 @!p2 $0x0  }
0x16: {  	s3 =	sld [smem:$0x3FDB];
	s0 =	simm.s32 @p2 $0x1  }
0x17: {  	s4 =	simm.s32 $0x1BF5;
	[smem:$0x3FB9] =	sst s0  }
0x18: {  	s0 =	sld [smem:$0x3F9C];
	_ =	swait.ge [sflag:s4], $0x0  }
0x19: {  	s7 =	sld [smem:$0x3F9D]  }
0x1a: {  	s8 =	sadd.s32 $0xFFFFE003, lr  }
0x1b: {  	s9 =	sadd.s32 $0xFFFFFEF7, lr;
	s5 =	simm.s32 $0xFFFFFFFF;
	p2 =	slt.u32 s8, $0xFFFFF086  }
0x1c: {  	p1 =	slt.u32 s9, $0xF7A;
	s5 =	simm.s32 @!p2 $0x0  }
0x1d: {  	s5 =	simm.s32 @p1 $0x1;
	p0 =	seq.s32 s7, s2  }
0x1e: {  	s7 =	smul.u32 @!p0 $0xF7A, s2;
	p2 =	seq.s32 @!p0 s5, $0x0  }
0x1f: {  	s9 =	smul.u32 $0xF7A, s1;
	s8 =	simm.s32 @!p0 $0x1BF5;
	p2 =	por !p2, p0  }
0x20: {  	[sflag:s8] =	ssyncset.s32 @!p0 $0xFFFFF086;
	s6 =	sadd.s32 @!p0 s3, s7;
	s7 =	simm.s32 @!p0 $0x108  }
0x21: {  	s3 =	sadd.s32 s3, s9;
	s6 =	sadd.s32 @!p0 $0x88, s6;
	s7 =	simm.s32 @p2 $0x1082  }
0x22: {  	[simem:s7], [sflag:s8] =	dma.local @!p0 [hbm:s6], $0xF7A  }
0x23: {  	s9 =	sor.u32 $0xD0000000, s2;
	s6 =	simm.s32 $0x108;
	_ =	swait.ge @!p0 [sflag:s8], $0x0  }
0x24: {  	s3 =	sadd.s32 $0x88, s3;
	s6 =	simm.s32 @!p1 $0x1082;
	[sflag:s4] =	ssyncset.s32 $0xFFFFF086  }
0x25: {  	[simem:s6], [sflag:s4] =	dma.local [hbm:s3], $0xF7A  }
0x26: {  	[smem:$0x3F9D] =	sst s1;
	(tag) =	ssettag s2;
	_ =	strace s9  }
0x27: {  	s1 =	sld [smem:$0x3FAD]  }
0x28: {  	s2 =	sld [smem:$0x3FAE]  }
0x29: {  	s4 =	sld [smem:$0x3FB0]  }
0x2a: {  	p0 =	seq.s32 s5, $0x0;
	s5 =	sld [smem:$0x3FB1]  }
0x2b: {  	s6 =	sld [smem:$0x3FB2]  }
0x2c: {  	s7 =	sld [smem:$0x3FB3]  }
0x2d: {  	s3 =	simm.s32 $0x108;
	s8 =	sld [smem:$0x3FB4]  }
0x2e: {  	s3 =	simm.s32 @!p0 $0x1082;
	s9 =	sld [smem:$0x3FB5]  }
0x2f: {  	lr =	sadd.s32 s0, s3;
	s0 =	sld [smem:$0x3FAC]  }
0x30: {  	s3 =	sld [smem:$0x3FAF]  }
0x31: {  	[smem:$0x3FB8] =	sst s10  }
0x32: {  	s10 =	sld [smem:$0x3FB6];
	_ =	sdelay $0x3  }
0x33: {  	p0 =	seq.s32 s10, $0x1;
	s10 =	sld [smem:$0x3FB8];
	_ =	sdelay $0x3  }
0x34: {  	[smem:$0x3FB8] =	sst s10  }
0x35: {  	s10 =	sld [smem:$0x3FB7];
	_ =	sdelay $0x3  }
0x36: {  	p1 =	seq.s32 s10, $0x1;
	s10 =	sld [smem:$0x3FB8];
	_ =	sdelay $0x3  }
0x37: {  	[smem:$0x3FB8] =	sst s10  }
0x38: {  	s10 =	sld [smem:$0x3FB9]  }
0x39: {  	_ = 	snop;
	(pc) =	sbr.ind lr, $3  }
0x3a: {  	_ = 	snop  }
0x3b: {  	_ = 	snop  }
0x3c: {  	p2 =	seq.s32 s10, $0x1;
	s10 =	sld [smem:$0x3FB8]  }
0x3d: {  	_ =	shalt  }
0x3e: {  	_ =	shalt  }
0x3f: {  	_ =	shalt  }
0x40: {  	_ =	shalt  }
0x41: {  	_ =	shalt  }
0x42: {  	_ =	shalt  }
0x43: {  	_ =	shalt  }
0x44: {  	_ =	shalt  }
0x45: {  	_ =	shalt  }
0x46: {  	_ =	shalt  }
0x47: {  	_ =	shalt  }
0x48: {  	_ =	shalt  }
0x49: {  	_ =	shalt  }
0x4a: {  	_ =	shalt  }
0x4b: {  	_ =	shalt  }
0x4c: {  	_ =	shalt  }
0x4d: {  	_ =	shalt  }
0x4e: {  	_ =	shalt  }
0x4f: {  	_ =	shalt  }
0x50: {  	_ =	shalt  }
0x51: {  	_ =	shalt  }
0x52: {  	_ =	shalt  }
0x53: {  	_ =	shalt  }
0x54: {  	_ =	shalt  }
0x55: {  	_ =	shalt  }
0x56: {  	_ =	shalt  }
0x57: {  	_ =	shalt  }
0x58: {  	_ =	shalt  }
0x59: {  	_ =	shalt  }
0x5a: {  	_ =	shalt  }
0x5b: {  	_ =	shalt  }
0x5c: {  	_ =	shalt  }
0x5d: {  	_ =	shalt  }
0x5e: {  	_ =	shalt  }
0x5f: {  	_ =	shalt  }
0x60: {  	_ =	shalt  }
0x61: {  	_ =	shalt  }
0x62: {  	_ =	shalt  }
0x63: {  	_ =	shalt  }
0x64: {  	_ =	shalt  }
0x65: {  	_ =	shalt  }
0x66: {  	_ =	shalt  }
0x67: {  	_ =	shalt  }
0x68: {  	_ =	shalt  }
0x69: {  	_ =	shalt  }
0x6a: {  	_ =	shalt  }
0x6b: {  	_ =	shalt  }
0x6c: {  	_ =	shalt  }
0x6d: {  	_ =	shalt  }
0x6e: {  	_ =	shalt  }
0x6f: {  	_ =	shalt  }
0x70: {  	_ =	shalt  }
0x71: {  	_ =	shalt  }
0x72: {  	_ =	shalt  }
0x73: {  	_ =	shalt  }
0x74: {  	_ =	shalt  }
0x75: {  	_ =	shalt  }
0x76: {  	_ =	shalt  }
0x77: {  	_ =	shalt  }
0x78: {  	_ =	shalt  }
0x79: {  	_ =	shalt  }
0x7a: {  	_ =	shalt  }
0x7b: {  	_ =	shalt  }
0x7c: {  	_ =	shalt  }
0x7d: {  	_ =	shalt  }
0x7e: {  	_ =	shalt  }
0x7f: {  	_ =	shalt  }
0x80: {  	_ =	shalt  }
0x81: {  	_ =	shalt  }
0x82: {  	_ =	shalt  }
0x83: {  	_ =	shalt  }
0x84: {  	_ =	shalt  }
0x85: {  	_ =	shalt  }
0x86: {  	_ =	shalt  }
0x87: {  	_ =	shalt  }
.Lfunc_end0:
.L_simem_size_0:
called_computation.1_lowered:
.L_overlay_start_0:
0x88: {  	s2 =	sld [smem:$0x3FD9]  }
0x89: {  	s3 =	sld [smem:$0x3FFE];
	_ =	sdelay $0x1  }
0x8a: {  	s1 =	srdreg.scid  }
0x8b: {  	s0 =	sand.u32 $0x1, s1  }
0x8c: {  	s17 =	sshll.u32 s0, $0xA;
	s2 =	sadd.s32 s3, s2  }
0x8d: {  	s2 =	sadd.s32 s2, s17  }
0x8e: {  	[smem:$0x3FC4] =	sst s2  }
0x8f: {  	_ = 	snop  }
0x90: {  	s2 =	sld [smem:$0x3FD0];
	(tm) =	ssettm $0x1  }
0x91: {  	s18 =	sld [smem:$0x3FFB];
	_ =	sdelay $0x3  }
0x92: {  	_ =	strace s18  }
0x93: {  	s3 =	sld [smem:$0x3FFC];
	_ =	sdelay $0x3  }
0x94: {  	_ =	strace s3  }
0x95: {  	s3 =	sld [smem:$0x3FFD];
	_ =	sdelay $0x3  }
0x96: {  	_ =	strace s3  }
0x97: {  	_ =	strace $0x8FFFFFFF  }
0x98: {  	s19 =	sld [smem:$0x3FDB];
	_ =	sdelay $0x1  }
0x99: {  	s4 =	simm.s32 $_scs_section_size  }
0x9a: {  	s5 =	simm.s32 $_size__tile_overlayer_lowered;
	s6 =	simm.s32 $_tile_overlayer_lowered  }
0x9b: {  	s22 =	simm.s32 $0x1BFF;
	s21 =	sshll.u32 s6, $0x1;
	s3 =	sadd.s32 s4, s19  }
0x9c: {  	s7 =	simm.s32 $0x0;
	s20 =	sshll.u32 s5, $0x1;
	s5 =	sadd.s32 s21, s3  }
0x9d: {  	[timem:s7], [sflag:s22] =	dma.local [hbm:s5], s20  }
0x9e: {  	_ =	swait.ge [sflag:s22], s20  }
0x9f: {  	s4 =	ssub.s32 $0x0, s20;
	[sflag:s22] =	ssyncset.done $0x0  }
0xa0: {  	[sflag:s22] =	ssyncadd.s32 s4;
	_ =	sdelay $0x1  }
0xa1: {  	s23 =	simm.s32 $0x1B8B  }
0xa2: {  	_ =	swait.ge [sflag:s23], $0x1  }
0xa3: {  	[sflag:s23] =	ssyncset.done $0x0  }
0xa4: {  	s25 =	simm.s32 $0x1B8E;
	s24 =	sld [smem:$0x3FFE];
	[sflag:s23] =	ssyncadd.s32 $0xFFFFFFFF  }
0xa5: {  	s26 =	simm.s32 $execute0_lowered;
	[smem:$0x3FD2] =	sst s25  }
0xa6: {  	s5 =	sshll.u32 s26, $0x1;
	_ =	strace $0x80000049;
	[dreg:$0x1] =	wrdreg $0xFFFFFFFF  }
0xa7: {  	s28 =	simm.s32 $_size_execute0_lowered;
	s3 =	sadd.s32 s3, s5;
	[dreg:$0x0] =	wrdreg $0x0  }
0xa8: {  	s5 =	sshll.u32 s28, $0x1;
	[dreg:$0x2] =	wrdreg s3  }
0xa9: {  	[dreg:$0x3] =	wrdreg s5  }
0xaa: {  	[dreg:$0x4] =	wrdreg $0xC0  }
0xab: {  	_ =	task [dreg:s7], $0x5FFFF  }
0xac: {  	[dreg:$0x1] =	wrdreg $0xFFFFFFFF  }
0xad: {  	[dreg:$0x0] =	wrdreg $0x60  }
0xae: {  	[dreg:$0x2] =	wrdreg s24  }
0xaf: {  	[dreg:$0x3] =	wrdreg s2  }
0xb0: {  	[dreg:$0x4] =	wrdreg $0x9  }
0xb1: {  	_ =	task.clear_ibuf [dreg:s7], $0x5FFFF;
	_ =	strace $0x90000049  }
0xb2: {  	s29 =	simm.s32 $0x9;
	_ =	strace $0x8000004B  }
0xb3: {  	_ =	swait.ge [sflag:s29], $0x1  }
0xb4: {  	[sflag:s29] =	ssyncadd.s32 $0xFFFFFFFF  }
0xb5: {  	_ =	strace $0x9000004B  }
0xb6: {  	_ =	sfence  }
0xb7: {  	s30 =	sld [smem:$0x0];
	_ =	sdelay $0x2  }
0xb8: {  	s31 =	sshll.u32 s1, $0xD;
	s1 =	sshrl.u32 s1, $0x2  }
0xb9: {  	s3 =	sand.u32 $0x4000, s31;
	s1 =	sadd.s32 s1, s30  }
0xba: {  	s0 =	sor.u32 s3, s0;
	s1 =	sshll.u32 s1, $0x11  }
0xbb: {  	s0 =	sor.u32 s1, s0  }
0xbc: {  	s0 =	sadd.s32 $0x8F2B, s0  }
0xbd: {  	[sflag:s0] =	ssyncadd.remote.s32 $0x1  }
0xbe: {  	_ =	sfence.sel $0xFFFF  }
0xbf: {  	[dreg:$0x0] =	wrdreg $0xFFFFFFFF;
	(pc) =	sbr.abs _section_cstart, $3  }
0xc0: {  	[dreg:$0x1] =	wrdreg $0xFFFFFFFF  }
0xc1: {  	_ =	task.clear_ibuf [dreg:s7], $0x2FFFF;
	_ =	strace $0x9FFFFFFF  }
0xc2: {  	(tm) =	ssettm $0x7FFFFFFF  }
0xc3: {  	_ =	shalt  }
tec
execute0_lowered:
.L_overlay_start_1:
0x0: {  	(tag) =	ssettag $0x1  }
0x1: {  	s1 =	srdreg.scid  }
0x2: {  	s0 =	stileid.u32;
	s12 =	sand.u32 $0x1, s1  }
0x3: {  	s31 =	sshll.u32 s0, $0xA;
	s2 =	sshll.u32 s12, $0x9  }
0x4: {  	s5 =	rddreg [dreg:$0x0];
	s11 =	sor.u32 s2, s31  }
0x5: {  	s10 =	rddreg [dreg:$0x1];
	s2 =	simm.s32 $0x0;
	s3 =	sshrl.u32 s11, $0x3  }
0x6: {  	s4 =	simm.s32 $0x4;
	[smem:$0x7FF] =	sst s2;
	s3 =	sadd.s32 s3, s5  }
0x7: {  	s1 =	rddreg [dreg:$0x2];
	_ =	strace $0x8000004A;
	s3 =	sadd.s32 $0x1000, s3  }
0x8: {  	[tilespmem:s2], [sflag:$0x4] =	stream.linear.gather [hbm4b:s3+s2], $0x200, $0x38;
	[tilespmem:$0x10200] =	vst v63  }
0x9: {  	_ =	swait.ge [sflag:s4], $0x200  }
0xa: {  	s6 =	simm.s32 $0x100;
	[sflag:s4] =	ssyncset.done $0x0  }
0xb: {  	s7 =	simm.s32 $0x200;
	s5 =	sadd.s32 $0x1800, s5;
	[sflag:s4] =	ssyncadd.s32 $0xFFFFFE00  }
0xc: {  	[tilespmem:s7], [sflag:$0x1] =	stream.indirect.gather [hbm4b:s5+s6], $0x80, s2, s6, $0xb8;
	[tilespmem:$0x10200] =	vst v63  }
0xd: {  	s8 =	simm.s32 $0x8200;
	s9 =	simm.s32 $0x1  }
0xe: {  	[tilespmem:s8], [sflag:$0x2] =	stream.indirect.gather [hbm4b:s5+s6], $0x80, s6, s6, $0xb8;
	[tilespmem:$0x10200] =	vst v63  }
0xf: {  	s14 =	ssub.s32 $0x2, s12;
	_ =	swait.ge [sflag:s9], $0x8000  }
0x10: {  	s15 =	sshrl.u32 s14, $0x1;
	s11 =	sshll.u32 s11, $0x4;
	[sflag:s9] =	ssyncset.done $0x0  }
0x11: {  	s10 =	sadd.s32 s10, s11;
	s11 =	simm.s32 $0x2;
	[sflag:s9] =	ssyncadd.s32 $0xFFFF8000  }
0x12: {  	[hbm4b:s10+s2] =	stream.linear.scatter [tilespmem:s7], [sflag:$0x3], $0x8000, $0x38;
	[tilespmem:$0x10200] =	vst v63  }
0x13: {  	s14 =	ssub.s32 s14, s15;
	_ =	swait.ge [sflag:s11], $0x8000  }
0x14: {  	s12 =	simm.s32 $0x3;
	s14 =	smax.u32 s14, $0x1;
	[sflag:s11] =	ssyncset.done $0x0  }
0x15: {  	s13 =	sadd.s32 $0x1000, s10;
	p0 =	sne.s32 s14, $0x1;
	[sflag:s11] =	ssyncadd.s32 $0xFFFF8000  }
0x16: {  	[hbm4b:s13+s2] =	stream.linear.scatter [tilespmem:s8], [sflag:$0x3], $0x8000, $0x38;
	[tilespmem:$0x10200] =	vst v63  }
.Ltmp0:
0x17: {  	_ =	swait.ge [sflag:s12], $0x8000;
	(pc) =	sbr.rel @!p0 .LBB2_2-.Ltmp0, $4  }
0x18: {  	[sflag:s12] =	ssyncset.done $0x0  }
0x19: {  	[sflag:s12] =	ssyncadd.s32 $0xFFFF8000  }
0x1a: {  	_ =	swait.ge [sflag:s12], $0x8000  }
0x1b: {  	s14 =	sadd.s32 $0xFFFFFFFF, s14;
	[sflag:s12] =	ssyncset.done $0x0  }
.LBB2_1:
0x1c: {  	p0 =	sne.s32 s14, $0x1;
	s14 =	sadd.s32 $0xFFFFFFFF, s14;
	[sflag:s12] =	ssyncadd.s32 $0xFFFF8000  }
0x1d: {  	[tilespmem:s2], [sflag:$0x4] =	stream.linear.gather [hbm4b:s3+s2], $0x200, $0x38;
	[tilespmem:$0x10200] =	vst v63  }
0x1e: {  	_ =	swait.ge [sflag:s4], $0x200  }
0x1f: {  	[sflag:s4] =	ssyncset.done $0x0  }
0x20: {  	[sflag:s4] =	ssyncadd.s32 $0xFFFFFE00  }
0x21: {  	[tilespmem:s7], [sflag:$0x1] =	stream.indirect.gather [hbm4b:s5+s6], $0x80, s2, s6, $0xb8;
	[tilespmem:$0x10200] =	vst v63  }
0x22: {  	_ = 	snop  }
0x23: {  	[tilespmem:s8], [sflag:$0x2] =	stream.indirect.gather [hbm4b:s5+s6], $0x80, s6, s6, $0xb8;
	[tilespmem:$0x10200] =	vst v63  }
0x24: {  	_ =	swait.ge [sflag:s9], $0x8000  }
0x25: {  	[sflag:s9] =	ssyncset.done $0x0  }
0x26: {  	[sflag:s9] =	ssyncadd.s32 $0xFFFF8000  }
0x27: {  	[hbm4b:s10+s2] =	stream.linear.scatter [tilespmem:s7], [sflag:$0x3], $0x8000, $0x38;
	[tilespmem:$0x10200] =	vst v63  }
0x28: {  	_ =	swait.ge [sflag:s11], $0x8000  }
0x29: {  	[sflag:s11] =	ssyncset.done $0x0  }
0x2a: {  	[sflag:s11] =	ssyncadd.s32 $0xFFFF8000  }
0x2b: {  	[hbm4b:s13+s2] =	stream.linear.scatter [tilespmem:s8], [sflag:$0x3], $0x8000, $0x38;
	[tilespmem:$0x10200] =	vst v63  }
.Ltmp1:
0x2c: {  	_ =	swait.ge [sflag:s12], $0x8000;
	(pc) =	sbr.rel @p0 .LBB2_1-.Ltmp1, $4  }
0x2d: {  	[sflag:s12] =	ssyncset.done $0x0  }
0x2e: {  	[sflag:s12] =	ssyncadd.s32 $0xFFFF8000  }
0x2f: {  	_ =	swait.ge [sflag:s12], $0x8000  }
0x30: {  	[sflag:s12] =	ssyncset.done $0x0  }
.LBB2_2:
0x31: {  	[sflag:s12] =	ssyncadd.s32 $0xFFFF8000  }
0x32: {  	_ =	sfence.sel $0x180000  }
0x33: {  	[bflag:$0x0] =	sbarrier.arrive $0xFFFF  }
0x34: {  	p0 =	sne.s32 s0, $0x0;
	_ =	strace $0x9000004A  }
0x35: {  	s0 =	sadd.s32 @!p0 $0x100000, s1;
	[bflag:$0x2] =	sbarrier.arrive $0xFFFF  }
0x36: {  	[sflag:s0] =	ssyncadd.tile.s32 @!p0 $0x1;
	_ =	shalt  }
.Lfunc_end2:
_tile_overlayer_lowered:
.L_overlay_start_2:
0x37: {  	(tag) =	ssettag $0x2  }
0x38: {  	s0 =	rddreg [dreg:$0x0];
	s2 =	stileid.u32  }
0x39: {  	s1 =	rddreg [dreg:$0x1];
	p0 =	sne.s32 s2, $0x0  }
0x3a: {  	s3 =	rddreg [dreg:$0x2];
	[bflag:$0x3] =	sbarrier.arrive $0xFFFF;
	s2 =	simm.s32 @!p0 $0x1C04  }
0x3b: {  	[timem:s3], [sflag:s2] =	dma.local @!p0 [hbm:s0], s1  }
0x3c: {  	s0 =	simm.s32 @!p0 $0x4  }
0x3d: {  	_ =	swait.ge @!p0 [sflag:s0], s1  }
0x3e: {  	s1 =	ssub.s32 @!p0 $0x0, s1;
	[sflag:s0] =	ssyncset.done @!p0 $0x0  }
0x3f: {  	[sflag:s0] =	ssyncadd.s32 @!p0 s1  }
0x40: {  	[bflag:$0x3] =	sbarrier.arrive $0xFFFF  }
0x41: {  	_ =	shalt  }

</sc_bundles>
